<compile_context>
chip_gen: v7x
topology: tpu7x:2x2x1
jax: 0.10.2.dev20260603
libtpu: 0.0.44.dev20260713+nightly
codegen_flags: <defaults>
</compile_context>

<pallas_src>
import jax
import jax.numpy as jnp
from jax import lax
from jax.experimental import pallas as pl
from jax.experimental.pallas import tpu as pltpu
from jax.experimental.pallas import tpu_sc as plsc

_N = 10000
_E = 320000
_D = 128

_NC = 2
_NS = 16
_NW = _NC * _NS
_EW = _E // _NW
_CH = 64
_ITERS = _EW // _CH
_TCH = _EW - _ITERS * _CH
_STRIPE = 624
_TAIL = _N - _NS * _STRIPE
_TAIL_OFF = _NS * _STRIPE


def _sc_scatter_body(send_ref, recv_ref, x_ref, zeros_ref, out_ref,
                     idx0, idx1, idx2, idx3, idx4, idx5, idx6, idx7, idxt,
                     rows0, rows1, rows2, rows3, rowst, agg_sh,
                     si0, si1, si2, si3, si4, si5, si6, si7,
                     sg0, sg1, sg2, sg3, sgt):
    c = lax.axis_index("c")
    s = lax.axis_index("s")
    idxs = (idx0, idx1, idx2, idx3, idx4, idx5, idx6, idx7)
    sis = (si0, si1, si2, si3, si4, si5, si6, si7)
    rows = (rows0, rows1, rows2, rows3)
    sgs = (sg0, sg1, sg2, sg3)

    stripe = pl.ds(s * _STRIPE, _STRIPE)
    tail = pl.ds(_TAIL_OFF, _TAIL)
    pltpu.sync_copy(zeros_ref.at[stripe], agg_sh.at[stripe])

    @pl.when(s == _NS - 1)
    def _zero_tail():
        pltpu.sync_copy(zeros_ref.at[tail], agg_sh.at[tail])

    plsc.subcore_barrier()

    base = (c * _NS + s) * _EW

    def fire_idx(i, t):
        off = pl.multiple_of(base + i * _CH, 8)
        pltpu.async_copy(send_ref.at[pl.ds(off, _CH)], idxs[t].at[0], sis[t])
        pltpu.async_copy(recv_ref.at[pl.ds(off, _CH)], idxs[t].at[1], sis[t])

    def wait_idx(t):
        pltpu.make_async_copy(send_ref.at[pl.ds(0, _CH)], idxs[t].at[0], sis[t]).wait()
        pltpu.make_async_copy(send_ref.at[pl.ds(0, _CH)], idxs[t].at[1], sis[t]).wait()

    def fire_gather(t, rt):
        pltpu.async_copy(x_ref.at[idxs[t].at[0]], rows[rt], sgs[rt])

    def wait_gather(rt):
        pltpu.make_async_copy(x_ref.at[pl.ds(0, _CH)], rows[rt], sgs[rt]).wait()

    def scatter(rows_buf, idx_row):
        pltpu.sync_copy(rows_buf, agg_sh.at[idx_row], add=True)

    toff = pl.multiple_of(base + _ITERS * _CH, 8)
    pltpu.async_copy(send_ref.at[pl.ds(toff, _TCH)], idxt.at[0], sgt)
    pltpu.async_copy(recv_ref.at[pl.ds(toff, _TCH)], idxt.at[1], sgt)
    pltpu.make_async_copy(send_ref.at[pl.ds(0, _TCH)], idxt.at[0], sgt).wait()
    pltpu.make_async_copy(send_ref.at[pl.ds(0, _TCH)], idxt.at[1], sgt).wait()
    pltpu.async_copy(x_ref.at[idxt.at[0]], rowst, sgt)

    for j in range(8):
        fire_idx(j, j)
    for j in range(4):
        wait_idx(j)
        fire_gather(j, j)

    def body(k, carry):
        i_base = k * 8
        for t in range(8):
            i = i_base + t
            rt = t % 4
            wait_gather(rt)
            scatter(rows[rt], idxs[t].at[1])

            @pl.when(i + 8 < _ITERS)
            def _refill(i=i, t=t):
                fire_idx(i + 8, t)

            @pl.when(i + 4 < _ITERS)
            def _next_gather(t=t, rt=rt):
                wait_idx((t + 4) % 8)
                fire_gather((t + 4) % 8, rt)
        return carry

    lax.fori_loop(0, _ITERS // 8, body, 0)
    for i in range(_ITERS - _ITERS % 8, _ITERS):
        wait_gather(i % 4)
        scatter(rows[i % 4], idxs[i % 8].at[1])
    pltpu.make_async_copy(x_ref.at[pl.ds(0, _TCH)], rowst, sgt).wait()
    scatter(rowst, idxt.at[1])

    plsc.subcore_barrier()
    pltpu.sync_copy(agg_sh.at[stripe], out_ref.at[c, stripe])

    @pl.when(s == _NS - 1)
    def _drain_tail():
        pltpu.sync_copy(agg_sh.at[tail], out_ref.at[c, tail])


def _sc_partials(senders, receivers, x, zeros):
    mesh = plsc.VectorSubcoreMesh(core_axis_name="c", subcore_axis_name="s")
    return pl.kernel(
        _sc_scatter_body,
        out_type=jax.ShapeDtypeStruct((_NC, _N, _D), jnp.float32),
        mesh=mesh,
        scratch_types=(
            [pltpu.VMEM((2, _CH), jnp.int32)] * 8
            + [pltpu.VMEM((2, _TCH), jnp.int32)]
            + [pltpu.VMEM((_CH, _D), jnp.float32)] * 4
            + [pltpu.VMEM((_TCH, _D), jnp.float32)]
            + [pltpu.VMEM_SHARED((_N, _D), jnp.float32)]
            + [pltpu.SemaphoreType.DMA] * 13
        ),
    )(senders, receivers, x, zeros)


def _tc_mlp_body(x_ref, p_ref, w1a_ref, w1b_ref, b1_ref, w2_ref, b2_ref,
                 w3_ref, b3_ref, w4_ref, b4_ref, g_ref, bt_ref, o_ref):
    xb = x_ref[...]
    agg = p_ref[0] + p_ref[1]
    h = jnp.dot(xb, w1a_ref[...], preferred_element_type=jnp.float32)
    h += jnp.dot(agg, w1b_ref[...], preferred_element_type=jnp.float32)
    h = jnp.maximum(h + b1_ref[...], 0.0)
    h = jnp.maximum(
        jnp.dot(h, w2_ref[...], preferred_element_type=jnp.float32) + b2_ref[...], 0.0)
    h = jnp.maximum(
        jnp.dot(h, w3_ref[...], preferred_element_type=jnp.float32) + b3_ref[...], 0.0)
    h = jnp.dot(h, w4_ref[...], preferred_element_type=jnp.float32) + b4_ref[...]
    mean = jnp.mean(h, axis=-1, keepdims=True)
    var = jnp.mean((h - mean) ** 2, axis=-1, keepdims=True)
    o_ref[...] = (h - mean) * lax.rsqrt(var + 1e-5) * g_ref[...] + bt_ref[...]


_BN = 2000
_GRID = _N // _BN


def _tc_mlp(x, partials, w1a, w1b, b1, w2, b2, w3, b3, w4, b4, gamma, beta):
    full = lambda a: pl.BlockSpec(a.shape, lambda i: (0,) * a.ndim)
    return pl.pallas_call(
        _tc_mlp_body,
        grid=(_GRID,),
        in_specs=[
            pl.BlockSpec((_BN, _D), lambda i: (i, 0)),
            pl.BlockSpec((_NC, _BN, _D), lambda i: (0, i, 0)),
            full(w1a), full(w1b), full(b1), full(w2), full(b2),
            full(w3), full(b3), full(w4), full(b4), full(gamma), full(beta),
        ],
        out_specs=pl.BlockSpec((_BN, _D), lambda i: (i, 0)),
        out_shape=jax.ShapeDtypeStruct((_N, _D), jnp.float32),
    )(x, partials, w1a, w1b, b1, w2, b2, w3, b3, w4, b4, gamma, beta)


def kernel(x, edge_index, W1, b1, W2, b2, W3, b3, W4, b4, gamma, beta):
    ei = edge_index.astype(jnp.int32)
    zeros = jnp.zeros((_N, _D), jnp.float32)
    partials = _sc_partials(ei[0], ei[1], x, zeros)
    d = _D
    return _tc_mlp(
        x, partials,
        W1[:d], W1[d:], b1.reshape(1, d),
        W2, b2.reshape(1, d), W3, b3.reshape(1, d), W4, b4.reshape(1, d),
        gamma.reshape(1, d), beta.reshape(1, d),
    )

# --- scband reference (transcript-rebuilt; emitter-appended) ---
"""Pipeline reference for scband-message-passing-63574105915537 (READ-ONLY COPY).

The authoritative reference and input builder live on the scoring server;
editing this copy changes nothing except your own understanding.
"""

import jax, jax.numpy as jnp
import numpy as np

N = 10000
E = 320000
D = 128


def setup_inputs(seed: int = 0) -> dict:
    key = jax.random.key(seed)
    ks = jax.random.split(key, 16)
    x = jax.random.normal(ks[0], (N, D), dtype=jnp.float32)
    edge_index = jax.random.randint(ks[1], (2, E), 0, N, dtype=jnp.int64)
    s = 0.05
    # node_updater MLP: Linear(2D->D), ReLU, Linear(D->D), ReLU, Linear(D->D), ReLU, Linear(D->D), then LayerNorm(D)
    W1 = jax.random.normal(ks[2], (2 * D, D), dtype=jnp.float32) * s
    b1 = jnp.zeros((D,), dtype=jnp.float32)
    W2 = jax.random.normal(ks[3], (D, D), dtype=jnp.float32) * s
    b2 = jnp.zeros((D,), dtype=jnp.float32)
    W3 = jax.random.normal(ks[4], (D, D), dtype=jnp.float32) * s
    b3 = jnp.zeros((D,), dtype=jnp.float32)
    W4 = jax.random.normal(ks[5], (D, D), dtype=jnp.float32) * s
    b4 = jnp.zeros((D,), dtype=jnp.float32)
    gamma = jnp.ones((D,), dtype=jnp.float32)
    beta = jnp.zeros((D,), dtype=jnp.float32)
    return {"x": x, "edge_index": edge_index, "W1": W1, "b1": b1, "W2": W2, "b2": b2, "W3": W3, "b3": b3, "W4": W4, "b4": b4, "gamma": gamma, "beta": beta}


def _layer_norm(h, gamma, beta, eps=1e-5):
    mean = jnp.mean(h, axis=-1, keepdims=True)
    var = jnp.var(h, axis=-1, keepdims=True)
    return (h - mean) / jnp.sqrt(var + eps) * gamma + beta


def reference(x, edge_index, W1, b1, W2, b2, W3, b3, W4, b4, gamma, beta):
    senders = edge_index[0]
    receivers = edge_index[1]
    # scatter_add(node_attr[senders], receivers, dim=0, dim_size=num_nodes)
    agg_received_edges = jax.ops.segment_sum(jnp.take(x, senders, axis=0), receivers, num_segments=x.shape[0])
    collected_nodes = jnp.concatenate([x, agg_received_edges], axis=-1)
    h = jax.nn.relu(collected_nodes @ W1 + b1)
    h = jax.nn.relu(h @ W2 + b2)
    h = jax.nn.relu(h @ W3 + b3)
    h = h @ W4 + b4
    x_updated = _layer_norm(h, gamma, beta)
    return x_updated

if __name__ == "__main__":
    import jax
    _d = setup_inputs()
    print(jax.jit(kernel)(*tuple(_d.values())))

</pallas_src>

<mosaic_0001>
#map = affine_map<(d0, d1) -> (0)>
#map1 = affine_map<(d0, d1) -> (0, 0)>
#map2 = affine_map<(d0, d1) -> (0, 0, 0)>
module attributes {stable_mosaic.version = 14 : i64} {
  func.func @_sc_scatter_body(%arg0: i32, %arg1: i32, %arg2: memref<320000xi32, #tpu.memory_space<hbm>>, %arg3: memref<320000xi32, #tpu.memory_space<hbm>>, %arg4: memref<10000x128xf32, #tpu.memory_space<hbm>>, %arg5: memref<10000x128xf32, #tpu.memory_space<hbm>>, %arg6: memref<2x10000x128xf32, #tpu.memory_space<hbm>>, %arg7: memref<2x64xi32, #tpu.memory_space<vmem>>, %arg8: memref<2x64xi32, #tpu.memory_space<vmem>>, %arg9: memref<2x64xi32, #tpu.memory_space<vmem>>, %arg10: memref<2x64xi32, #tpu.memory_space<vmem>>, %arg11: memref<2x64xi32, #tpu.memory_space<vmem>>, %arg12: memref<2x64xi32, #tpu.memory_space<vmem>>, %arg13: memref<2x64xi32, #tpu.memory_space<vmem>>, %arg14: memref<2x64xi32, #tpu.memory_space<vmem>>, %arg15: memref<2x16xi32, #tpu.memory_space<vmem>>, %arg16: memref<64x128xf32, #tpu.memory_space<vmem>>, %arg17: memref<64x128xf32, #tpu.memory_space<vmem>>, %arg18: memref<64x128xf32, #tpu.memory_space<vmem>>, %arg19: memref<64x128xf32, #tpu.memory_space<vmem>>, %arg20: memref<16x128xf32, #tpu.memory_space<vmem>>, %arg21: memref<10000x128xf32, #tpu.memory_space<vmem_shared>>, %arg22: memref<!tpu.dma_semaphore, #tpu.memory_space<semaphore_mem>>, %arg23: memref<!tpu.dma_semaphore, #tpu.memory_space<semaphore_mem>>, %arg24: memref<!tpu.dma_semaphore, #tpu.memory_space<semaphore_mem>>, %arg25: memref<!tpu.dma_semaphore, #tpu.memory_space<semaphore_mem>>, %arg26: memref<!tpu.dma_semaphore, #tpu.memory_space<semaphore_mem>>, %arg27: memref<!tpu.dma_semaphore, #tpu.memory_space<semaphore_mem>>, %arg28: memref<!tpu.dma_semaphore, #tpu.memory_space<semaphore_mem>>, %arg29: memref<!tpu.dma_semaphore, #tpu.memory_space<semaphore_mem>>, %arg30: memref<!tpu.dma_semaphore, #tpu.memory_space<semaphore_mem>>, %arg31: memref<!tpu.dma_semaphore, #tpu.memory_space<semaphore_mem>>, %arg32: memref<!tpu.dma_semaphore, #tpu.memory_space<semaphore_mem>>, %arg33: memref<!tpu.dma_semaphore, #tpu.memory_space<semaphore_mem>>, %arg34: memref<!tpu.dma_semaphore, #tpu.memory_space<semaphore_mem>>) attributes {dimension_semantics = [#tpu.dimension_semantics<core_parallel>, #tpu.dimension_semantics<subcore_parallel>], iteration_bounds = array<i64: 2, 16>, scalar_prefetch = 0 : i64, scratch_operands = 28 : i64, tpu.core_type = #tpu.core_type<sc_vector_subcore>, window_params = [{transform_indices = #map}, {transform_indices = #map}, {transform_indices = #map1}, {transform_indices = #map1}, {transform_indices = #map2}]} {
    %mul3A = arith.constant 624 : i32
    %mul3A_0 = arith.muli %arg1, %mul3A : i32
    "tpu.region"() ({
      %run_scoped3A_383 = tpu.sem_alloc : memref<!tpu.dma_semaphore, #tpu.memory_space<semaphore_mem>>
      %dma_start3A_384 = arith.constant 0 : i32
      %dma_start3A_385 = tpu.memref_slice %arg21[%mul3A_0, %dma_start3A_384] : memref<10000x128xf32, #tpu.memory_space<vmem_shared>> -> memref<624x128xf32, #tpu.memory_space<vmem_shared>>
      %dma_start3A_386 = arith.constant 0 : i32
      %dma_start3A_387 = tpu.memref_slice %arg5[%mul3A_0, %dma_start3A_386] : memref<10000x128xf32, #tpu.memory_space<hbm>> -> memref<624x128xf32, #tpu.memory_space<hbm>>
      tpu.enqueue_dma source(%dma_start3A_387 : memref<624x128xf32, #tpu.memory_space<hbm>>) target(%dma_start3A_385 : memref<624x128xf32, #tpu.memory_space<vmem_shared>>) target_semaphore(%run_scoped3A_383 : memref<!tpu.dma_semaphore, #tpu.memory_space<semaphore_mem>>)
      %dma_wait3A_388 = arith.constant 0 : i32
      %dma_wait3A_389 = tpu.memref_slice %arg21[%mul3A_0, %dma_wait3A_388] : memref<10000x128xf32, #tpu.memory_space<vmem_shared>> -> memref<624x128xf32, #tpu.memory_space<vmem_shared>>
      %dma_wait3A_390 = arith.constant 0 : i32
      %dma_wait3A_391 = tpu.memref_slice %arg5[%mul3A_0, %dma_wait3A_390] : memref<10000x128xf32, #tpu.memory_space<hbm>> -> memref<624x128xf32, #tpu.memory_space<hbm>>
      tpu.wait_dma2 semaphore(%run_scoped3A_383 : memref<!tpu.dma_semaphore, #tpu.memory_space<semaphore_mem>>) src(%dma_wait3A_391 : memref<624x128xf32, #tpu.memory_space<hbm>>) dst(%dma_wait3A_389 : memref<624x128xf32, #tpu.memory_space<vmem_shared>>)
      tpu.yield
    }) : () -> ()
    %eq3A = arith.constant 15 : i32
    %eq3A_1 = arith.cmpi eq, %arg1, %eq3A : i32
    %convert_element_type3A = arith.extui %eq3A_1 : i1 to i32
    %cond3A = arith.constant 0 : i32
    %cond3A_2 = arith.cmpi ne, %convert_element_type3A, %cond3A : i32
    scf.if %cond3A_2 {
      "tpu.region"() ({
        %run_scoped3A_383 = tpu.sem_alloc : memref<!tpu.dma_semaphore, #tpu.memory_space<semaphore_mem>>
        %dma_start3A_384 = arith.constant 9984 : i32
        %dma_start3A_385 = arith.constant 0 : i32
        %dma_start3A_386 = tpu.memref_slice %arg21[%dma_start3A_384, %dma_start3A_385] : memref<10000x128xf32, #tpu.memory_space<vmem_shared>> -> memref<16x128xf32, #tpu.memory_space<vmem_shared>>
        %dma_start3A_387 = arith.constant 9984 : i32
        %dma_start3A_388 = arith.constant 0 : i32
        %dma_start3A_389 = tpu.memref_slice %arg5[%dma_start3A_387, %dma_start3A_388] : memref<10000x128xf32, #tpu.memory_space<hbm>> -> memref<16x128xf32, #tpu.memory_space<hbm>>
        tpu.enqueue_dma source(%dma_start3A_389 : memref<16x128xf32, #tpu.memory_space<hbm>>) target(%dma_start3A_386 : memref<16x128xf32, #tpu.memory_space<vmem_shared>>) target_semaphore(%run_scoped3A_383 : memref<!tpu.dma_semaphore, #tpu.memory_space<semaphore_mem>>)
        %dma_wait3A_390 = arith.constant 9984 : i32
        %dma_wait3A_391 = arith.constant 0 : i32
        %dma_wait3A_392 = tpu.memref_slice %arg21[%dma_wait3A_390, %dma_wait3A_391] : memref<10000x128xf32, #tpu.memory_space<vmem_shared>> -> memref<16x128xf32, #tpu.memory_space<vmem_shared>>
        %dma_wait3A_393 = arith.constant 9984 : i32
        %dma_wait3A_394 = arith.constant 0 : i32
        %dma_wait3A_395 = tpu.memref_slice %arg5[%dma_wait3A_393, %dma_wait3A_394] : memref<10000x128xf32, #tpu.memory_space<hbm>> -> memref<16x128xf32, #tpu.memory_space<hbm>>
        tpu.wait_dma2 semaphore(%run_scoped3A_383 : memref<!tpu.dma_semaphore, #tpu.memory_space<semaphore_mem>>) src(%dma_wait3A_395 : memref<16x128xf32, #tpu.memory_space<hbm>>) dst(%dma_wait3A_392 : memref<16x128xf32, #tpu.memory_space<vmem_shared>>)
        tpu.yield
      }) : () -> ()
    } else {
    }
    %barrier3A = arith.constant 0 : index
    tpu.barrier barrier_id(%barrier3A)
    %mul3A_3 = arith.constant 16 : i32
    %mul3A_4 = arith.muli %arg0, %mul3A_3 : i32
    %add3A = arith.addi %mul3A_4, %arg1 : i32
    %mul3A_5 = arith.constant 10000 : i32
    %mul3A_6 = arith.muli %add3A, %mul3A_5 : i32
    %add3A_7 = arith.constant 9984 : i32
    %add3A_8 = arith.addi %mul3A_6, %add3A_7 : i32
    %multiple_of3A = tpu.assume_multiple %add3A_8, 8 : i32
    %dma_start3A = arith.constant 0 : i32
    %dma_start3A_9 = arith.constant 0 : i32
    %dma_start3A_10 = tpu.memref_slice %arg15[%dma_start3A, %dma_start3A_9] : memref<2x16xi32, #tpu.memory_space<vmem>> -> memref<1x16xi32, #tpu.memory_space<vmem>>
    %dma_start3A_11 = tpu.memref_squeeze %dma_start3A_10 : memref<1x16xi32, #tpu.memory_space<vmem>> -> memref<16xi32, #tpu.memory_space<vmem>>
    %dma_start3A_12 = tpu.memref_slice %arg2[%multiple_of3A] : memref<320000xi32, #tpu.memory_space<hbm>> -> memref<16xi32, #tpu.memory_space<hbm>>
    %dma_start3A_13 = arith.constant 0 : i32
    %dma_start3A_14 = tpu.memref_slice %arg15[%dma_start3A, %dma_start3A_13] : memref<2x16xi32, #tpu.memory_space<vmem>> -> memref<1x16xi32, #tpu.memory_space<vmem>>
    %dma_start3A_15 = tpu.memref_squeeze %dma_start3A_14 : memref<1x16xi32, #tpu.memory_space<vmem>> -> memref<16xi32, #tpu.memory_space<vmem>>
    %dma_start3A_16 = tpu.memref_slice %arg2[%multiple_of3A] : memref<320000xi32, #tpu.memory_space<hbm>> -> memref<16xi32, #tpu.memory_space<hbm>>
    tpu.enqueue_dma source(%dma_start3A_16 : memref<16xi32, #tpu.memory_space<hbm>>) target(%dma_start3A_15 : memref<16xi32, #tpu.memory_space<vmem>>) target_semaphore(%arg34 : memref<!tpu.dma_semaphore, #tpu.memory_space<semaphore_mem>>)
    %dma_start3A_17 = arith.constant 1 : i32
    %dma_start3A_18 = arith.constant 0 : i32
    %dma_start3A_19 = tpu.memref_slice %arg15[%dma_start3A_17, %dma_start3A_18] : memref<2x16xi32, #tpu.memory_space<vmem>> -> memref<1x16xi32, #tpu.memory_space<vmem>>
    %dma_start3A_20 = tpu.memref_squeeze %dma_start3A_19 : memref<1x16xi32, #tpu.memory_space<vmem>> -> memref<16xi32, #tpu.memory_space<vmem>>
    %dma_start3A_21 = tpu.memref_slice %arg3[%multiple_of3A] : memref<320000xi32, #tpu.memory_space<hbm>> -> memref<16xi32, #tpu.memory_space<hbm>>
    %dma_start3A_22 = arith.constant 0 : i32
    %dma_start3A_23 = tpu.memref_slice %arg15[%dma_start3A_17, %dma_start3A_22] : memref<2x16xi32, #tpu.memory_space<vmem>> -> memref<1x16xi32, #tpu.memory_space<vmem>>
    %dma_start3A_24 = tpu.memref_squeeze %dma_start3A_23 : memref<1x16xi32, #tpu.memory_space<vmem>> -> memref<16xi32, #tpu.memory_space<vmem>>
    %dma_start3A_25 = tpu.memref_slice %arg3[%multiple_of3A] : memref<320000xi32, #tpu.memory_space<hbm>> -> memref<16xi32, #tpu.memory_space<hbm>>
    tpu.enqueue_dma source(%dma_start3A_25 : memref<16xi32, #tpu.memory_space<hbm>>) target(%dma_start3A_24 : memref<16xi32, #tpu.memory_space<vmem>>) target_semaphore(%arg34 : memref<!tpu.dma_semaphore, #tpu.memory_space<semaphore_mem>>)
    %dma_wait3A = arith.constant 0 : i32
    %dma_wait3A_26 = arith.constant 0 : i32
    %dma_wait3A_27 = tpu.memref_slice %arg15[%dma_wait3A, %dma_wait3A_26] : memref<2x16xi32, #tpu.memory_space<vmem>> -> memref<1x16xi32, #tpu.memory_space<vmem>>
    %dma_wait3A_28 = tpu.memref_squeeze %dma_wait3A_27 : memref<1x16xi32, #tpu.memory_space<vmem>> -> memref<16xi32, #tpu.memory_space<vmem>>
    %dma_wait3A_29 = arith.constant 0 : i32
    %dma_wait3A_30 = tpu.memref_slice %arg2[%dma_wait3A_29] : memref<320000xi32, #tpu.memory_space<hbm>> -> memref<16xi32, #tpu.memory_space<hbm>>
    %dma_wait3A_31 = arith.constant 0 : i32
    %dma_wait3A_32 = tpu.memref_slice %arg15[%dma_wait3A, %dma_wait3A_31] : memref<2x16xi32, #tpu.memory_space<vmem>> -> memref<1x16xi32, #tpu.memory_space<vmem>>
    %dma_wait3A_33 = tpu.memref_squeeze %dma_wait3A_32 : memref<1x16xi32, #tpu.memory_space<vmem>> -> memref<16xi32, #tpu.memory_space<vmem>>
    %dma_wait3A_34 = arith.constant 0 : i32
    %dma_wait3A_35 = tpu.memref_slice %arg2[%dma_wait3A_34] : memref<320000xi32, #tpu.memory_space<hbm>> -> memref<16xi32, #tpu.memory_space<hbm>>
    tpu.wait_dma2 semaphore(%arg34 : memref<!tpu.dma_semaphore, #tpu.memory_space<semaphore_mem>>) src(%dma_wait3A_35 : memref<16xi32, #tpu.memory_space<hbm>>) dst(%dma_wait3A_33 : memref<16xi32, #tpu.memory_space<vmem>>)
    %dma_wait3A_36 = arith.constant 1 : i32
    %dma_wait3A_37 = arith.constant 0 : i32
    %dma_wait3A_38 = tpu.memref_slice %arg15[%dma_wait3A_36, %dma_wait3A_37] : memref<2x16xi32, #tpu.memory_space<vmem>> -> memref<1x16xi32, #tpu.memory_space<vmem>>
    %dma_wait3A_39 = tpu.memref_squeeze %dma_wait3A_38 : memref<1x16xi32, #tpu.memory_space<vmem>> -> memref<16xi32, #tpu.memory_space<vmem>>
    %dma_wait3A_40 = arith.constant 0 : i32
    %dma_wait3A_41 = tpu.memref_slice %arg2[%dma_wait3A_40] : memref<320000xi32, #tpu.memory_space<hbm>> -> memref<16xi32, #tpu.memory_space<hbm>>
    %dma_wait3A_42 = arith.constant 0 : i32
    %dma_wait3A_43 = tpu.memref_slice %arg15[%dma_wait3A_36, %dma_wait3A_42] : memref<2x16xi32, #tpu.memory_space<vmem>> -> memref<1x16xi32, #tpu.memory_space<vmem>>
    %dma_wait3A_44 = tpu.memref_squeeze %dma_wait3A_43 : memref<1x16xi32, #tpu.memory_space<vmem>> -> memref<16xi32, #tpu.memory_space<vmem>>
    %dma_wait3A_45 = arith.constant 0 : i32
    %dma_wait3A_46 = tpu.memref_slice %arg2[%dma_wait3A_45] : memref<320000xi32, #tpu.memory_space<hbm>> -> memref<16xi32, #tpu.memory_space<hbm>>
    tpu.wait_dma2 semaphore(%arg34 : memref<!tpu.dma_semaphore, #tpu.memory_space<semaphore_mem>>) src(%dma_wait3A_46 : memref<16xi32, #tpu.memory_space<hbm>>) dst(%dma_wait3A_44 : memref<16xi32, #tpu.memory_space<vmem>>)
    %dma_start3A_47 = arith.constant 0 : i32
    %dma_start3A_48 = arith.constant 0 : i32
    %dma_start3A_49 = tpu.memref_slice %arg15[%dma_start3A_47, %dma_start3A_48] : memref<2x16xi32, #tpu.memory_space<vmem>> -> memref<1x16xi32, #tpu.memory_space<vmem>>
    %dma_start3A_50 = tpu.memref_squeeze %dma_start3A_49 : memref<1x16xi32, #tpu.memory_space<vmem>> -> memref<16xi32, #tpu.memory_space<vmem>>
    %dma_start3A_51 = arith.constant 0 : i32
    %dma_start3A_52 = arith.constant 0 : i32
    %dma_start3A_53 = tpu.memref_slice %arg4[%dma_start3A_51, %dma_start3A_52] : memref<10000x128xf32, #tpu.memory_space<hbm>> -> memref<10000x128xf32, #tpu.memory_space<hbm>>
    tpu.enqueue_indirect_dma source(%dma_start3A_53 : memref<10000x128xf32, #tpu.memory_space<hbm>>) target(%arg20 : memref<16x128xf32, #tpu.memory_space<vmem>>) offsets(%dma_start3A_50 : memref<16xi32, #tpu.memory_space<vmem>>) semaphore(%arg34 : memref<!tpu.dma_semaphore, #tpu.memory_space<semaphore_mem>>)
    %add3A_54 = arith.constant 0 : i32
    %add3A_55 = arith.addi %mul3A_6, %add3A_54 : i32
    %multiple_of3A_56 = tpu.assume_multiple %add3A_55, 8 : i32
    %dma_start3A_57 = arith.constant 0 : i32
    %dma_start3A_58 = arith.constant 0 : i32
    %dma_start3A_59 = tpu.memref_slice %arg7[%dma_start3A_57, %dma_start3A_58] : memref<2x64xi32, #tpu.memory_space<vmem>> -> memref<1x64xi32, #tpu.memory_space<vmem>>
    %dma_start3A_60 = tpu.memref_squeeze %dma_start3A_59 : memref<1x64xi32, #tpu.memory_space<vmem>> -> memref<64xi32, #tpu.memory_space<vmem>>
    %dma_start3A_61 = tpu.memref_slice %arg2[%multiple_of3A_56] : memref<320000xi32, #tpu.memory_space<hbm>> -> memref<64xi32, #tpu.memory_space<hbm>>
    %dma_start3A_62 = arith.constant 0 : i32
    %dma_start3A_63 = tpu.memref_slice %arg7[%dma_start3A_57, %dma_start3A_62] : memref<2x64xi32, #tpu.memory_space<vmem>> -> memref<1x64xi32, #tpu.memory_space<vmem>>
    %dma_start3A_64 = tpu.memref_squeeze %dma_start3A_63 : memref<1x64xi32, #tpu.memory_space<vmem>> -> memref<64xi32, #tpu.memory_space<vmem>>
    %dma_start3A_65 = tpu.memref_slice %arg2[%multiple_of3A_56] : memref<320000xi32, #tpu.memory_space<hbm>> -> memref<64xi32, #tpu.memory_space<hbm>>
    tpu.enqueue_dma source(%dma_start3A_65 : memref<64xi32, #tpu.memory_space<hbm>>) target(%dma_start3A_64 : memref<64xi32, #tpu.memory_space<vmem>>) target_semaphore(%arg22 : memref<!tpu.dma_semaphore, #tpu.memory_space<semaphore_mem>>)
    %dma_start3A_66 = arith.constant 1 : i32
    %dma_start3A_67 = arith.constant 0 : i32
    %dma_start3A_68 = tpu.memref_slice %arg7[%dma_start3A_66, %dma_start3A_67] : memref<2x64xi32, #tpu.memory_space<vmem>> -> memref<1x64xi32, #tpu.memory_space<vmem>>
    %dma_start3A_69 = tpu.memref_squeeze %dma_start3A_68 : memref<1x64xi32, #tpu.memory_space<vmem>> -> memref<64xi32, #tpu.memory_space<vmem>>
    %dma_start3A_70 = tpu.memref_slice %arg3[%multiple_of3A_56] : memref<320000xi32, #tpu.memory_space<hbm>> -> memref<64xi32, #tpu.memory_space<hbm>>
    %dma_start3A_71 = arith.constant 0 : i32
    %dma_start3A_72 = tpu.memref_slice %arg7[%dma_start3A_66, %dma_start3A_71] : memref<2x64xi32, #tpu.memory_space<vmem>> -> memref<1x64xi32, #tpu.memory_space<vmem>>
    %dma_start3A_73 = tpu.memref_squeeze %dma_start3A_72 : memref<1x64xi32, #tpu.memory_space<vmem>> -> memref<64xi32, #tpu.memory_space<vmem>>
    %dma_start3A_74 = tpu.memref_slice %arg3[%multiple_of3A_56] : memref<320000xi32, #tpu.memory_space<hbm>> -> memref<64xi32, #tpu.memory_space<hbm>>
    tpu.enqueue_dma source(%dma_start3A_74 : memref<64xi32, #tpu.memory_space<hbm>>) target(%dma_start3A_73 : memref<64xi32, #tpu.memory_space<vmem>>) target_semaphore(%arg22 : memref<!tpu.dma_semaphore, #tpu.memory_space<semaphore_mem>>)
    %add3A_75 = arith.constant 64 : i32
    %add3A_76 = arith.addi %mul3A_6, %add3A_75 : i32
    %multiple_of3A_77 = tpu.assume_multiple %add3A_76, 8 : i32
    %dma_start3A_78 = arith.constant 0 : i32
    %dma_start3A_79 = arith.constant 0 : i32
    %dma_start3A_80 = tpu.memref_slice %arg8[%dma_start3A_78, %dma_start3A_79] : memref<2x64xi32, #tpu.memory_space<vmem>> -> memref<1x64xi32, #tpu.memory_space<vmem>>
    %dma_start3A_81 = tpu.memref_squeeze %dma_start3A_80 : memref<1x64xi32, #tpu.memory_space<vmem>> -> memref<64xi32, #tpu.memory_space<vmem>>
    %dma_start3A_82 = tpu.memref_slice %arg2[%multiple_of3A_77] : memref<320000xi32, #tpu.memory_space<hbm>> -> memref<64xi32, #tpu.memory_space<hbm>>
    %dma_start3A_83 = arith.constant 0 : i32
    %dma_start3A_84 = tpu.memref_slice %arg8[%dma_start3A_78, %dma_start3A_83] : memref<2x64xi32, #tpu.memory_space<vmem>> -> memref<1x64xi32, #tpu.memory_space<vmem>>
    %dma_start3A_85 = tpu.memref_squeeze %dma_start3A_84 : memref<1x64xi32, #tpu.memory_space<vmem>> -> memref<64xi32, #tpu.memory_space<vmem>>
    %dma_start3A_86 = tpu.memref_slice %arg2[%multiple_of3A_77] : memref<320000xi32, #tpu.memory_space<hbm>> -> memref<64xi32, #tpu.memory_space<hbm>>
    tpu.enqueue_dma source(%dma_start3A_86 : memref<64xi32, #tpu.memory_space<hbm>>) target(%dma_start3A_85 : memref<64xi32, #tpu.memory_space<vmem>>) target_semaphore(%arg23 : memref<!tpu.dma_semaphore, #tpu.memory_space<semaphore_mem>>)
    %dma_start3A_87 = arith.constant 1 : i32
    %dma_start3A_88 = arith.constant 0 : i32
    %dma_start3A_89 = tpu.memref_slice %arg8[%dma_start3A_87, %dma_start3A_88] : memref<2x64xi32, #tpu.memory_space<vmem>> -> memref<1x64xi32, #tpu.memory_space<vmem>>
    %dma_start3A_90 = tpu.memref_squeeze %dma_start3A_89 : memref<1x64xi32, #tpu.memory_space<vmem>> -> memref<64xi32, #tpu.memory_space<vmem>>
    %dma_start3A_91 = tpu.memref_slice %arg3[%multiple_of3A_77] : memref<320000xi32, #tpu.memory_space<hbm>> -> memref<64xi32, #tpu.memory_space<hbm>>
    %dma_start3A_92 = arith.constant 0 : i32
    %dma_start3A_93 = tpu.memref_slice %arg8[%dma_start3A_87, %dma_start3A_92] : memref<2x64xi32, #tpu.memory_space<vmem>> -> memref<1x64xi32, #tpu.memory_space<vmem>>
    %dma_start3A_94 = tpu.memref_squeeze %dma_start3A_93 : memref<1x64xi32, #tpu.memory_space<vmem>> -> memref<64xi32, #tpu.memory_space<vmem>>
    %dma_start3A_95 = tpu.memref_slice %arg3[%multiple_of3A_77] : memref<320000xi32, #tpu.memory_space<hbm>> -> memref<64xi32, #tpu.memory_space<hbm>>
    tpu.enqueue_dma source(%dma_start3A_95 : memref<64xi32, #tpu.memory_space<hbm>>) target(%dma_start3A_94 : memref<64xi32, #tpu.memory_space<vmem>>) target_semaphore(%arg23 : memref<!tpu.dma_semaphore, #tpu.memory_space<semaphore_mem>>)
    %add3A_96 = arith.constant 128 : i32
    %add3A_97 = arith.addi %mul3A_6, %add3A_96 : i32
    %multiple_of3A_98 = tpu.assume_multiple %add3A_97, 8 : i32
    %dma_start3A_99 = arith.constant 0 : i32
    %dma_start3A_100 = arith.constant 0 : i32
    %dma_start3A_101 = tpu.memref_slice %arg9[%dma_start3A_99, %dma_start3A_100] : memref<2x64xi32, #tpu.memory_space<vmem>> -> memref<1x64xi32, #tpu.memory_space<vmem>>
    %dma_start3A_102 = tpu.memref_squeeze %dma_start3A_101 : memref<1x64xi32, #tpu.memory_space<vmem>> -> memref<64xi32, #tpu.memory_space<vmem>>
    %dma_start3A_103 = tpu.memref_slice %arg2[%multiple_of3A_98] : memref<320000xi32, #tpu.memory_space<hbm>> -> memref<64xi32, #tpu.memory_space<hbm>>
    %dma_start3A_104 = arith.constant 0 : i32
    %dma_start3A_105 = tpu.memref_slice %arg9[%dma_start3A_99, %dma_start3A_104] : memref<2x64xi32, #tpu.memory_space<vmem>> -> memref<1x64xi32, #tpu.memory_space<vmem>>
    %dma_start3A_106 = tpu.memref_squeeze %dma_start3A_105 : memref<1x64xi32, #tpu.memory_space<vmem>> -> memref<64xi32, #tpu.memory_space<vmem>>
    %dma_start3A_107 = tpu.memref_slice %arg2[%multiple_of3A_98] : memref<320000xi32, #tpu.memory_space<hbm>> -> memref<64xi32, #tpu.memory_space<hbm>>
    tpu.enqueue_dma source(%dma_start3A_107 : memref<64xi32, #tpu.memory_space<hbm>>) target(%dma_start3A_106 : memref<64xi32, #tpu.memory_space<vmem>>) target_semaphore(%arg24 : memref<!tpu.dma_semaphore, #tpu.memory_space<semaphore_mem>>)
    %dma_start3A_108 = arith.constant 1 : i32
    %dma_start3A_109 = arith.constant 0 : i32
    %dma_start3A_110 = tpu.memref_slice %arg9[%dma_start3A_108, %dma_start3A_109] : memref<2x64xi32, #tpu.memory_space<vmem>> -> memref<1x64xi32, #tpu.memory_space<vmem>>
    %dma_start3A_111 = tpu.memref_squeeze %dma_start3A_110 : memref<1x64xi32, #tpu.memory_space<vmem>> -> memref<64xi32, #tpu.memory_space<vmem>>
    %dma_start3A_112 = tpu.memref_slice %arg3[%multiple_of3A_98] : memref<320000xi32, #tpu.memory_space<hbm>> -> memref<64xi32, #tpu.memory_space<hbm>>
    %dma_start3A_113 = arith.constant 0 : i32
    %dma_start3A_114 = tpu.memref_slice %arg9[%dma_start3A_108, %dma_start3A_113] : memref<2x64xi32, #tpu.memory_space<vmem>> -> memref<1x64xi32, #tpu.memory_space<vmem>>
    %dma_start3A_115 = tpu.memref_squeeze %dma_start3A_114 : memref<1x64xi32, #tpu.memory_space<vmem>> -> memref<64xi32, #tpu.memory_space<vmem>>
    %dma_start3A_116 = tpu.memref_slice %arg3[%multiple_of3A_98] : memref<320000xi32, #tpu.memory_space<hbm>> -> memref<64xi32, #tpu.memory_space<hbm>>
    tpu.enqueue_dma source(%dma_start3A_116 : memref<64xi32, #tpu.memory_space<hbm>>) target(%dma_start3A_115 : memref<64xi32, #tpu.memory_space<vmem>>) target_semaphore(%arg24 : memref<!tpu.dma_semaphore, #tpu.memory_space<semaphore_mem>>)
    %add3A_117 = arith.constant 192 : i32
    %add3A_118 = arith.addi %mul3A_6, %add3A_117 : i32
    %multiple_of3A_119 = tpu.assume_multiple %add3A_118, 8 : i32
    %dma_start3A_120 = arith.constant 0 : i32
    %dma_start3A_121 = arith.constant 0 : i32
    %dma_start3A_122 = tpu.memref_slice %arg10[%dma_start3A_120, %dma_start3A_121] : memref<2x64xi32, #tpu.memory_space<vmem>> -> memref<1x64xi32, #tpu.memory_space<vmem>>
    %dma_start3A_123 = tpu.memref_squeeze %dma_start3A_122 : memref<1x64xi32, #tpu.memory_space<vmem>> -> memref<64xi32, #tpu.memory_space<vmem>>
    %dma_start3A_124 = tpu.memref_slice %arg2[%multiple_of3A_119] : memref<320000xi32, #tpu.memory_space<hbm>> -> memref<64xi32, #tpu.memory_space<hbm>>
    %dma_start3A_125 = arith.constant 0 : i32
    %dma_start3A_126 = tpu.memref_slice %arg10[%dma_start3A_120, %dma_start3A_125] : memref<2x64xi32, #tpu.memory_space<vmem>> -> memref<1x64xi32, #tpu.memory_space<vmem>>
    %dma_start3A_127 = tpu.memref_squeeze %dma_start3A_126 : memref<1x64xi32, #tpu.memory_space<vmem>> -> memref<64xi32, #tpu.memory_space<vmem>>
    %dma_start3A_128 = tpu.memref_slice %arg2[%multiple_of3A_119] : memref<320000xi32, #tpu.memory_space<hbm>> -> memref<64xi32, #tpu.memory_space<hbm>>
    tpu.enqueue_dma source(%dma_start3A_128 : memref<64xi32, #tpu.memory_space<hbm>>) target(%dma_start3A_127 : memref<64xi32, #tpu.memory_space<vmem>>) target_semaphore(%arg25 : memref<!tpu.dma_semaphore, #tpu.memory_space<semaphore_mem>>)
    %dma_start3A_129 = arith.constant 1 : i32
    %dma_start3A_130 = arith.constant 0 : i32
    %dma_start3A_131 = tpu.memref_slice %arg10[%dma_start3A_129, %dma_start3A_130] : memref<2x64xi32, #tpu.memory_space<vmem>> -> memref<1x64xi32, #tpu.memory_space<vmem>>
    %dma_start3A_132 = tpu.memref_squeeze %dma_start3A_131 : memref<1x64xi32, #tpu.memory_space<vmem>> -> memref<64xi32, #tpu.memory_space<vmem>>
    %dma_start3A_133 = tpu.memref_slice %arg3[%multiple_of3A_119] : memref<320000xi32, #tpu.memory_space<hbm>> -> memref<64xi32, #tpu.memory_space<hbm>>
    %dma_start3A_134 = arith.constant 0 : i32
    %dma_start3A_135 = tpu.memref_slice %arg10[%dma_start3A_129, %dma_start3A_134] : memref<2x64xi32, #tpu.memory_space<vmem>> -> memref<1x64xi32, #tpu.memory_space<vmem>>
    %dma_start3A_136 = tpu.memref_squeeze %dma_start3A_135 : memref<1x64xi32, #tpu.memory_space<vmem>> -> memref<64xi32, #tpu.memory_space<vmem>>
    %dma_start3A_137 = tpu.memref_slice %arg3[%multiple_of3A_119] : memref<320000xi32, #tpu.memory_space<hbm>> -> memref<64xi32, #tpu.memory_space<hbm>>
    tpu.enqueue_dma source(%dma_start3A_137 : memref<64xi32, #tpu.memory_space<hbm>>) target(%dma_start3A_136 : memref<64xi32, #tpu.memory_space<vmem>>) target_semaphore(%arg25 : memref<!tpu.dma_semaphore, #tpu.memory_space<semaphore_mem>>)
    %add3A_138 = arith.constant 256 : i32
    %add3A_139 = arith.addi %mul3A_6, %add3A_138 : i32
    %multiple_of3A_140 = tpu.assume_multiple %add3A_139, 8 : i32
    %dma_start3A_141 = arith.constant 0 : i32
    %dma_start3A_142 = arith.constant 0 : i32
    %dma_start3A_143 = tpu.memref_slice %arg11[%dma_start3A_141, %dma_start3A_142] : memref<2x64xi32, #tpu.memory_space<vmem>> -> memref<1x64xi32, #tpu.memory_space<vmem>>
    %dma_start3A_144 = tpu.memref_squeeze %dma_start3A_143 : memref<1x64xi32, #tpu.memory_space<vmem>> -> memref<64xi32, #tpu.memory_space<vmem>>
    %dma_start3A_145 = tpu.memref_slice %arg2[%multiple_of3A_140] : memref<320000xi32, #tpu.memory_space<hbm>> -> memref<64xi32, #tpu.memory_space<hbm>>
    %dma_start3A_146 = arith.constant 0 : i32
    %dma_start3A_147 = tpu.memref_slice %arg11[%dma_start3A_141, %dma_start3A_146] : memref<2x64xi32, #tpu.memory_space<vmem>> -> memref<1x64xi32, #tpu.memory_space<vmem>>
    %dma_start3A_148 = tpu.memref_squeeze %dma_start3A_147 : memref<1x64xi32, #tpu.memory_space<vmem>> -> memref<64xi32, #tpu.memory_space<vmem>>
    %dma_start3A_149 = tpu.memref_slice %arg2[%multiple_of3A_140] : memref<320000xi32, #tpu.memory_space<hbm>> -> memref<64xi32, #tpu.memory_space<hbm>>
    tpu.enqueue_dma source(%dma_start3A_149 : memref<64xi32, #tpu.memory_space<hbm>>) target(%dma_start3A_148 : memref<64xi32, #tpu.memory_space<vmem>>) target_semaphore(%arg26 : memref<!tpu.dma_semaphore, #tpu.memory_space<semaphore_mem>>)
    %dma_start3A_150 = arith.constant 1 : i32
    %dma_start3A_151 = arith.constant 0 : i32
    %dma_start3A_152 = tpu.memref_slice %arg11[%dma_start3A_150, %dma_start3A_151] : memref<2x64xi32, #tpu.memory_space<vmem>> -> memref<1x64xi32, #tpu.memory_space<vmem>>
    %dma_start3A_153 = tpu.memref_squeeze %dma_start3A_152 : memref<1x64xi32, #tpu.memory_space<vmem>> -> memref<64xi32, #tpu.memory_space<vmem>>
    %dma_start3A_154 = tpu.memref_slice %arg3[%multiple_of3A_140] : memref<320000xi32, #tpu.memory_space<hbm>> -> memref<64xi32, #tpu.memory_space<hbm>>
    %dma_start3A_155 = arith.constant 0 : i32
    %dma_start3A_156 = tpu.memref_slice %arg11[%dma_start3A_150, %dma_start3A_155] : memref<2x64xi32, #tpu.memory_space<vmem>> -> memref<1x64xi32, #tpu.memory_space<vmem>>
    %dma_start3A_157 = tpu.memref_squeeze %dma_start3A_156 : memref<1x64xi32, #tpu.memory_space<vmem>> -> memref<64xi32, #tpu.memory_space<vmem>>
    %dma_start3A_158 = tpu.memref_slice %arg3[%multiple_of3A_140] : memref<320000xi32, #tpu.memory_space<hbm>> -> memref<64xi32, #tpu.memory_space<hbm>>
    tpu.enqueue_dma source(%dma_start3A_158 : memref<64xi32, #tpu.memory_space<hbm>>) target(%dma_start3A_157 : memref<64xi32, #tpu.memory_space<vmem>>) target_semaphore(%arg26 : memref<!tpu.dma_semaphore, #tpu.memory_space<semaphore_mem>>)
    %add3A_159 = arith.constant 320 : i32
    %add3A_160 = arith.addi %mul3A_6, %add3A_159 : i32
    %multiple_of3A_161 = tpu.assume_multiple %add3A_160, 8 : i32
    %dma_start3A_162 = arith.constant 0 : i32
    %dma_start3A_163 = arith.constant 0 : i32
    %dma_start3A_164 = tpu.memref_slice %arg12[%dma_start3A_162, %dma_start3A_163] : memref<2x64xi32, #tpu.memory_space<vmem>> -> memref<1x64xi32, #tpu.memory_space<vmem>>
    %dma_start3A_165 = tpu.memref_squeeze %dma_start3A_164 : memref<1x64xi32, #tpu.memory_space<vmem>> -> memref<64xi32, #tpu.memory_space<vmem>>
    %dma_start3A_166 = tpu.memref_slice %arg2[%multiple_of3A_161] : memref<320000xi32, #tpu.memory_space<hbm>> -> memref<64xi32, #tpu.memory_space<hbm>>
    %dma_start3A_167 = arith.constant 0 : i32
    %dma_start3A_168 = tpu.memref_slice %arg12[%dma_start3A_162, %dma_start3A_167] : memref<2x64xi32, #tpu.memory_space<vmem>> -> memref<1x64xi32, #tpu.memory_space<vmem>>
    %dma_start3A_169 = tpu.memref_squeeze %dma_start3A_168 : memref<1x64xi32, #tpu.memory_space<vmem>> -> memref<64xi32, #tpu.memory_space<vmem>>
    %dma_start3A_170 = tpu.memref_slice %arg2[%multiple_of3A_161] : memref<320000xi32, #tpu.memory_space<hbm>> -> memref<64xi32, #tpu.memory_space<hbm>>
    tpu.enqueue_dma source(%dma_start3A_170 : memref<64xi32, #tpu.memory_space<hbm>>) target(%dma_start3A_169 : memref<64xi32, #tpu.memory_space<vmem>>) target_semaphore(%arg27 : memref<!tpu.dma_semaphore, #tpu.memory_space<semaphore_mem>>)
    %dma_start3A_171 = arith.constant 1 : i32
    %dma_start3A_172 = arith.constant 0 : i32
    %dma_start3A_173 = tpu.memref_slice %arg12[%dma_start3A_171, %dma_start3A_172] : memref<2x64xi32, #tpu.memory_space<vmem>> -> memref<1x64xi32, #tpu.memory_space<vmem>>
    %dma_start3A_174 = tpu.memref_squeeze %dma_start3A_173 : memref<1x64xi32, #tpu.memory_space<vmem>> -> memref<64xi32, #tpu.memory_space<vmem>>
    %dma_start3A_175 = tpu.memref_slice %arg3[%multiple_of3A_161] : memref<320000xi32, #tpu.memory_space<hbm>> -> memref<64xi32, #tpu.memory_space<hbm>>
    %dma_start3A_176 = arith.constant 0 : i32
    %dma_start3A_177 = tpu.memref_slice %arg12[%dma_start3A_171, %dma_start3A_176] : memref<2x64xi32, #tpu.memory_space<vmem>> -> memref<1x64xi32, #tpu.memory_space<vmem>>
    %dma_start3A_178 = tpu.memref_squeeze %dma_start3A_177 : memref<1x64xi32, #tpu.memory_space<vmem>> -> memref<64xi32, #tpu.memory_space<vmem>>
    %dma_start3A_179 = tpu.memref_slice %arg3[%multiple_of3A_161] : memref<320000xi32, #tpu.memory_space<hbm>> -> memref<64xi32, #tpu.memory_space<hbm>>
    tpu.enqueue_dma source(%dma_start3A_179 : memref<64xi32, #tpu.memory_space<hbm>>) target(%dma_start3A_178 : memref<64xi32, #tpu.memory_space<vmem>>) target_semaphore(%arg27 : memref<!tpu.dma_semaphore, #tpu.memory_space<semaphore_mem>>)
    %add3A_180 = arith.constant 384 : i32
    %add3A_181 = arith.addi %mul3A_6, %add3A_180 : i32
    %multiple_of3A_182 = tpu.assume_multiple %add3A_181, 8 : i32
    %dma_start3A_183 = arith.constant 0 : i32
    %dma_start3A_184 = arith.constant 0 : i32
    %dma_start3A_185 = tpu.memref_slice %arg13[%dma_start3A_183, %dma_start3A_184] : memref<2x64xi32, #tpu.memory_space<vmem>> -> memref<1x64xi32, #tpu.memory_space<vmem>>
    %dma_start3A_186 = tpu.memref_squeeze %dma_start3A_185 : memref<1x64xi32, #tpu.memory_space<vmem>> -> memref<64xi32, #tpu.memory_space<vmem>>
    %dma_start3A_187 = tpu.memref_slice %arg2[%multiple_of3A_182] : memref<320000xi32, #tpu.memory_space<hbm>> -> memref<64xi32, #tpu.memory_space<hbm>>
    %dma_start3A_188 = arith.constant 0 : i32
    %dma_start3A_189 = tpu.memref_slice %arg13[%dma_start3A_183, %dma_start3A_188] : memref<2x64xi32, #tpu.memory_space<vmem>> -> memref<1x64xi32, #tpu.memory_space<vmem>>
    %dma_start3A_190 = tpu.memref_squeeze %dma_start3A_189 : memref<1x64xi32, #tpu.memory_space<vmem>> -> memref<64xi32, #tpu.memory_space<vmem>>
    %dma_start3A_191 = tpu.memref_slice %arg2[%multiple_of3A_182] : memref<320000xi32, #tpu.memory_space<hbm>> -> memref<64xi32, #tpu.memory_space<hbm>>
    tpu.enqueue_dma source(%dma_start3A_191 : memref<64xi32, #tpu.memory_space<hbm>>) target(%dma_start3A_190 : memref<64xi32, #tpu.memory_space<vmem>>) target_semaphore(%arg28 : memref<!tpu.dma_semaphore, #tpu.memory_space<semaphore_mem>>)
    %dma_start3A_192 = arith.constant 1 : i32
    %dma_start3A_193 = arith.constant 0 : i32
    %dma_start3A_194 = tpu.memref_slice %arg13[%dma_start3A_192, %dma_start3A_193] : memref<2x64xi32, #tpu.memory_space<vmem>> -> memref<1x64xi32, #tpu.memory_space<vmem>>
    %dma_start3A_195 = tpu.memref_squeeze %dma_start3A_194 : memref<1x64xi32, #tpu.memory_space<vmem>> -> memref<64xi32, #tpu.memory_space<vmem>>
    %dma_start3A_196 = tpu.memref_slice %arg3[%multiple_of3A_182] : memref<320000xi32, #tpu.memory_space<hbm>> -> memref<64xi32, #tpu.memory_space<hbm>>
    %dma_start3A_197 = arith.constant 0 : i32
    %dma_start3A_198 = tpu.memref_slice %arg13[%dma_start3A_192, %dma_start3A_197] : memref<2x64xi32, #tpu.memory_space<vmem>> -> memref<1x64xi32, #tpu.memory_space<vmem>>
    %dma_start3A_199 = tpu.memref_squeeze %dma_start3A_198 : memref<1x64xi32, #tpu.memory_space<vmem>> -> memref<64xi32, #tpu.memory_space<vmem>>
    %dma_start3A_200 = tpu.memref_slice %arg3[%multiple_of3A_182] : memref<320000xi32, #tpu.memory_space<hbm>> -> memref<64xi32, #tpu.memory_space<hbm>>
    tpu.enqueue_dma source(%dma_start3A_200 : memref<64xi32, #tpu.memory_space<hbm>>) target(%dma_start3A_199 : memref<64xi32, #tpu.memory_space<vmem>>) target_semaphore(%arg28 : memref<!tpu.dma_semaphore, #tpu.memory_space<semaphore_mem>>)
    %add3A_201 = arith.constant 448 : i32
    %add3A_202 = arith.addi %mul3A_6, %add3A_201 : i32
    %multiple_of3A_203 = tpu.assume_multiple %add3A_202, 8 : i32
    %dma_start3A_204 = arith.constant 0 : i32
    %dma_start3A_205 = arith.constant 0 : i32
    %dma_start3A_206 = tpu.memref_slice %arg14[%dma_start3A_204, %dma_start3A_205] : memref<2x64xi32, #tpu.memory_space<vmem>> -> memref<1x64xi32, #tpu.memory_space<vmem>>
    %dma_start3A_207 = tpu.memref_squeeze %dma_start3A_206 : memref<1x64xi32, #tpu.memory_space<vmem>> -> memref<64xi32, #tpu.memory_space<vmem>>
    %dma_start3A_208 = tpu.memref_slice %arg2[%multiple_of3A_203] : memref<320000xi32, #tpu.memory_space<hbm>> -> memref<64xi32, #tpu.memory_space<hbm>>
    %dma_start3A_209 = arith.constant 0 : i32
    %dma_start3A_210 = tpu.memref_slice %arg14[%dma_start3A_204, %dma_start3A_209] : memref<2x64xi32, #tpu.memory_space<vmem>> -> memref<1x64xi32, #tpu.memory_space<vmem>>
    %dma_start3A_211 = tpu.memref_squeeze %dma_start3A_210 : memref<1x64xi32, #tpu.memory_space<vmem>> -> memref<64xi32, #tpu.memory_space<vmem>>
    %dma_start3A_212 = tpu.memref_slice %arg2[%multiple_of3A_203] : memref<320000xi32, #tpu.memory_space<hbm>> -> memref<64xi32, #tpu.memory_space<hbm>>
    tpu.enqueue_dma source(%dma_start3A_212 : memref<64xi32, #tpu.memory_space<hbm>>) target(%dma_start3A_211 : memref<64xi32, #tpu.memory_space<vmem>>) target_semaphore(%arg29 : memref<!tpu.dma_semaphore, #tpu.memory_space<semaphore_mem>>)
    %dma_start3A_213 = arith.constant 1 : i32
    %dma_start3A_214 = arith.constant 0 : i32
    %dma_start3A_215 = tpu.memref_slice %arg14[%dma_start3A_213, %dma_start3A_214] : memref<2x64xi32, #tpu.memory_space<vmem>> -> memref<1x64xi32, #tpu.memory_space<vmem>>
    %dma_start3A_216 = tpu.memref_squeeze %dma_start3A_215 : memref<1x64xi32, #tpu.memory_space<vmem>> -> memref<64xi32, #tpu.memory_space<vmem>>
    %dma_start3A_217 = tpu.memref_slice %arg3[%multiple_of3A_203] : memref<320000xi32, #tpu.memory_space<hbm>> -> memref<64xi32, #tpu.memory_space<hbm>>
    %dma_start3A_218 = arith.constant 0 : i32
    %dma_start3A_219 = tpu.memref_slice %arg14[%dma_start3A_213, %dma_start3A_218] : memref<2x64xi32, #tpu.memory_space<vmem>> -> memref<1x64xi32, #tpu.memory_space<vmem>>
    %dma_start3A_220 = tpu.memref_squeeze %dma_start3A_219 : memref<1x64xi32, #tpu.memory_space<vmem>> -> memref<64xi32, #tpu.memory_space<vmem>>
    %dma_start3A_221 = tpu.memref_slice %arg3[%multiple_of3A_203] : memref<320000xi32, #tpu.memory_space<hbm>> -> memref<64xi32, #tpu.memory_space<hbm>>
    tpu.enqueue_dma source(%dma_start3A_221 : memref<64xi32, #tpu.memory_space<hbm>>) target(%dma_start3A_220 : memref<64xi32, #tpu.memory_space<vmem>>) target_semaphore(%arg29 : memref<!tpu.dma_semaphore, #tpu.memory_space<semaphore_mem>>)
    %dma_wait3A_222 = arith.constant 0 : i32
    %dma_wait3A_223 = arith.constant 0 : i32
    %dma_wait3A_224 = tpu.memref_slice %arg7[%dma_wait3A_222, %dma_wait3A_223] : memref<2x64xi32, #tpu.memory_space<vmem>> -> memref<1x64xi32, #tpu.memory_space<vmem>>
    %dma_wait3A_225 = tpu.memref_squeeze %dma_wait3A_224 : memref<1x64xi32, #tpu.memory_space<vmem>> -> memref<64xi32, #tpu.memory_space<vmem>>
    %dma_wait3A_226 = arith.constant 0 : i32
    %dma_wait3A_227 = tpu.memref_slice %arg2[%dma_wait3A_226] : memref<320000xi32, #tpu.memory_space<hbm>> -> memref<64xi32, #tpu.memory_space<hbm>>
    %dma_wait3A_228 = arith.constant 0 : i32
    %dma_wait3A_229 = tpu.memref_slice %arg7[%dma_wait3A_222, %dma_wait3A_228] : memref<2x64xi32, #tpu.memory_space<vmem>> -> memref<1x64xi32, #tpu.memory_space<vmem>>
    %dma_wait3A_230 = tpu.memref_squeeze %dma_wait3A_229 : memref<1x64xi32, #tpu.memory_space<vmem>> -> memref<64xi32, #tpu.memory_space<vmem>>
    %dma_wait3A_231 = arith.constant 0 : i32
    %dma_wait3A_232 = tpu.memref_slice %arg2[%dma_wait3A_231] : memref<320000xi32, #tpu.memory_space<hbm>> -> memref<64xi32, #tpu.memory_space<hbm>>
    tpu.wait_dma2 semaphore(%arg22 : memref<!tpu.dma_semaphore, #tpu.memory_space<semaphore_mem>>) src(%dma_wait3A_232 : memref<64xi32, #tpu.memory_space<hbm>>) dst(%dma_wait3A_230 : memref<64xi32, #tpu.memory_space<vmem>>)
    %dma_wait3A_233 = arith.constant 1 : i32
    %dma_wait3A_234 = arith.constant 0 : i32
    %dma_wait3A_235 = tpu.memref_slice %arg7[%dma_wait3A_233, %dma_wait3A_234] : memref<2x64xi32, #tpu.memory_space<vmem>> -> memref<1x64xi32, #tpu.memory_space<vmem>>
    %dma_wait3A_236 = tpu.memref_squeeze %dma_wait3A_235 : memref<1x64xi32, #tpu.memory_space<vmem>> -> memref<64xi32, #tpu.memory_space<vmem>>
    %dma_wait3A_237 = arith.constant 0 : i32
    %dma_wait3A_238 = tpu.memref_slice %arg2[%dma_wait3A_237] : memref<320000xi32, #tpu.memory_space<hbm>> -> memref<64xi32, #tpu.memory_space<hbm>>
    %dma_wait3A_239 = arith.constant 0 : i32
    %dma_wait3A_240 = tpu.memref_slice %arg7[%dma_wait3A_233, %dma_wait3A_239] : memref<2x64xi32, #tpu.memory_space<vmem>> -> memref<1x64xi32, #tpu.memory_space<vmem>>
    %dma_wait3A_241 = tpu.memref_squeeze %dma_wait3A_240 : memref<1x64xi32, #tpu.memory_space<vmem>> -> memref<64xi32, #tpu.memory_space<vmem>>
    %dma_wait3A_242 = arith.constant 0 : i32
    %dma_wait3A_243 = tpu.memref_slice %arg2[%dma_wait3A_242] : memref<320000xi32, #tpu.memory_space<hbm>> -> memref<64xi32, #tpu.memory_space<hbm>>
    tpu.wait_dma2 semaphore(%arg22 : memref<!tpu.dma_semaphore, #tpu.memory_space<semaphore_mem>>) src(%dma_wait3A_243 : memref<64xi32, #tpu.memory_space<hbm>>) dst(%dma_wait3A_241 : memref<64xi32, #tpu.memory_space<vmem>>)
    %dma_start3A_244 = arith.constant 0 : i32
    %dma_start3A_245 = arith.constant 0 : i32
    %dma_start3A_246 = tpu.memref_slice %arg7[%dma_start3A_244, %dma_start3A_245] : memref<2x64xi32, #tpu.memory_space<vmem>> -> memref<1x64xi32, #tpu.memory_space<vmem>>
    %dma_start3A_247 = tpu.memref_squeeze %dma_start3A_246 : memref<1x64xi32, #tpu.memory_space<vmem>> -> memref<64xi32, #tpu.memory_space<vmem>>
    %dma_start3A_248 = arith.constant 0 : i32
    %dma_start3A_249 = arith.constant 0 : i32
    %dma_start3A_250 = tpu.memref_slice %arg4[%dma_start3A_248, %dma_start3A_249] : memref<10000x128xf32, #tpu.memory_space<hbm>> -> memref<10000x128xf32, #tpu.memory_space<hbm>>
    tpu.enqueue_indirect_dma source(%dma_start3A_250 : memref<10000x128xf32, #tpu.memory_space<hbm>>) target(%arg16 : memref<64x128xf32, #tpu.memory_space<vmem>>) offsets(%dma_start3A_247 : memref<64xi32, #tpu.memory_space<vmem>>) semaphore(%arg30 : memref<!tpu.dma_semaphore, #tpu.memory_space<semaphore_mem>>)
    %dma_wait3A_251 = arith.constant 0 : i32
    %dma_wait3A_252 = arith.constant 0 : i32
    %dma_wait3A_253 = tpu.memref_slice %arg8[%dma_wait3A_251, %dma_wait3A_252] : memref<2x64xi32, #tpu.memory_space<vmem>> -> memref<1x64xi32, #tpu.memory_space<vmem>>
    %dma_wait3A_254 = tpu.memref_squeeze %dma_wait3A_253 : memref<1x64xi32, #tpu.memory_space<vmem>> -> memref<64xi32, #tpu.memory_space<vmem>>
    %dma_wait3A_255 = arith.constant 0 : i32
    %dma_wait3A_256 = tpu.memref_slice %arg2[%dma_wait3A_255] : memref<320000xi32, #tpu.memory_space<hbm>> -> memref<64xi32, #tpu.memory_space<hbm>>
    %dma_wait3A_257 = arith.constant 0 : i32
    %dma_wait3A_258 = tpu.memref_slice %arg8[%dma_wait3A_251, %dma_wait3A_257] : memref<2x64xi32, #tpu.memory_space<vmem>> -> memref<1x64xi32, #tpu.memory_space<vmem>>
    %dma_wait3A_259 = tpu.memref_squeeze %dma_wait3A_258 : memref<1x64xi32, #tpu.memory_space<vmem>> -> memref<64xi32, #tpu.memory_space<vmem>>
    %dma_wait3A_260 = arith.constant 0 : i32
    %dma_wait3A_261 = tpu.memref_slice %arg2[%dma_wait3A_260] : memref<320000xi32, #tpu.memory_space<hbm>> -> memref<64xi32, #tpu.memory_space<hbm>>
    tpu.wait_dma2 semaphore(%arg23 : memref<!tpu.dma_semaphore, #tpu.memory_space<semaphore_mem>>) src(%dma_wait3A_261 : memref<64xi32, #tpu.memory_space<hbm>>) dst(%dma_wait3A_259 : memref<64xi32, #tpu.memory_space<vmem>>)
    %dma_wait3A_262 = arith.constant 1 : i32
    %dma_wait3A_263 = arith.constant 0 : i32
    %dma_wait3A_264 = tpu.memref_slice %arg8[%dma_wait3A_262, %dma_wait3A_263] : memref<2x64xi32, #tpu.memory_space<vmem>> -> memref<1x64xi32, #tpu.memory_space<vmem>>
    %dma_wait3A_265 = tpu.memref_squeeze %dma_wait3A_264 : memref<1x64xi32, #tpu.memory_space<vmem>> -> memref<64xi32, #tpu.memory_space<vmem>>
    %dma_wait3A_266 = arith.constant 0 : i32
    %dma_wait3A_267 = tpu.memref_slice %arg2[%dma_wait3A_266] : memref<320000xi32, #tpu.memory_space<hbm>> -> memref<64xi32, #tpu.memory_space<hbm>>
    %dma_wait3A_268 = arith.constant 0 : i32
    %dma_wait3A_269 = tpu.memref_slice %arg8[%dma_wait3A_262, %dma_wait3A_268] : memref<2x64xi32, #tpu.memory_space<vmem>> -> memref<1x64xi32, #tpu.memory_space<vmem>>
    %dma_wait3A_270 = tpu.memref_squeeze %dma_wait3A_269 : memref<1x64xi32, #tpu.memory_space<vmem>> -> memref<64xi32, #tpu.memory_space<vmem>>
    %dma_wait3A_271 = arith.constant 0 : i32
    %dma_wait3A_272 = tpu.memref_slice %arg2[%dma_wait3A_271] : memref<320000xi32, #tpu.memory_space<hbm>> -> memref<64xi32, #tpu.memory_space<hbm>>
    tpu.wait_dma2 semaphore(%arg23 : memref<!tpu.dma_semaphore, #tpu.memory_space<semaphore_mem>>) src(%dma_wait3A_272 : memref<64xi32, #tpu.memory_space<hbm>>) dst(%dma_wait3A_270 : memref<64xi32, #tpu.memory_space<vmem>>)
    %dma_start3A_273 = arith.constant 0 : i32
    %dma_start3A_274 = arith.constant 0 : i32
    %dma_start3A_275 = tpu.memref_slice %arg8[%dma_start3A_273, %dma_start3A_274] : memref<2x64xi32, #tpu.memory_space<vmem>> -> memref<1x64xi32, #tpu.memory_space<vmem>>
    %dma_start3A_276 = tpu.memref_squeeze %dma_start3A_275 : memref<1x64xi32, #tpu.memory_space<vmem>> -> memref<64xi32, #tpu.memory_space<vmem>>
    %dma_start3A_277 = arith.constant 0 : i32
    %dma_start3A_278 = arith.constant 0 : i32
    %dma_start3A_279 = tpu.memref_slice %arg4[%dma_start3A_277, %dma_start3A_278] : memref<10000x128xf32, #tpu.memory_space<hbm>> -> memref<10000x128xf32, #tpu.memory_space<hbm>>
    tpu.enqueue_indirect_dma source(%dma_start3A_279 : memref<10000x128xf32, #tpu.memory_space<hbm>>) target(%arg17 : memref<64x128xf32, #tpu.memory_space<vmem>>) offsets(%dma_start3A_276 : memref<64xi32, #tpu.memory_space<vmem>>) semaphore(%arg31 : memref<!tpu.dma_semaphore, #tpu.memory_space<semaphore_mem>>)
    %dma_wait3A_280 = arith.constant 0 : i32
    %dma_wait3A_281 = arith.constant 0 : i32
    %dma_wait3A_282 = tpu.memref_slice %arg9[%dma_wait3A_280, %dma_wait3A_281] : memref<2x64xi32, #tpu.memory_space<vmem>> -> memref<1x64xi32, #tpu.memory_space<vmem>>
    %dma_wait3A_283 = tpu.memref_squeeze %dma_wait3A_282 : memref<1x64xi32, #tpu.memory_space<vmem>> -> memref<64xi32, #tpu.memory_space<vmem>>
    %dma_wait3A_284 = arith.constant 0 : i32
    %dma_wait3A_285 = tpu.memref_slice %arg2[%dma_wait3A_284] : memref<320000xi32, #tpu.memory_space<hbm>> -> memref<64xi32, #tpu.memory_space<hbm>>
    %dma_wait3A_286 = arith.constant 0 : i32
    %dma_wait3A_287 = tpu.memref_slice %arg9[%dma_wait3A_280, %dma_wait3A_286] : memref<2x64xi32, #tpu.memory_space<vmem>> -> memref<1x64xi32, #tpu.memory_space<vmem>>
    %dma_wait3A_288 = tpu.memref_squeeze %dma_wait3A_287 : memref<1x64xi32, #tpu.memory_space<vmem>> -> memref<64xi32, #tpu.memory_space<vmem>>
    %dma_wait3A_289 = arith.constant 0 : i32
    %dma_wait3A_290 = tpu.memref_slice %arg2[%dma_wait3A_289] : memref<320000xi32, #tpu.memory_space<hbm>> -> memref<64xi32, #tpu.memory_space<hbm>>
    tpu.wait_dma2 semaphore(%arg24 : memref<!tpu.dma_semaphore, #tpu.memory_space<semaphore_mem>>) src(%dma_wait3A_290 : memref<64xi32, #tpu.memory_space<hbm>>) dst(%dma_wait3A_288 : memref<64xi32, #tpu.memory_space<vmem>>)
    %dma_wait3A_291 = arith.constant 1 : i32
    %dma_wait3A_292 = arith.constant 0 : i32
    %dma_wait3A_293 = tpu.memref_slice %arg9[%dma_wait3A_291, %dma_wait3A_292] : memref<2x64xi32, #tpu.memory_space<vmem>> -> memref<1x64xi32, #tpu.memory_space<vmem>>
    %dma_wait3A_294 = tpu.memref_squeeze %dma_wait3A_293 : memref<1x64xi32, #tpu.memory_space<vmem>> -> memref<64xi32, #tpu.memory_space<vmem>>
    %dma_wait3A_295 = arith.constant 0 : i32
    %dma_wait3A_296 = tpu.memref_slice %arg2[%dma_wait3A_295] : memref<320000xi32, #tpu.memory_space<hbm>> -> memref<64xi32, #tpu.memory_space<hbm>>
    %dma_wait3A_297 = arith.constant 0 : i32
    %dma_wait3A_298 = tpu.memref_slice %arg9[%dma_wait3A_291, %dma_wait3A_297] : memref<2x64xi32, #tpu.memory_space<vmem>> -> memref<1x64xi32, #tpu.memory_space<vmem>>
    %dma_wait3A_299 = tpu.memref_squeeze %dma_wait3A_298 : memref<1x64xi32, #tpu.memory_space<vmem>> -> memref<64xi32, #tpu.memory_space<vmem>>
    %dma_wait3A_300 = arith.constant 0 : i32
    %dma_wait3A_301 = tpu.memref_slice %arg2[%dma_wait3A_300] : memref<320000xi32, #tpu.memory_space<hbm>> -> memref<64xi32, #tpu.memory_space<hbm>>
    tpu.wait_dma2 semaphore(%arg24 : memref<!tpu.dma_semaphore, #tpu.memory_space<semaphore_mem>>) src(%dma_wait3A_301 : memref<64xi32, #tpu.memory_space<hbm>>) dst(%dma_wait3A_299 : memref<64xi32, #tpu.memory_space<vmem>>)
    %dma_start3A_302 = arith.constant 0 : i32
    %dma_start3A_303 = arith.constant 0 : i32
    %dma_start3A_304 = tpu.memref_slice %arg9[%dma_start3A_302, %dma_start3A_303] : memref<2x64xi32, #tpu.memory_space<vmem>> -> memref<1x64xi32, #tpu.memory_space<vmem>>
    %dma_start3A_305 = tpu.memref_squeeze %dma_start3A_304 : memref<1x64xi32, #tpu.memory_space<vmem>> -> memref<64xi32, #tpu.memory_space<vmem>>
    %dma_start3A_306 = arith.constant 0 : i32
    %dma_start3A_307 = arith.constant 0 : i32
    %dma_start3A_308 = tpu.memref_slice %arg4[%dma_start3A_306, %dma_start3A_307] : memref<10000x128xf32, #tpu.memory_space<hbm>> -> memref<10000x128xf32, #tpu.memory_space<hbm>>
    tpu.enqueue_indirect_dma source(%dma_start3A_308 : memref<10000x128xf32, #tpu.memory_space<hbm>>) target(%arg18 : memref<64x128xf32, #tpu.memory_space<vmem>>) offsets(%dma_start3A_305 : memref<64xi32, #tpu.memory_space<vmem>>) semaphore(%arg32 : memref<!tpu.dma_semaphore, #tpu.memory_space<semaphore_mem>>)
    %dma_wait3A_309 = arith.constant 0 : i32
    %dma_wait3A_310 = arith.constant 0 : i32
    %dma_wait3A_311 = tpu.memref_slice %arg10[%dma_wait3A_309, %dma_wait3A_310] : memref<2x64xi32, #tpu.memory_space<vmem>> -> memref<1x64xi32, #tpu.memory_space<vmem>>
    %dma_wait3A_312 = tpu.memref_squeeze %dma_wait3A_311 : memref<1x64xi32, #tpu.memory_space<vmem>> -> memref<64xi32, #tpu.memory_space<vmem>>
    %dma_wait3A_313 = arith.constant 0 : i32
    %dma_wait3A_314 = tpu.memref_slice %arg2[%dma_wait3A_313] : memref<320000xi32, #tpu.memory_space<hbm>> -> memref<64xi32, #tpu.memory_space<hbm>>
    %dma_wait3A_315 = arith.constant 0 : i32
    %dma_wait3A_316 = tpu.memref_slice %arg10[%dma_wait3A_309, %dma_wait3A_315] : memref<2x64xi32, #tpu.memory_space<vmem>> -> memref<1x64xi32, #tpu.memory_space<vmem>>
    %dma_wait3A_317 = tpu.memref_squeeze %dma_wait3A_316 : memref<1x64xi32, #tpu.memory_space<vmem>> -> memref<64xi32, #tpu.memory_space<vmem>>
    %dma_wait3A_318 = arith.constant 0 : i32
    %dma_wait3A_319 = tpu.memref_slice %arg2[%dma_wait3A_318] : memref<320000xi32, #tpu.memory_space<hbm>> -> memref<64xi32, #tpu.memory_space<hbm>>
    tpu.wait_dma2 semaphore(%arg25 : memref<!tpu.dma_semaphore, #tpu.memory_space<semaphore_mem>>) src(%dma_wait3A_319 : memref<64xi32, #tpu.memory_space<hbm>>) dst(%dma_wait3A_317 : memref<64xi32, #tpu.memory_space<vmem>>)
    %dma_wait3A_320 = arith.constant 1 : i32
    %dma_wait3A_321 = arith.constant 0 : i32
    %dma_wait3A_322 = tpu.memref_slice %arg10[%dma_wait3A_320, %dma_wait3A_321] : memref<2x64xi32, #tpu.memory_space<vmem>> -> memref<1x64xi32, #tpu.memory_space<vmem>>
    %dma_wait3A_323 = tpu.memref_squeeze %dma_wait3A_322 : memref<1x64xi32, #tpu.memory_space<vmem>> -> memref<64xi32, #tpu.memory_space<vmem>>
    %dma_wait3A_324 = arith.constant 0 : i32
    %dma_wait3A_325 = tpu.memref_slice %arg2[%dma_wait3A_324] : memref<320000xi32, #tpu.memory_space<hbm>> -> memref<64xi32, #tpu.memory_space<hbm>>
    %dma_wait3A_326 = arith.constant 0 : i32
    %dma_wait3A_327 = tpu.memref_slice %arg10[%dma_wait3A_320, %dma_wait3A_326] : memref<2x64xi32, #tpu.memory_space<vmem>> -> memref<1x64xi32, #tpu.memory_space<vmem>>
    %dma_wait3A_328 = tpu.memref_squeeze %dma_wait3A_327 : memref<1x64xi32, #tpu.memory_space<vmem>> -> memref<64xi32, #tpu.memory_space<vmem>>
    %dma_wait3A_329 = arith.constant 0 : i32
    %dma_wait3A_330 = tpu.memref_slice %arg2[%dma_wait3A_329] : memref<320000xi32, #tpu.memory_space<hbm>> -> memref<64xi32, #tpu.memory_space<hbm>>
    tpu.wait_dma2 semaphore(%arg25 : memref<!tpu.dma_semaphore, #tpu.memory_space<semaphore_mem>>) src(%dma_wait3A_330 : memref<64xi32, #tpu.memory_space<hbm>>) dst(%dma_wait3A_328 : memref<64xi32, #tpu.memory_space<vmem>>)
    %dma_start3A_331 = arith.constant 0 : i32
    %dma_start3A_332 = arith.constant 0 : i32
    %dma_start3A_333 = tpu.memref_slice %arg10[%dma_start3A_331, %dma_start3A_332] : memref<2x64xi32, #tpu.memory_space<vmem>> -> memref<1x64xi32, #tpu.memory_space<vmem>>
    %dma_start3A_334 = tpu.memref_squeeze %dma_start3A_333 : memref<1x64xi32, #tpu.memory_space<vmem>> -> memref<64xi32, #tpu.memory_space<vmem>>
    %dma_start3A_335 = arith.constant 0 : i32
    %dma_start3A_336 = arith.constant 0 : i32
    %dma_start3A_337 = tpu.memref_slice %arg4[%dma_start3A_335, %dma_start3A_336] : memref<10000x128xf32, #tpu.memory_space<hbm>> -> memref<10000x128xf32, #tpu.memory_space<hbm>>
    tpu.enqueue_indirect_dma source(%dma_start3A_337 : memref<10000x128xf32, #tpu.memory_space<hbm>>) target(%arg19 : memref<64x128xf32, #tpu.memory_space<vmem>>) offsets(%dma_start3A_334 : memref<64xi32, #tpu.memory_space<vmem>>) semaphore(%arg33 : memref<!tpu.dma_semaphore, #tpu.memory_space<semaphore_mem>>)
    %scan3A = arith.constant 0 : i32
    %scan3A_338 = arith.constant 0 : i32
    %scan3A_339 = arith.constant 19 : i32
    %scan3A_340 = arith.addi %scan3A_338, %scan3A_339 : i32
    %scan3A_341 = arith.constant 1 : i32
    scf.for %scan3A_383 = %scan3A_338 to %scan3A_340 step %scan3A_341  : i32 {
      %mul3A_384 = arith.constant 8 : i32
      %mul3A_385 = arith.muli %scan3A_383, %mul3A_384 : i32
      %add3A_386 = arith.constant 0 : i32
      %add3A_387 = arith.addi %mul3A_385, %add3A_386 : i32
      %dma_wait3A_388 = arith.constant 0 : i32
      %dma_wait3A_389 = arith.constant 0 : i32
      %dma_wait3A_390 = tpu.memref_slice %arg4[%dma_wait3A_388, %dma_wait3A_389] : memref<10000x128xf32, #tpu.memory_space<hbm>> -> memref<64x128xf32, #tpu.memory_space<hbm>>
      %dma_wait3A_391 = arith.constant 0 : i32
      %dma_wait3A_392 = arith.constant 0 : i32
      %dma_wait3A_393 = tpu.memref_slice %arg4[%dma_wait3A_391, %dma_wait3A_392] : memref<10000x128xf32, #tpu.memory_space<hbm>> -> memref<64x128xf32, #tpu.memory_space<hbm>>
      tpu.wait_dma2 semaphore(%arg30 : memref<!tpu.dma_semaphore, #tpu.memory_space<semaphore_mem>>) src(%dma_wait3A_393 : memref<64x128xf32, #tpu.memory_space<hbm>>) dst(%arg16 : memref<64x128xf32, #tpu.memory_space<vmem>>)
      %run_scoped3A_394 = arith.constant 1 : i32
      "tpu.region"() ({
        %run_scoped3A_569 = tpu.sem_alloc : memref<!tpu.dma_semaphore, #tpu.memory_space<semaphore_mem>>
        %dma_start3A_570 = arith.constant 0 : i32
        %dma_start3A_571 = tpu.memref_slice %arg7[%run_scoped3A_394, %dma_start3A_570] : memref<2x64xi32, #tpu.memory_space<vmem>> -> memref<1x64xi32, #tpu.memory_space<vmem>>
        %dma_start3A_572 = tpu.memref_squeeze %dma_start3A_571 : memref<1x64xi32, #tpu.memory_space<vmem>> -> memref<64xi32, #tpu.memory_space<vmem>>
        %dma_start3A_573 = arith.constant 0 : i32
        %dma_start3A_574 = arith.constant 0 : i32
        %dma_start3A_575 = tpu.memref_slice %arg21[%dma_start3A_573, %dma_start3A_574] : memref<10000x128xf32, #tpu.memory_space<vmem_shared>> -> memref<10000x128xf32, #tpu.memory_space<vmem_shared>>
        tpu.enqueue_indirect_dma source(%arg16 : memref<64x128xf32, #tpu.memory_space<vmem>>) target(%dma_start3A_575 : memref<10000x128xf32, #tpu.memory_space<vmem_shared>>) offsets(%dma_start3A_572 : memref<64xi32, #tpu.memory_space<vmem>>) semaphore(%run_scoped3A_569 : memref<!tpu.dma_semaphore, #tpu.memory_space<semaphore_mem>>) {add = true}
        %dma_wait3A_576 = arith.constant 0 : i32
        %dma_wait3A_577 = tpu.memref_slice %arg7[%run_scoped3A_394, %dma_wait3A_576] : memref<2x64xi32, #tpu.memory_space<vmem>> -> memref<1x64xi32, #tpu.memory_space<vmem>>
        %dma_wait3A_578 = tpu.memref_squeeze %dma_wait3A_577 : memref<1x64xi32, #tpu.memory_space<vmem>> -> memref<64xi32, #tpu.memory_space<vmem>>
        %dma_wait3A_579 = arith.constant 0 : i32
        %dma_wait3A_580 = arith.constant 0 : i32
        %dma_wait3A_581 = tpu.memref_slice %arg21[%dma_wait3A_579, %dma_wait3A_580] : memref<10000x128xf32, #tpu.memory_space<vmem_shared>> -> memref<10000x128xf32, #tpu.memory_space<vmem_shared>>
        tpu.wait_indirect_dma semaphore(%run_scoped3A_569 : memref<!tpu.dma_semaphore, #tpu.memory_space<semaphore_mem>>) src(%arg16 : memref<64x128xf32, #tpu.memory_space<vmem>>) dst(%dma_wait3A_581 : memref<10000x128xf32, #tpu.memory_space<vmem_shared>>)
        tpu.yield
      }) : () -> ()
      %add3A_395 = arith.constant 8 : i32
      %add3A_396 = arith.addi %add3A_387, %add3A_395 : i32
      %lt3A = arith.constant 156 : i32
      %lt3A_397 = arith.cmpi slt, %add3A_396, %lt3A : i32
      %convert_element_type3A_398 = arith.extui %lt3A_397 : i1 to i32
      %cond3A_399 = arith.constant 0 : i32
      %cond3A_400 = arith.cmpi ne, %convert_element_type3A_398, %cond3A_399 : i32
      scf.if %cond3A_400 {
        %add3A_569 = arith.constant 8 : i32
        %add3A_570 = arith.addi %add3A_387, %add3A_569 : i32
        %mul3A_571 = arith.constant 64 : i32
        %mul3A_572 = arith.muli %add3A_570, %mul3A_571 : i32
        %add3A_573 = arith.addi %mul3A_6, %mul3A_572 : i32
        %multiple_of3A_574 = tpu.assume_multiple %add3A_573, 8 : i32
        %dma_start3A_575 = arith.constant 0 : i32
        %dma_start3A_576 = arith.constant 0 : i32
        %dma_start3A_577 = tpu.memref_slice %arg7[%dma_start3A_575, %dma_start3A_576] : memref<2x64xi32, #tpu.memory_space<vmem>> -> memref<1x64xi32, #tpu.memory_space<vmem>>
        %dma_start3A_578 = tpu.memref_squeeze %dma_start3A_577 : memref<1x64xi32, #tpu.memory_space<vmem>> -> memref<64xi32, #tpu.memory_space<vmem>>
        %dma_start3A_579 = tpu.memref_slice %arg2[%multiple_of3A_574] : memref<320000xi32, #tpu.memory_space<hbm>> -> memref<64xi32, #tpu.memory_space<hbm>>
        %dma_start3A_580 = arith.constant 0 : i32
        %dma_start3A_581 = tpu.memref_slice %arg7[%dma_start3A_575, %dma_start3A_580] : memref<2x64xi32, #tpu.memory_space<vmem>> -> memref<1x64xi32, #tpu.memory_space<vmem>>
        %dma_start3A_582 = tpu.memref_squeeze %dma_start3A_581 : memref<1x64xi32, #tpu.memory_space<vmem>> -> memref<64xi32, #tpu.memory_space<vmem>>
        %dma_start3A_583 = tpu.memref_slice %arg2[%multiple_of3A_574] : memref<320000xi32, #tpu.memory_space<hbm>> -> memref<64xi32, #tpu.memory_space<hbm>>
        tpu.enqueue_dma source(%dma_start3A_583 : memref<64xi32, #tpu.memory_space<hbm>>) target(%dma_start3A_582 : memref<64xi32, #tpu.memory_space<vmem>>) target_semaphore(%arg22 : memref<!tpu.dma_semaphore, #tpu.memory_space<semaphore_mem>>)
        %dma_start3A_584 = arith.constant 1 : i32
        %dma_start3A_585 = arith.constant 0 : i32
        %dma_start3A_586 = tpu.memref_slice %arg7[%dma_start3A_584, %dma_start3A_585] : memref<2x64xi32, #tpu.memory_space<vmem>> -> memref<1x64xi32, #tpu.memory_space<vmem>>
        %dma_start3A_587 = tpu.memref_squeeze %dma_start3A_586 : memref<1x64xi32, #tpu.memory_space<vmem>> -> memref<64xi32, #tpu.memory_space<vmem>>
        %dma_start3A_588 = tpu.memref_slice %arg3[%multiple_of3A_574] : memref<320000xi32, #tpu.memory_space<hbm>> -> memref<64xi32, #tpu.memory_space<hbm>>
        %dma_start3A_589 = arith.constant 0 : i32
        %dma_start3A_590 = tpu.memref_slice %arg7[%dma_start3A_584, %dma_start3A_589] : memref<2x64xi32, #tpu.memory_space<vmem>> -> memref<1x64xi32, #tpu.memory_space<vmem>>
        %dma_start3A_591 = tpu.memref_squeeze %dma_start3A_590 : memref<1x64xi32, #tpu.memory_space<vmem>> -> memref<64xi32, #tpu.memory_space<vmem>>
        %dma_start3A_592 = tpu.memref_slice %arg3[%multiple_of3A_574] : memref<320000xi32, #tpu.memory_space<hbm>> -> memref<64xi32, #tpu.memory_space<hbm>>
        tpu.enqueue_dma source(%dma_start3A_592 : memref<64xi32, #tpu.memory_space<hbm>>) target(%dma_start3A_591 : memref<64xi32, #tpu.memory_space<vmem>>) target_semaphore(%arg22 : memref<!tpu.dma_semaphore, #tpu.memory_space<semaphore_mem>>)
      } else {
      }
      %add3A_401 = arith.constant 4 : i32
      %add3A_402 = arith.addi %add3A_387, %add3A_401 : i32
      %lt3A_403 = arith.constant 156 : i32
      %lt3A_404 = arith.cmpi slt, %add3A_402, %lt3A_403 : i32
      %convert_element_type3A_405 = arith.extui %lt3A_404 : i1 to i32
      %cond3A_406 = arith.constant 0 : i32
      %cond3A_407 = arith.cmpi ne, %convert_element_type3A_405, %cond3A_406 : i32
      scf.if %cond3A_407 {
        %dma_wait3A_569 = arith.constant 0 : i32
        %dma_wait3A_570 = arith.constant 0 : i32
        %dma_wait3A_571 = tpu.memref_slice %arg11[%dma_wait3A_569, %dma_wait3A_570] : memref<2x64xi32, #tpu.memory_space<vmem>> -> memref<1x64xi32, #tpu.memory_space<vmem>>
        %dma_wait3A_572 = tpu.memref_squeeze %dma_wait3A_571 : memref<1x64xi32, #tpu.memory_space<vmem>> -> memref<64xi32, #tpu.memory_space<vmem>>
        %dma_wait3A_573 = arith.constant 0 : i32
        %dma_wait3A_574 = tpu.memref_slice %arg2[%dma_wait3A_573] : memref<320000xi32, #tpu.memory_space<hbm>> -> memref<64xi32, #tpu.memory_space<hbm>>
        %dma_wait3A_575 = arith.constant 0 : i32
        %dma_wait3A_576 = tpu.memref_slice %arg11[%dma_wait3A_569, %dma_wait3A_575] : memref<2x64xi32, #tpu.memory_space<vmem>> -> memref<1x64xi32, #tpu.memory_space<vmem>>
        %dma_wait3A_577 = tpu.memref_squeeze %dma_wait3A_576 : memref<1x64xi32, #tpu.memory_space<vmem>> -> memref<64xi32, #tpu.memory_space<vmem>>
        %dma_wait3A_578 = arith.constant 0 : i32
        %dma_wait3A_579 = tpu.memref_slice %arg2[%dma_wait3A_578] : memref<320000xi32, #tpu.memory_space<hbm>> -> memref<64xi32, #tpu.memory_space<hbm>>
        tpu.wait_dma2 semaphore(%arg26 : memref<!tpu.dma_semaphore, #tpu.memory_space<semaphore_mem>>) src(%dma_wait3A_579 : memref<64xi32, #tpu.memory_space<hbm>>) dst(%dma_wait3A_577 : memref<64xi32, #tpu.memory_space<vmem>>)
        %dma_wait3A_580 = arith.constant 1 : i32
        %dma_wait3A_581 = arith.constant 0 : i32
        %dma_wait3A_582 = tpu.memref_slice %arg11[%dma_wait3A_580, %dma_wait3A_581] : memref<2x64xi32, #tpu.memory_space<vmem>> -> memref<1x64xi32, #tpu.memory_space<vmem>>
        %dma_wait3A_583 = tpu.memref_squeeze %dma_wait3A_582 : memref<1x64xi32, #tpu.memory_space<vmem>> -> memref<64xi32, #tpu.memory_space<vmem>>
        %dma_wait3A_584 = arith.constant 0 : i32
        %dma_wait3A_585 = tpu.memref_slice %arg2[%dma_wait3A_584] : memref<320000xi32, #tpu.memory_space<hbm>> -> memref<64xi32, #tpu.memory_space<hbm>>
        %dma_wait3A_586 = arith.constant 0 : i32
        %dma_wait3A_587 = tpu.memref_slice %arg11[%dma_wait3A_580, %dma_wait3A_586] : memref<2x64xi32, #tpu.memory_space<vmem>> -> memref<1x64xi32, #tpu.memory_space<vmem>>
        %dma_wait3A_588 = tpu.memref_squeeze %dma_wait3A_587 : memref<1x64xi32, #tpu.memory_space<vmem>> -> memref<64xi32, #tpu.memory_space<vmem>>
        %dma_wait3A_589 = arith.constant 0 : i32
        %dma_wait3A_590 = tpu.memref_slice %arg2[%dma_wait3A_589] : memref<320000xi32, #tpu.memory_space<hbm>> -> memref<64xi32, #tpu.memory_space<hbm>>
        tpu.wait_dma2 semaphore(%arg26 : memref<!tpu.dma_semaphore, #tpu.memory_space<semaphore_mem>>) src(%dma_wait3A_590 : memref<64xi32, #tpu.memory_space<hbm>>) dst(%dma_wait3A_588 : memref<64xi32, #tpu.memory_space<vmem>>)
        %dma_start3A_591 = arith.constant 0 : i32
        %dma_start3A_592 = arith.constant 0 : i32
        %dma_start3A_593 = tpu.memref_slice %arg11[%dma_start3A_591, %dma_start3A_592] : memref<2x64xi32, #tpu.memory_space<vmem>> -> memref<1x64xi32, #tpu.memory_space<vmem>>
        %dma_start3A_594 = tpu.memref_squeeze %dma_start3A_593 : memref<1x64xi32, #tpu.memory_space<vmem>> -> memref<64xi32, #tpu.memory_space<vmem>>
        %dma_start3A_595 = arith.constant 0 : i32
        %dma_start3A_596 = arith.constant 0 : i32
        %dma_start3A_597 = tpu.memref_slice %arg4[%dma_start3A_595, %dma_start3A_596] : memref<10000x128xf32, #tpu.memory_space<hbm>> -> memref<10000x128xf32, #tpu.memory_space<hbm>>
        tpu.enqueue_indirect_dma source(%dma_start3A_597 : memref<10000x128xf32, #tpu.memory_space<hbm>>) target(%arg16 : memref<64x128xf32, #tpu.memory_space<vmem>>) offsets(%dma_start3A_594 : memref<64xi32, #tpu.memory_space<vmem>>) semaphore(%arg30 : memref<!tpu.dma_semaphore, #tpu.memory_space<semaphore_mem>>)
      } else {
      }
      %add3A_408 = arith.constant 1 : i32
      %add3A_409 = arith.addi %mul3A_385, %add3A_408 : i32
      %dma_wait3A_410 = arith.constant 0 : i32
      %dma_wait3A_411 = arith.constant 0 : i32
      %dma_wait3A_412 = tpu.memref_slice %arg4[%dma_wait3A_410, %dma_wait3A_411] : memref<10000x128xf32, #tpu.memory_space<hbm>> -> memref<64x128xf32, #tpu.memory_space<hbm>>
      %dma_wait3A_413 = arith.constant 0 : i32
      %dma_wait3A_414 = arith.constant 0 : i32
      %dma_wait3A_415 = tpu.memref_slice %arg4[%dma_wait3A_413, %dma_wait3A_414] : memref<10000x128xf32, #tpu.memory_space<hbm>> -> memref<64x128xf32, #tpu.memory_space<hbm>>
      tpu.wait_dma2 semaphore(%arg31 : memref<!tpu.dma_semaphore, #tpu.memory_space<semaphore_mem>>) src(%dma_wait3A_415 : memref<64x128xf32, #tpu.memory_space<hbm>>) dst(%arg17 : memref<64x128xf32, #tpu.memory_space<vmem>>)
      %run_scoped3A_416 = arith.constant 1 : i32
      "tpu.region"() ({
        %run_scoped3A_569 = tpu.sem_alloc : memref<!tpu.dma_semaphore, #tpu.memory_space<semaphore_mem>>
        %dma_start3A_570 = arith.constant 0 : i32
        %dma_start3A_571 = tpu.memref_slice %arg8[%run_scoped3A_416, %dma_start3A_570] : memref<2x64xi32, #tpu.memory_space<vmem>> -> memref<1x64xi32, #tpu.memory_space<vmem>>
        %dma_start3A_572 = tpu.memref_squeeze %dma_start3A_571 : memref<1x64xi32, #tpu.memory_space<vmem>> -> memref<64xi32, #tpu.memory_space<vmem>>
        %dma_start3A_573 = arith.constant 0 : i32
        %dma_start3A_574 = arith.constant 0 : i32
        %dma_start3A_575 = tpu.memref_slice %arg21[%dma_start3A_573, %dma_start3A_574] : memref<10000x128xf32, #tpu.memory_space<vmem_shared>> -> memref<10000x128xf32, #tpu.memory_space<vmem_shared>>
        tpu.enqueue_indirect_dma source(%arg17 : memref<64x128xf32, #tpu.memory_space<vmem>>) target(%dma_start3A_575 : memref<10000x128xf32, #tpu.memory_space<vmem_shared>>) offsets(%dma_start3A_572 : memref<64xi32, #tpu.memory_space<vmem>>) semaphore(%run_scoped3A_569 : memref<!tpu.dma_semaphore, #tpu.memory_space<semaphore_mem>>) {add = true}
        %dma_wait3A_576 = arith.constant 0 : i32
        %dma_wait3A_577 = tpu.memref_slice %arg8[%run_scoped3A_416, %dma_wait3A_576] : memref<2x64xi32, #tpu.memory_space<vmem>> -> memref<1x64xi32, #tpu.memory_space<vmem>>
        %dma_wait3A_578 = tpu.memref_squeeze %dma_wait3A_577 : memref<1x64xi32, #tpu.memory_space<vmem>> -> memref<64xi32, #tpu.memory_space<vmem>>
        %dma_wait3A_579 = arith.constant 0 : i32
        %dma_wait3A_580 = arith.constant 0 : i32
        %dma_wait3A_581 = tpu.memref_slice %arg21[%dma_wait3A_579, %dma_wait3A_580] : memref<10000x128xf32, #tpu.memory_space<vmem_shared>> -> memref<10000x128xf32, #tpu.memory_space<vmem_shared>>
        tpu.wait_indirect_dma semaphore(%run_scoped3A_569 : memref<!tpu.dma_semaphore, #tpu.memory_space<semaphore_mem>>) src(%arg17 : memref<64x128xf32, #tpu.memory_space<vmem>>) dst(%dma_wait3A_581 : memref<10000x128xf32, #tpu.memory_space<vmem_shared>>)
        tpu.yield
      }) : () -> ()
      %add3A_417 = arith.constant 8 : i32
      %add3A_418 = arith.addi %add3A_409, %add3A_417 : i32
      %lt3A_419 = arith.constant 156 : i32
      %lt3A_420 = arith.cmpi slt, %add3A_418, %lt3A_419 : i32
      %convert_element_type3A_421 = arith.extui %lt3A_420 : i1 to i32
      %cond3A_422 = arith.constant 0 : i32
      %cond3A_423 = arith.cmpi ne, %convert_element_type3A_421, %cond3A_422 : i32
      scf.if %cond3A_423 {
        %add3A_569 = arith.constant 8 : i32
        %add3A_570 = arith.addi %add3A_409, %add3A_569 : i32
        %mul3A_571 = arith.constant 64 : i32
        %mul3A_572 = arith.muli %add3A_570, %mul3A_571 : i32
        %add3A_573 = arith.addi %mul3A_6, %mul3A_572 : i32
        %multiple_of3A_574 = tpu.assume_multiple %add3A_573, 8 : i32
        %dma_start3A_575 = arith.constant 0 : i32
        %dma_start3A_576 = arith.constant 0 : i32
        %dma_start3A_577 = tpu.memref_slice %arg8[%dma_start3A_575, %dma_start3A_576] : memref<2x64xi32, #tpu.memory_space<vmem>> -> memref<1x64xi32, #tpu.memory_space<vmem>>
        %dma_start3A_578 = tpu.memref_squeeze %dma_start3A_577 : memref<1x64xi32, #tpu.memory_space<vmem>> -> memref<64xi32, #tpu.memory_space<vmem>>
        %dma_start3A_579 = tpu.memref_slice %arg2[%multiple_of3A_574] : memref<320000xi32, #tpu.memory_space<hbm>> -> memref<64xi32, #tpu.memory_space<hbm>>
        %dma_start3A_580 = arith.constant 0 : i32
        %dma_start3A_581 = tpu.memref_slice %arg8[%dma_start3A_575, %dma_start3A_580] : memref<2x64xi32, #tpu.memory_space<vmem>> -> memref<1x64xi32, #tpu.memory_space<vmem>>
        %dma_start3A_582 = tpu.memref_squeeze %dma_start3A_581 : memref<1x64xi32, #tpu.memory_space<vmem>> -> memref<64xi32, #tpu.memory_space<vmem>>
        %dma_start3A_583 = tpu.memref_slice %arg2[%multiple_of3A_574] : memref<320000xi32, #tpu.memory_space<hbm>> -> memref<64xi32, #tpu.memory_space<hbm>>
        tpu.enqueue_dma source(%dma_start3A_583 : memref<64xi32, #tpu.memory_space<hbm>>) target(%dma_start3A_582 : memref<64xi32, #tpu.memory_space<vmem>>) target_semaphore(%arg23 : memref<!tpu.dma_semaphore, #tpu.memory_space<semaphore_mem>>)
        %dma_start3A_584 = arith.constant 1 : i32
        %dma_start3A_585 = arith.constant 0 : i32
        %dma_start3A_586 = tpu.memref_slice %arg8[%dma_start3A_584, %dma_start3A_585] : memref<2x64xi32, #tpu.memory_space<vmem>> -> memref<1x64xi32, #tpu.memory_space<vmem>>
        %dma_start3A_587 = tpu.memref_squeeze %dma_start3A_586 : memref<1x64xi32, #tpu.memory_space<vmem>> -> memref<64xi32, #tpu.memory_space<vmem>>
        %dma_start3A_588 = tpu.memref_slice %arg3[%multiple_of3A_574] : memref<320000xi32, #tpu.memory_space<hbm>> -> memref<64xi32, #tpu.memory_space<hbm>>
        %dma_start3A_589 = arith.constant 0 : i32
        %dma_start3A_590 = tpu.memref_slice %arg8[%dma_start3A_584, %dma_start3A_589] : memref<2x64xi32, #tpu.memory_space<vmem>> -> memref<1x64xi32, #tpu.memory_space<vmem>>
        %dma_start3A_591 = tpu.memref_squeeze %dma_start3A_590 : memref<1x64xi32, #tpu.memory_space<vmem>> -> memref<64xi32, #tpu.memory_space<vmem>>
        %dma_start3A_592 = tpu.memref_slice %arg3[%multiple_of3A_574] : memref<320000xi32, #tpu.memory_space<hbm>> -> memref<64xi32, #tpu.memory_space<hbm>>
        tpu.enqueue_dma source(%dma_start3A_592 : memref<64xi32, #tpu.memory_space<hbm>>) target(%dma_start3A_591 : memref<64xi32, #tpu.memory_space<vmem>>) target_semaphore(%arg23 : memref<!tpu.dma_semaphore, #tpu.memory_space<semaphore_mem>>)
      } else {
      }
      %add3A_424 = arith.constant 4 : i32
      %add3A_425 = arith.addi %add3A_409, %add3A_424 : i32
      %lt3A_426 = arith.constant 156 : i32
      %lt3A_427 = arith.cmpi slt, %add3A_425, %lt3A_426 : i32
      %convert_element_type3A_428 = arith.extui %lt3A_427 : i1 to i32
      %cond3A_429 = arith.constant 0 : i32
      %cond3A_430 = arith.cmpi ne, %convert_element_type3A_428, %cond3A_429 : i32
      scf.if %cond3A_430 {
        %dma_wait3A_569 = arith.constant 0 : i32
        %dma_wait3A_570 = arith.constant 0 : i32
        %dma_wait3A_571 = tpu.memref_slice %arg12[%dma_wait3A_569, %dma_wait3A_570] : memref<2x64xi32, #tpu.memory_space<vmem>> -> memref<1x64xi32, #tpu.memory_space<vmem>>
        %dma_wait3A_572 = tpu.memref_squeeze %dma_wait3A_571 : memref<1x64xi32, #tpu.memory_space<vmem>> -> memref<64xi32, #tpu.memory_space<vmem>>
        %dma_wait3A_573 = arith.constant 0 : i32
        %dma_wait3A_574 = tpu.memref_slice %arg2[%dma_wait3A_573] : memref<320000xi32, #tpu.memory_space<hbm>> -> memref<64xi32, #tpu.memory_space<hbm>>
        %dma_wait3A_575 = arith.constant 0 : i32
        %dma_wait3A_576 = tpu.memref_slice %arg12[%dma_wait3A_569, %dma_wait3A_575] : memref<2x64xi32, #tpu.memory_space<vmem>> -> memref<1x64xi32, #tpu.memory_space<vmem>>
        %dma_wait3A_577 = tpu.memref_squeeze %dma_wait3A_576 : memref<1x64xi32, #tpu.memory_space<vmem>> -> memref<64xi32, #tpu.memory_space<vmem>>
        %dma_wait3A_578 = arith.constant 0 : i32
        %dma_wait3A_579 = tpu.memref_slice %arg2[%dma_wait3A_578] : memref<320000xi32, #tpu.memory_space<hbm>> -> memref<64xi32, #tpu.memory_space<hbm>>
        tpu.wait_dma2 semaphore(%arg27 : memref<!tpu.dma_semaphore, #tpu.memory_space<semaphore_mem>>) src(%dma_wait3A_579 : memref<64xi32, #tpu.memory_space<hbm>>) dst(%dma_wait3A_577 : memref<64xi32, #tpu.memory_space<vmem>>)
        %dma_wait3A_580 = arith.constant 1 : i32
        %dma_wait3A_581 = arith.constant 0 : i32
        %dma_wait3A_582 = tpu.memref_slice %arg12[%dma_wait3A_580, %dma_wait3A_581] : memref<2x64xi32, #tpu.memory_space<vmem>> -> memref<1x64xi32, #tpu.memory_space<vmem>>
        %dma_wait3A_583 = tpu.memref_squeeze %dma_wait3A_582 : memref<1x64xi32, #tpu.memory_space<vmem>> -> memref<64xi32, #tpu.memory_space<vmem>>
        %dma_wait3A_584 = arith.constant 0 : i32
        %dma_wait3A_585 = tpu.memref_slice %arg2[%dma_wait3A_584] : memref<320000xi32, #tpu.memory_space<hbm>> -> memref<64xi32, #tpu.memory_space<hbm>>
        %dma_wait3A_586 = arith.constant 0 : i32
        %dma_wait3A_587 = tpu.memref_slice %arg12[%dma_wait3A_580, %dma_wait3A_586] : memref<2x64xi32, #tpu.memory_space<vmem>> -> memref<1x64xi32, #tpu.memory_space<vmem>>
        %dma_wait3A_588 = tpu.memref_squeeze %dma_wait3A_587 : memref<1x64xi32, #tpu.memory_space<vmem>> -> memref<64xi32, #tpu.memory_space<vmem>>
        %dma_wait3A_589 = arith.constant 0 : i32
        %dma_wait3A_590 = tpu.memref_slice %arg2[%dma_wait3A_589] : memref<320000xi32, #tpu.memory_space<hbm>> -> memref<64xi32, #tpu.memory_space<hbm>>
        tpu.wait_dma2 semaphore(%arg27 : memref<!tpu.dma_semaphore, #tpu.memory_space<semaphore_mem>>) src(%dma_wait3A_590 : memref<64xi32, #tpu.memory_space<hbm>>) dst(%dma_wait3A_588 : memref<64xi32, #tpu.memory_space<vmem>>)
        %dma_start3A_591 = arith.constant 0 : i32
        %dma_start3A_592 = arith.constant 0 : i32
        %dma_start3A_593 = tpu.memref_slice %arg12[%dma_start3A_591, %dma_start3A_592] : memref<2x64xi32, #tpu.memory_space<vmem>> -> memref<1x64xi32, #tpu.memory_space<vmem>>
        %dma_start3A_594 = tpu.memref_squeeze %dma_start3A_593 : memref<1x64xi32, #tpu.memory_space<vmem>> -> memref<64xi32, #tpu.memory_space<vmem>>
        %dma_start3A_595 = arith.constant 0 : i32
        %dma_start3A_596 = arith.constant 0 : i32
        %dma_start3A_597 = tpu.memref_slice %arg4[%dma_start3A_595, %dma_start3A_596] : memref<10000x128xf32, #tpu.memory_space<hbm>> -> memref<10000x128xf32, #tpu.memory_space<hbm>>
        tpu.enqueue_indirect_dma source(%dma_start3A_597 : memref<10000x128xf32, #tpu.memory_space<hbm>>) target(%arg17 : memref<64x128xf32, #tpu.memory_space<vmem>>) offsets(%dma_start3A_594 : memref<64xi32, #tpu.memory_space<vmem>>) semaphore(%arg31 : memref<!tpu.dma_semaphore, #tpu.memory_space<semaphore_mem>>)
      } else {
      }
      %add3A_431 = arith.constant 2 : i32
      %add3A_432 = arith.addi %mul3A_385, %add3A_431 : i32
      %dma_wait3A_433 = arith.constant 0 : i32
      %dma_wait3A_434 = arith.constant 0 : i32
      %dma_wait3A_435 = tpu.memref_slice %arg4[%dma_wait3A_433, %dma_wait3A_434] : memref<10000x128xf32, #tpu.memory_space<hbm>> -> memref<64x128xf32, #tpu.memory_space<hbm>>
      %dma_wait3A_436 = arith.constant 0 : i32
      %dma_wait3A_437 = arith.constant 0 : i32
      %dma_wait3A_438 = tpu.memref_slice %arg4[%dma_wait3A_436, %dma_wait3A_437] : memref<10000x128xf32, #tpu.memory_space<hbm>> -> memref<64x128xf32, #tpu.memory_space<hbm>>
      tpu.wait_dma2 semaphore(%arg32 : memref<!tpu.dma_semaphore, #tpu.memory_space<semaphore_mem>>) src(%dma_wait3A_438 : memref<64x128xf32, #tpu.memory_space<hbm>>) dst(%arg18 : memref<64x128xf32, #tpu.memory_space<vmem>>)
      %run_scoped3A_439 = arith.constant 1 : i32
      "tpu.region"() ({
        %run_scoped3A_569 = tpu.sem_alloc : memref<!tpu.dma_semaphore, #tpu.memory_space<semaphore_mem>>
        %dma_start3A_570 = arith.constant 0 : i32
        %dma_start3A_571 = tpu.memref_slice %arg9[%run_scoped3A_439, %dma_start3A_570] : memref<2x64xi32, #tpu.memory_space<vmem>> -> memref<1x64xi32, #tpu.memory_space<vmem>>
        %dma_start3A_572 = tpu.memref_squeeze %dma_start3A_571 : memref<1x64xi32, #tpu.memory_space<vmem>> -> memref<64xi32, #tpu.memory_space<vmem>>
        %dma_start3A_573 = arith.constant 0 : i32
        %dma_start3A_574 = arith.constant 0 : i32
        %dma_start3A_575 = tpu.memref_slice %arg21[%dma_start3A_573, %dma_start3A_574] : memref<10000x128xf32, #tpu.memory_space<vmem_shared>> -> memref<10000x128xf32, #tpu.memory_space<vmem_shared>>
        tpu.enqueue_indirect_dma source(%arg18 : memref<64x128xf32, #tpu.memory_space<vmem>>) target(%dma_start3A_575 : memref<10000x128xf32, #tpu.memory_space<vmem_shared>>) offsets(%dma_start3A_572 : memref<64xi32, #tpu.memory_space<vmem>>) semaphore(%run_scoped3A_569 : memref<!tpu.dma_semaphore, #tpu.memory_space<semaphore_mem>>) {add = true}
        %dma_wait3A_576 = arith.constant 0 : i32
        %dma_wait3A_577 = tpu.memref_slice %arg9[%run_scoped3A_439, %dma_wait3A_576] : memref<2x64xi32, #tpu.memory_space<vmem>> -> memref<1x64xi32, #tpu.memory_space<vmem>>
        %dma_wait3A_578 = tpu.memref_squeeze %dma_wait3A_577 : memref<1x64xi32, #tpu.memory_space<vmem>> -> memref<64xi32, #tpu.memory_space<vmem>>
        %dma_wait3A_579 = arith.constant 0 : i32
        %dma_wait3A_580 = arith.constant 0 : i32
        %dma_wait3A_581 = tpu.memref_slice %arg21[%dma_wait3A_579, %dma_wait3A_580] : memref<10000x128xf32, #tpu.memory_space<vmem_shared>> -> memref<10000x128xf32, #tpu.memory_space<vmem_shared>>
        tpu.wait_indirect_dma semaphore(%run_scoped3A_569 : memref<!tpu.dma_semaphore, #tpu.memory_space<semaphore_mem>>) src(%arg18 : memref<64x128xf32, #tpu.memory_space<vmem>>) dst(%dma_wait3A_581 : memref<10000x128xf32, #tpu.memory_space<vmem_shared>>)
        tpu.yield
      }) : () -> ()
      %add3A_440 = arith.constant 8 : i32
      %add3A_441 = arith.addi %add3A_432, %add3A_440 : i32
      %lt3A_442 = arith.constant 156 : i32
      %lt3A_443 = arith.cmpi slt, %add3A_441, %lt3A_442 : i32
      %convert_element_type3A_444 = arith.extui %lt3A_443 : i1 to i32
      %cond3A_445 = arith.constant 0 : i32
      %cond3A_446 = arith.cmpi ne, %convert_element_type3A_444, %cond3A_445 : i32
      scf.if %cond3A_446 {
        %add3A_569 = arith.constant 8 : i32
        %add3A_570 = arith.addi %add3A_432, %add3A_569 : i32
        %mul3A_571 = arith.constant 64 : i32
        %mul3A_572 = arith.muli %add3A_570, %mul3A_571 : i32
        %add3A_573 = arith.addi %mul3A_6, %mul3A_572 : i32
        %multiple_of3A_574 = tpu.assume_multiple %add3A_573, 8 : i32
        %dma_start3A_575 = arith.constant 0 : i32
        %dma_start3A_576 = arith.constant 0 : i32
        %dma_start3A_577 = tpu.memref_slice %arg9[%dma_start3A_575, %dma_start3A_576] : memref<2x64xi32, #tpu.memory_space<vmem>> -> memref<1x64xi32, #tpu.memory_space<vmem>>
        %dma_start3A_578 = tpu.memref_squeeze %dma_start3A_577 : memref<1x64xi32, #tpu.memory_space<vmem>> -> memref<64xi32, #tpu.memory_space<vmem>>
        %dma_start3A_579 = tpu.memref_slice %arg2[%multiple_of3A_574] : memref<320000xi32, #tpu.memory_space<hbm>> -> memref<64xi32, #tpu.memory_space<hbm>>
        %dma_start3A_580 = arith.constant 0 : i32
        %dma_start3A_581 = tpu.memref_slice %arg9[%dma_start3A_575, %dma_start3A_580] : memref<2x64xi32, #tpu.memory_space<vmem>> -> memref<1x64xi32, #tpu.memory_space<vmem>>
        %dma_start3A_582 = tpu.memref_squeeze %dma_start3A_581 : memref<1x64xi32, #tpu.memory_space<vmem>> -> memref<64xi32, #tpu.memory_space<vmem>>
        %dma_start3A_583 = tpu.memref_slice %arg2[%multiple_of3A_574] : memref<320000xi32, #tpu.memory_space<hbm>> -> memref<64xi32, #tpu.memory_space<hbm>>
        tpu.enqueue_dma source(%dma_start3A_583 : memref<64xi32, #tpu.memory_space<hbm>>) target(%dma_start3A_582 : memref<64xi32, #tpu.memory_space<vmem>>) target_semaphore(%arg24 : memref<!tpu.dma_semaphore, #tpu.memory_space<semaphore_mem>>)
        %dma_start3A_584 = arith.constant 1 : i32
        %dma_start3A_585 = arith.constant 0 : i32
        %dma_start3A_586 = tpu.memref_slice %arg9[%dma_start3A_584, %dma_start3A_585] : memref<2x64xi32, #tpu.memory_space<vmem>> -> memref<1x64xi32, #tpu.memory_space<vmem>>
        %dma_start3A_587 = tpu.memref_squeeze %dma_start3A_586 : memref<1x64xi32, #tpu.memory_space<vmem>> -> memref<64xi32, #tpu.memory_space<vmem>>
        %dma_start3A_588 = tpu.memref_slice %arg3[%multiple_of3A_574] : memref<320000xi32, #tpu.memory_space<hbm>> -> memref<64xi32, #tpu.memory_space<hbm>>
        %dma_start3A_589 = arith.constant 0 : i32
        %dma_start3A_590 = tpu.memref_slice %arg9[%dma_start3A_584, %dma_start3A_589] : memref<2x64xi32, #tpu.memory_space<vmem>> -> memref<1x64xi32, #tpu.memory_space<vmem>>
        %dma_start3A_591 = tpu.memref_squeeze %dma_start3A_590 : memref<1x64xi32, #tpu.memory_space<vmem>> -> memref<64xi32, #tpu.memory_space<vmem>>
        %dma_start3A_592 = tpu.memref_slice %arg3[%multiple_of3A_574] : memref<320000xi32, #tpu.memory_space<hbm>> -> memref<64xi32, #tpu.memory_space<hbm>>
        tpu.enqueue_dma source(%dma_start3A_592 : memref<64xi32, #tpu.memory_space<hbm>>) target(%dma_start3A_591 : memref<64xi32, #tpu.memory_space<vmem>>) target_semaphore(%arg24 : memref<!tpu.dma_semaphore, #tpu.memory_space<semaphore_mem>>)
      } else {
      }
      %add3A_447 = arith.constant 4 : i32
      %add3A_448 = arith.addi %add3A_432, %add3A_447 : i32
      %lt3A_449 = arith.constant 156 : i32
      %lt3A_450 = arith.cmpi slt, %add3A_448, %lt3A_449 : i32
      %convert_element_type3A_451 = arith.extui %lt3A_450 : i1 to i32
      %cond3A_452 = arith.constant 0 : i32
      %cond3A_453 = arith.cmpi ne, %convert_element_type3A_451, %cond3A_452 : i32
      scf.if %cond3A_453 {
        %dma_wait3A_569 = arith.constant 0 : i32
        %dma_wait3A_570 = arith.constant 0 : i32
        %dma_wait3A_571 = tpu.memref_slice %arg13[%dma_wait3A_569, %dma_wait3A_570] : memref<2x64xi32, #tpu.memory_space<vmem>> -> memref<1x64xi32, #tpu.memory_space<vmem>>
        %dma_wait3A_572 = tpu.memref_squeeze %dma_wait3A_571 : memref<1x64xi32, #tpu.memory_space<vmem>> -> memref<64xi32, #tpu.memory_space<vmem>>
        %dma_wait3A_573 = arith.constant 0 : i32
        %dma_wait3A_574 = tpu.memref_slice %arg2[%dma_wait3A_573] : memref<320000xi32, #tpu.memory_space<hbm>> -> memref<64xi32, #tpu.memory_space<hbm>>
        %dma_wait3A_575 = arith.constant 0 : i32
        %dma_wait3A_576 = tpu.memref_slice %arg13[%dma_wait3A_569, %dma_wait3A_575] : memref<2x64xi32, #tpu.memory_space<vmem>> -> memref<1x64xi32, #tpu.memory_space<vmem>>
        %dma_wait3A_577 = tpu.memref_squeeze %dma_wait3A_576 : memref<1x64xi32, #tpu.memory_space<vmem>> -> memref<64xi32, #tpu.memory_space<vmem>>
        %dma_wait3A_578 = arith.constant 0 : i32
        %dma_wait3A_579 = tpu.memref_slice %arg2[%dma_wait3A_578] : memref<320000xi32, #tpu.memory_space<hbm>> -> memref<64xi32, #tpu.memory_space<hbm>>
        tpu.wait_dma2 semaphore(%arg28 : memref<!tpu.dma_semaphore, #tpu.memory_space<semaphore_mem>>) src(%dma_wait3A_579 : memref<64xi32, #tpu.memory_space<hbm>>) dst(%dma_wait3A_577 : memref<64xi32, #tpu.memory_space<vmem>>)
        %dma_wait3A_580 = arith.constant 1 : i32
        %dma_wait3A_581 = arith.constant 0 : i32
        %dma_wait3A_582 = tpu.memref_slice %arg13[%dma_wait3A_580, %dma_wait3A_581] : memref<2x64xi32, #tpu.memory_space<vmem>> -> memref<1x64xi32, #tpu.memory_space<vmem>>
        %dma_wait3A_583 = tpu.memref_squeeze %dma_wait3A_582 : memref<1x64xi32, #tpu.memory_space<vmem>> -> memref<64xi32, #tpu.memory_space<vmem>>
        %dma_wait3A_584 = arith.constant 0 : i32
        %dma_wait3A_585 = tpu.memref_slice %arg2[%dma_wait3A_584] : memref<320000xi32, #tpu.memory_space<hbm>> -> memref<64xi32, #tpu.memory_space<hbm>>
        %dma_wait3A_586 = arith.constant 0 : i32
        %dma_wait3A_587 = tpu.memref_slice %arg13[%dma_wait3A_580, %dma_wait3A_586] : memref<2x64xi32, #tpu.memory_space<vmem>> -> memref<1x64xi32, #tpu.memory_space<vmem>>
        %dma_wait3A_588 = tpu.memref_squeeze %dma_wait3A_587 : memref<1x64xi32, #tpu.memory_space<vmem>> -> memref<64xi32, #tpu.memory_space<vmem>>
        %dma_wait3A_589 = arith.constant 0 : i32
        %dma_wait3A_590 = tpu.memref_slice %arg2[%dma_wait3A_589] : memref<320000xi32, #tpu.memory_space<hbm>> -> memref<64xi32, #tpu.memory_space<hbm>>
        tpu.wait_dma2 semaphore(%arg28 : memref<!tpu.dma_semaphore, #tpu.memory_space<semaphore_mem>>) src(%dma_wait3A_590 : memref<64xi32, #tpu.memory_space<hbm>>) dst(%dma_wait3A_588 : memref<64xi32, #tpu.memory_space<vmem>>)
        %dma_start3A_591 = arith.constant 0 : i32
        %dma_start3A_592 = arith.constant 0 : i32
        %dma_start3A_593 = tpu.memref_slice %arg13[%dma_start3A_591, %dma_start3A_592] : memref<2x64xi32, #tpu.memory_space<vmem>> -> memref<1x64xi32, #tpu.memory_space<vmem>>
        %dma_start3A_594 = tpu.memref_squeeze %dma_start3A_593 : memref<1x64xi32, #tpu.memory_space<vmem>> -> memref<64xi32, #tpu.memory_space<vmem>>
        %dma_start3A_595 = arith.constant 0 : i32
        %dma_start3A_596 = arith.constant 0 : i32
        %dma_start3A_597 = tpu.memref_slice %arg4[%dma_start3A_595, %dma_start3A_596] : memref<10000x128xf32, #tpu.memory_space<hbm>> -> memref<10000x128xf32, #tpu.memory_space<hbm>>
        tpu.enqueue_indirect_dma source(%dma_start3A_597 : memref<10000x128xf32, #tpu.memory_space<hbm>>) target(%arg18 : memref<64x128xf32, #tpu.memory_space<vmem>>) offsets(%dma_start3A_594 : memref<64xi32, #tpu.memory_space<vmem>>) semaphore(%arg32 : memref<!tpu.dma_semaphore, #tpu.memory_space<semaphore_mem>>)
      } else {
      }
      %add3A_454 = arith.constant 3 : i32
      %add3A_455 = arith.addi %mul3A_385, %add3A_454 : i32
      %dma_wait3A_456 = arith.constant 0 : i32
      %dma_wait3A_457 = arith.constant 0 : i32
      %dma_wait3A_458 = tpu.memref_slice %arg4[%dma_wait3A_456, %dma_wait3A_457] : memref<10000x128xf32, #tpu.memory_space<hbm>> -> memref<64x128xf32, #tpu.memory_space<hbm>>
      %dma_wait3A_459 = arith.constant 0 : i32
      %dma_wait3A_460 = arith.constant 0 : i32
      %dma_wait3A_461 = tpu.memref_slice %arg4[%dma_wait3A_459, %dma_wait3A_460] : memref<10000x128xf32, #tpu.memory_space<hbm>> -> memref<64x128xf32, #tpu.memory_space<hbm>>
      tpu.wait_dma2 semaphore(%arg33 : memref<!tpu.dma_semaphore, #tpu.memory_space<semaphore_mem>>) src(%dma_wait3A_461 : memref<64x128xf32, #tpu.memory_space<hbm>>) dst(%arg19 : memref<64x128xf32, #tpu.memory_space<vmem>>)
      %run_scoped3A_462 = arith.constant 1 : i32
      "tpu.region"() ({
        %run_scoped3A_569 = tpu.sem_alloc : memref<!tpu.dma_semaphore, #tpu.memory_space<semaphore_mem>>
        %dma_start3A_570 = arith.constant 0 : i32
        %dma_start3A_571 = tpu.memref_slice %arg10[%run_scoped3A_462, %dma_start3A_570] : memref<2x64xi32, #tpu.memory_space<vmem>> -> memref<1x64xi32, #tpu.memory_space<vmem>>
        %dma_start3A_572 = tpu.memref_squeeze %dma_start3A_571 : memref<1x64xi32, #tpu.memory_space<vmem>> -> memref<64xi32, #tpu.memory_space<vmem>>
        %dma_start3A_573 = arith.constant 0 : i32
        %dma_start3A_574 = arith.constant 0 : i32
        %dma_start3A_575 = tpu.memref_slice %arg21[%dma_start3A_573, %dma_start3A_574] : memref<10000x128xf32, #tpu.memory_space<vmem_shared>> -> memref<10000x128xf32, #tpu.memory_space<vmem_shared>>
        tpu.enqueue_indirect_dma source(%arg19 : memref<64x128xf32, #tpu.memory_space<vmem>>) target(%dma_start3A_575 : memref<10000x128xf32, #tpu.memory_space<vmem_shared>>) offsets(%dma_start3A_572 : memref<64xi32, #tpu.memory_space<vmem>>) semaphore(%run_scoped3A_569 : memref<!tpu.dma_semaphore, #tpu.memory_space<semaphore_mem>>) {add = true}
        %dma_wait3A_576 = arith.constant 0 : i32
        %dma_wait3A_577 = tpu.memref_slice %arg10[%run_scoped3A_462, %dma_wait3A_576] : memref<2x64xi32, #tpu.memory_space<vmem>> -> memref<1x64xi32, #tpu.memory_space<vmem>>
        %dma_wait3A_578 = tpu.memref_squeeze %dma_wait3A_577 : memref<1x64xi32, #tpu.memory_space<vmem>> -> memref<64xi32, #tpu.memory_space<vmem>>
        %dma_wait3A_579 = arith.constant 0 : i32
        %dma_wait3A_580 = arith.constant 0 : i32
        %dma_wait3A_581 = tpu.memref_slice %arg21[%dma_wait3A_579, %dma_wait3A_580] : memref<10000x128xf32, #tpu.memory_space<vmem_shared>> -> memref<10000x128xf32, #tpu.memory_space<vmem_shared>>
        tpu.wait_indirect_dma semaphore(%run_scoped3A_569 : memref<!tpu.dma_semaphore, #tpu.memory_space<semaphore_mem>>) src(%arg19 : memref<64x128xf32, #tpu.memory_space<vmem>>) dst(%dma_wait3A_581 : memref<10000x128xf32, #tpu.memory_space<vmem_shared>>)
        tpu.yield
      }) : () -> ()
      %add3A_463 = arith.constant 8 : i32
      %add3A_464 = arith.addi %add3A_455, %add3A_463 : i32
      %lt3A_465 = arith.constant 156 : i32
      %lt3A_466 = arith.cmpi slt, %add3A_464, %lt3A_465 : i32
      %convert_element_type3A_467 = arith.extui %lt3A_466 : i1 to i32
      %cond3A_468 = arith.constant 0 : i32
      %cond3A_469 = arith.cmpi ne, %convert_element_type3A_467, %cond3A_468 : i32
      scf.if %cond3A_469 {
        %add3A_569 = arith.constant 8 : i32
        %add3A_570 = arith.addi %add3A_455, %add3A_569 : i32
        %mul3A_571 = arith.constant 64 : i32
        %mul3A_572 = arith.muli %add3A_570, %mul3A_571 : i32
        %add3A_573 = arith.addi %mul3A_6, %mul3A_572 : i32
        %multiple_of3A_574 = tpu.assume_multiple %add3A_573, 8 : i32
        %dma_start3A_575 = arith.constant 0 : i32
        %dma_start3A_576 = arith.constant 0 : i32
        %dma_start3A_577 = tpu.memref_slice %arg10[%dma_start3A_575, %dma_start3A_576] : memref<2x64xi32, #tpu.memory_space<vmem>> -> memref<1x64xi32, #tpu.memory_space<vmem>>
        %dma_start3A_578 = tpu.memref_squeeze %dma_start3A_577 : memref<1x64xi32, #tpu.memory_space<vmem>> -> memref<64xi32, #tpu.memory_space<vmem>>
        %dma_start3A_579 = tpu.memref_slice %arg2[%multiple_of3A_574] : memref<320000xi32, #tpu.memory_space<hbm>> -> memref<64xi32, #tpu.memory_space<hbm>>
        %dma_start3A_580 = arith.constant 0 : i32
        %dma_start3A_581 = tpu.memref_slice %arg10[%dma_start3A_575, %dma_start3A_580] : memref<2x64xi32, #tpu.memory_space<vmem>> -> memref<1x64xi32, #tpu.memory_space<vmem>>
        %dma_start3A_582 = tpu.memref_squeeze %dma_start3A_581 : memref<1x64xi32, #tpu.memory_space<vmem>> -> memref<64xi32, #tpu.memory_space<vmem>>
        %dma_start3A_583 = tpu.memref_slice %arg2[%multiple_of3A_574] : memref<320000xi32, #tpu.memory_space<hbm>> -> memref<64xi32, #tpu.memory_space<hbm>>
        tpu.enqueue_dma source(%dma_start3A_583 : memref<64xi32, #tpu.memory_space<hbm>>) target(%dma_start3A_582 : memref<64xi32, #tpu.memory_space<vmem>>) target_semaphore(%arg25 : memref<!tpu.dma_semaphore, #tpu.memory_space<semaphore_mem>>)
        %dma_start3A_584 = arith.constant 1 : i32
        %dma_start3A_585 = arith.constant 0 : i32
        %dma_start3A_586 = tpu.memref_slice %arg10[%dma_start3A_584, %dma_start3A_585] : memref<2x64xi32, #tpu.memory_space<vmem>> -> memref<1x64xi32, #tpu.memory_space<vmem>>
        %dma_start3A_587 = tpu.memref_squeeze %dma_start3A_586 : memref<1x64xi32, #tpu.memory_space<vmem>> -> memref<64xi32, #tpu.memory_space<vmem>>
        %dma_start3A_588 = tpu.memref_slice %arg3[%multiple_of3A_574] : memref<320000xi32, #tpu.memory_space<hbm>> -> memref<64xi32, #tpu.memory_space<hbm>>
        %dma_start3A_589 = arith.constant 0 : i32
        %dma_start3A_590 = tpu.memref_slice %arg10[%dma_start3A_584, %dma_start3A_589] : memref<2x64xi32, #tpu.memory_space<vmem>> -> memref<1x64xi32, #tpu.memory_space<vmem>>
        %dma_start3A_591 = tpu.memref_squeeze %dma_start3A_590 : memref<1x64xi32, #tpu.memory_space<vmem>> -> memref<64xi32, #tpu.memory_space<vmem>>
        %dma_start3A_592 = tpu.memref_slice %arg3[%multiple_of3A_574] : memref<320000xi32, #tpu.memory_space<hbm>> -> memref<64xi32, #tpu.memory_space<hbm>>
        tpu.enqueue_dma source(%dma_start3A_592 : memref<64xi32, #tpu.memory_space<hbm>>) target(%dma_start3A_591 : memref<64xi32, #tpu.memory_space<vmem>>) target_semaphore(%arg25 : memref<!tpu.dma_semaphore, #tpu.memory_space<semaphore_mem>>)
      } else {
      }
      %add3A_470 = arith.constant 4 : i32
      %add3A_471 = arith.addi %add3A_455, %add3A_470 : i32
      %lt3A_472 = arith.constant 156 : i32
      %lt3A_473 = arith.cmpi slt, %add3A_471, %lt3A_472 : i32
      %convert_element_type3A_474 = arith.extui %lt3A_473 : i1 to i32
      %cond3A_475 = arith.constant 0 : i32
      %cond3A_476 = arith.cmpi ne, %convert_element_type3A_474, %cond3A_475 : i32
      scf.if %cond3A_476 {
        %dma_wait3A_569 = arith.constant 0 : i32
        %dma_wait3A_570 = arith.constant 0 : i32
        %dma_wait3A_571 = tpu.memref_slice %arg14[%dma_wait3A_569, %dma_wait3A_570] : memref<2x64xi32, #tpu.memory_space<vmem>> -> memref<1x64xi32, #tpu.memory_space<vmem>>
        %dma_wait3A_572 = tpu.memref_squeeze %dma_wait3A_571 : memref<1x64xi32, #tpu.memory_space<vmem>> -> memref<64xi32, #tpu.memory_space<vmem>>
        %dma_wait3A_573 = arith.constant 0 : i32
        %dma_wait3A_574 = tpu.memref_slice %arg2[%dma_wait3A_573] : memref<320000xi32, #tpu.memory_space<hbm>> -> memref<64xi32, #tpu.memory_space<hbm>>
        %dma_wait3A_575 = arith.constant 0 : i32
        %dma_wait3A_576 = tpu.memref_slice %arg14[%dma_wait3A_569, %dma_wait3A_575] : memref<2x64xi32, #tpu.memory_space<vmem>> -> memref<1x64xi32, #tpu.memory_space<vmem>>
        %dma_wait3A_577 = tpu.memref_squeeze %dma_wait3A_576 : memref<1x64xi32, #tpu.memory_space<vmem>> -> memref<64xi32, #tpu.memory_space<vmem>>
        %dma_wait3A_578 = arith.constant 0 : i32
        %dma_wait3A_579 = tpu.memref_slice %arg2[%dma_wait3A_578] : memref<320000xi32, #tpu.memory_space<hbm>> -> memref<64xi32, #tpu.memory_space<hbm>>
        tpu.wait_dma2 semaphore(%arg29 : memref<!tpu.dma_semaphore, #tpu.memory_space<semaphore_mem>>) src(%dma_wait3A_579 : memref<64xi32, #tpu.memory_space<hbm>>) dst(%dma_wait3A_577 : memref<64xi32, #tpu.memory_space<vmem>>)
        %dma_wait3A_580 = arith.constant 1 : i32
        %dma_wait3A_581 = arith.constant 0 : i32
        %dma_wait3A_582 = tpu.memref_slice %arg14[%dma_wait3A_580, %dma_wait3A_581] : memref<2x64xi32, #tpu.memory_space<vmem>> -> memref<1x64xi32, #tpu.memory_space<vmem>>
        %dma_wait3A_583 = tpu.memref_squeeze %dma_wait3A_582 : memref<1x64xi32, #tpu.memory_space<vmem>> -> memref<64xi32, #tpu.memory_space<vmem>>
        %dma_wait3A_584 = arith.constant 0 : i32
        %dma_wait3A_585 = tpu.memref_slice %arg2[%dma_wait3A_584] : memref<320000xi32, #tpu.memory_space<hbm>> -> memref<64xi32, #tpu.memory_space<hbm>>
        %dma_wait3A_586 = arith.constant 0 : i32
        %dma_wait3A_587 = tpu.memref_slice %arg14[%dma_wait3A_580, %dma_wait3A_586] : memref<2x64xi32, #tpu.memory_space<vmem>> -> memref<1x64xi32, #tpu.memory_space<vmem>>
        %dma_wait3A_588 = tpu.memref_squeeze %dma_wait3A_587 : memref<1x64xi32, #tpu.memory_space<vmem>> -> memref<64xi32, #tpu.memory_space<vmem>>
        %dma_wait3A_589 = arith.constant 0 : i32
        %dma_wait3A_590 = tpu.memref_slice %arg2[%dma_wait3A_589] : memref<320000xi32, #tpu.memory_space<hbm>> -> memref<64xi32, #tpu.memory_space<hbm>>
        tpu.wait_dma2 semaphore(%arg29 : memref<!tpu.dma_semaphore, #tpu.memory_space<semaphore_mem>>) src(%dma_wait3A_590 : memref<64xi32, #tpu.memory_space<hbm>>) dst(%dma_wait3A_588 : memref<64xi32, #tpu.memory_space<vmem>>)
        %dma_start3A_591 = arith.constant 0 : i32
        %dma_start3A_592 = arith.constant 0 : i32
        %dma_start3A_593 = tpu.memref_slice %arg14[%dma_start3A_591, %dma_start3A_592] : memref<2x64xi32, #tpu.memory_space<vmem>> -> memref<1x64xi32, #tpu.memory_space<vmem>>
        %dma_start3A_594 = tpu.memref_squeeze %dma_start3A_593 : memref<1x64xi32, #tpu.memory_space<vmem>> -> memref<64xi32, #tpu.memory_space<vmem>>
        %dma_start3A_595 = arith.constant 0 : i32
        %dma_start3A_596 = arith.constant 0 : i32
        %dma_start3A_597 = tpu.memref_slice %arg4[%dma_start3A_595, %dma_start3A_596] : memref<10000x128xf32, #tpu.memory_space<hbm>> -> memref<10000x128xf32, #tpu.memory_space<hbm>>
        tpu.enqueue_indirect_dma source(%dma_start3A_597 : memref<10000x128xf32, #tpu.memory_space<hbm>>) target(%arg19 : memref<64x128xf32, #tpu.memory_space<vmem>>) offsets(%dma_start3A_594 : memref<64xi32, #tpu.memory_space<vmem>>) semaphore(%arg33 : memref<!tpu.dma_semaphore, #tpu.memory_space<semaphore_mem>>)
      } else {
      }
      %add3A_477 = arith.constant 4 : i32
      %add3A_478 = arith.addi %mul3A_385, %add3A_477 : i32
      %dma_wait3A_479 = arith.constant 0 : i32
      %dma_wait3A_480 = arith.constant 0 : i32
      %dma_wait3A_481 = tpu.memref_slice %arg4[%dma_wait3A_479, %dma_wait3A_480] : memref<10000x128xf32, #tpu.memory_space<hbm>> -> memref<64x128xf32, #tpu.memory_space<hbm>>
      %dma_wait3A_482 = arith.constant 0 : i32
      %dma_wait3A_483 = arith.constant 0 : i32
      %dma_wait3A_484 = tpu.memref_slice %arg4[%dma_wait3A_482, %dma_wait3A_483] : memref<10000x128xf32, #tpu.memory_space<hbm>> -> memref<64x128xf32, #tpu.memory_space<hbm>>
      tpu.wait_dma2 semaphore(%arg30 : memref<!tpu.dma_semaphore, #tpu.memory_space<semaphore_mem>>) src(%dma_wait3A_484 : memref<64x128xf32, #tpu.memory_space<hbm>>) dst(%arg16 : memref<64x128xf32, #tpu.memory_space<vmem>>)
      %run_scoped3A_485 = arith.constant 1 : i32
      "tpu.region"() ({
        %run_scoped3A_569 = tpu.sem_alloc : memref<!tpu.dma_semaphore, #tpu.memory_space<semaphore_mem>>
        %dma_start3A_570 = arith.constant 0 : i32
        %dma_start3A_571 = tpu.memref_slice %arg11[%run_scoped3A_485, %dma_start3A_570] : memref<2x64xi32, #tpu.memory_space<vmem>> -> memref<1x64xi32, #tpu.memory_space<vmem>>
        %dma_start3A_572 = tpu.memref_squeeze %dma_start3A_571 : memref<1x64xi32, #tpu.memory_space<vmem>> -> memref<64xi32, #tpu.memory_space<vmem>>
        %dma_start3A_573 = arith.constant 0 : i32
        %dma_start3A_574 = arith.constant 0 : i32
        %dma_start3A_575 = tpu.memref_slice %arg21[%dma_start3A_573, %dma_start3A_574] : memref<10000x128xf32, #tpu.memory_space<vmem_shared>> -> memref<10000x128xf32, #tpu.memory_space<vmem_shared>>
        tpu.enqueue_indirect_dma source(%arg16 : memref<64x128xf32, #tpu.memory_space<vmem>>) target(%dma_start3A_575 : memref<10000x128xf32, #tpu.memory_space<vmem_shared>>) offsets(%dma_start3A_572 : memref<64xi32, #tpu.memory_space<vmem>>) semaphore(%run_scoped3A_569 : memref<!tpu.dma_semaphore, #tpu.memory_space<semaphore_mem>>) {add = true}
        %dma_wait3A_576 = arith.constant 0 : i32
        %dma_wait3A_577 = tpu.memref_slice %arg11[%run_scoped3A_485, %dma_wait3A_576] : memref<2x64xi32, #tpu.memory_space<vmem>> -> memref<1x64xi32, #tpu.memory_space<vmem>>
        %dma_wait3A_578 = tpu.memref_squeeze %dma_wait3A_577 : memref<1x64xi32, #tpu.memory_space<vmem>> -> memref<64xi32, #tpu.memory_space<vmem>>
        %dma_wait3A_579 = arith.constant 0 : i32
        %dma_wait3A_580 = arith.constant 0 : i32
        %dma_wait3A_581 = tpu.memref_slice %arg21[%dma_wait3A_579, %dma_wait3A_580] : memref<10000x128xf32, #tpu.memory_space<vmem_shared>> -> memref<10000x128xf32, #tpu.memory_space<vmem_shared>>
        tpu.wait_indirect_dma semaphore(%run_scoped3A_569 : memref<!tpu.dma_semaphore, #tpu.memory_space<semaphore_mem>>) src(%arg16 : memref<64x128xf32, #tpu.memory_space<vmem>>) dst(%dma_wait3A_581 : memref<10000x128xf32, #tpu.memory_space<vmem_shared>>)
        tpu.yield
      }) : () -> ()
      %add3A_486 = arith.constant 8 : i32
      %add3A_487 = arith.addi %add3A_478, %add3A_486 : i32
      %lt3A_488 = arith.constant 156 : i32
      %lt3A_489 = arith.cmpi slt, %add3A_487, %lt3A_488 : i32
      %convert_element_type3A_490 = arith.extui %lt3A_489 : i1 to i32
      %cond3A_491 = arith.constant 0 : i32
      %cond3A_492 = arith.cmpi ne, %convert_element_type3A_490, %cond3A_491 : i32
      scf.if %cond3A_492 {
        %add3A_569 = arith.constant 8 : i32
        %add3A_570 = arith.addi %add3A_478, %add3A_569 : i32
        %mul3A_571 = arith.constant 64 : i32
        %mul3A_572 = arith.muli %add3A_570, %mul3A_571 : i32
        %add3A_573 = arith.addi %mul3A_6, %mul3A_572 : i32
        %multiple_of3A_574 = tpu.assume_multiple %add3A_573, 8 : i32
        %dma_start3A_575 = arith.constant 0 : i32
        %dma_start3A_576 = arith.constant 0 : i32
        %dma_start3A_577 = tpu.memref_slice %arg11[%dma_start3A_575, %dma_start3A_576] : memref<2x64xi32, #tpu.memory_space<vmem>> -> memref<1x64xi32, #tpu.memory_space<vmem>>
        %dma_start3A_578 = tpu.memref_squeeze %dma_start3A_577 : memref<1x64xi32, #tpu.memory_space<vmem>> -> memref<64xi32, #tpu.memory_space<vmem>>
        %dma_start3A_579 = tpu.memref_slice %arg2[%multiple_of3A_574] : memref<320000xi32, #tpu.memory_space<hbm>> -> memref<64xi32, #tpu.memory_space<hbm>>
        %dma_start3A_580 = arith.constant 0 : i32
        %dma_start3A_581 = tpu.memref_slice %arg11[%dma_start3A_575, %dma_start3A_580] : memref<2x64xi32, #tpu.memory_space<vmem>> -> memref<1x64xi32, #tpu.memory_space<vmem>>
        %dma_start3A_582 = tpu.memref_squeeze %dma_start3A_581 : memref<1x64xi32, #tpu.memory_space<vmem>> -> memref<64xi32, #tpu.memory_space<vmem>>
        %dma_start3A_583 = tpu.memref_slice %arg2[%multiple_of3A_574] : memref<320000xi32, #tpu.memory_space<hbm>> -> memref<64xi32, #tpu.memory_space<hbm>>
        tpu.enqueue_dma source(%dma_start3A_583 : memref<64xi32, #tpu.memory_space<hbm>>) target(%dma_start3A_582 : memref<64xi32, #tpu.memory_space<vmem>>) target_semaphore(%arg26 : memref<!tpu.dma_semaphore, #tpu.memory_space<semaphore_mem>>)
        %dma_start3A_584 = arith.constant 1 : i32
        %dma_start3A_585 = arith.constant 0 : i32
        %dma_start3A_586 = tpu.memref_slice %arg11[%dma_start3A_584, %dma_start3A_585] : memref<2x64xi32, #tpu.memory_space<vmem>> -> memref<1x64xi32, #tpu.memory_space<vmem>>
        %dma_start3A_587 = tpu.memref_squeeze %dma_start3A_586 : memref<1x64xi32, #tpu.memory_space<vmem>> -> memref<64xi32, #tpu.memory_space<vmem>>
        %dma_start3A_588 = tpu.memref_slice %arg3[%multiple_of3A_574] : memref<320000xi32, #tpu.memory_space<hbm>> -> memref<64xi32, #tpu.memory_space<hbm>>
        %dma_start3A_589 = arith.constant 0 : i32
        %dma_start3A_590 = tpu.memref_slice %arg11[%dma_start3A_584, %dma_start3A_589] : memref<2x64xi32, #tpu.memory_space<vmem>> -> memref<1x64xi32, #tpu.memory_space<vmem>>
        %dma_start3A_591 = tpu.memref_squeeze %dma_start3A_590 : memref<1x64xi32, #tpu.memory_space<vmem>> -> memref<64xi32, #tpu.memory_space<vmem>>
        %dma_start3A_592 = tpu.memref_slice %arg3[%multiple_of3A_574] : memref<320000xi32, #tpu.memory_space<hbm>> -> memref<64xi32, #tpu.memory_space<hbm>>
        tpu.enqueue_dma source(%dma_start3A_592 : memref<64xi32, #tpu.memory_space<hbm>>) target(%dma_start3A_591 : memref<64xi32, #tpu.memory_space<vmem>>) target_semaphore(%arg26 : memref<!tpu.dma_semaphore, #tpu.memory_space<semaphore_mem>>)
      } else {
      }
      %add3A_493 = arith.constant 4 : i32
      %add3A_494 = arith.addi %add3A_478, %add3A_493 : i32
      %lt3A_495 = arith.constant 156 : i32
      %lt3A_496 = arith.cmpi slt, %add3A_494, %lt3A_495 : i32
      %convert_element_type3A_497 = arith.extui %lt3A_496 : i1 to i32
      %cond3A_498 = arith.constant 0 : i32
      %cond3A_499 = arith.cmpi ne, %convert_element_type3A_497, %cond3A_498 : i32
      scf.if %cond3A_499 {
        %dma_wait3A_569 = arith.constant 0 : i32
        %dma_wait3A_570 = arith.constant 0 : i32
        %dma_wait3A_571 = tpu.memref_slice %arg7[%dma_wait3A_569, %dma_wait3A_570] : memref<2x64xi32, #tpu.memory_space<vmem>> -> memref<1x64xi32, #tpu.memory_space<vmem>>
        %dma_wait3A_572 = tpu.memref_squeeze %dma_wait3A_571 : memref<1x64xi32, #tpu.memory_space<vmem>> -> memref<64xi32, #tpu.memory_space<vmem>>
        %dma_wait3A_573 = arith.constant 0 : i32
        %dma_wait3A_574 = tpu.memref_slice %arg2[%dma_wait3A_573] : memref<320000xi32, #tpu.memory_space<hbm>> -> memref<64xi32, #tpu.memory_space<hbm>>
        %dma_wait3A_575 = arith.constant 0 : i32
        %dma_wait3A_576 = tpu.memref_slice %arg7[%dma_wait3A_569, %dma_wait3A_575] : memref<2x64xi32, #tpu.memory_space<vmem>> -> memref<1x64xi32, #tpu.memory_space<vmem>>
        %dma_wait3A_577 = tpu.memref_squeeze %dma_wait3A_576 : memref<1x64xi32, #tpu.memory_space<vmem>> -> memref<64xi32, #tpu.memory_space<vmem>>
        %dma_wait3A_578 = arith.constant 0 : i32
        %dma_wait3A_579 = tpu.memref_slice %arg2[%dma_wait3A_578] : memref<320000xi32, #tpu.memory_space<hbm>> -> memref<64xi32, #tpu.memory_space<hbm>>
        tpu.wait_dma2 semaphore(%arg22 : memref<!tpu.dma_semaphore, #tpu.memory_space<semaphore_mem>>) src(%dma_wait3A_579 : memref<64xi32, #tpu.memory_space<hbm>>) dst(%dma_wait3A_577 : memref<64xi32, #tpu.memory_space<vmem>>)
        %dma_wait3A_580 = arith.constant 1 : i32
        %dma_wait3A_581 = arith.constant 0 : i32
        %dma_wait3A_582 = tpu.memref_slice %arg7[%dma_wait3A_580, %dma_wait3A_581] : memref<2x64xi32, #tpu.memory_space<vmem>> -> memref<1x64xi32, #tpu.memory_space<vmem>>
        %dma_wait3A_583 = tpu.memref_squeeze %dma_wait3A_582 : memref<1x64xi32, #tpu.memory_space<vmem>> -> memref<64xi32, #tpu.memory_space<vmem>>
        %dma_wait3A_584 = arith.constant 0 : i32
        %dma_wait3A_585 = tpu.memref_slice %arg2[%dma_wait3A_584] : memref<320000xi32, #tpu.memory_space<hbm>> -> memref<64xi32, #tpu.memory_space<hbm>>
        %dma_wait3A_586 = arith.constant 0 : i32
        %dma_wait3A_587 = tpu.memref_slice %arg7[%dma_wait3A_580, %dma_wait3A_586] : memref<2x64xi32, #tpu.memory_space<vmem>> -> memref<1x64xi32, #tpu.memory_space<vmem>>
        %dma_wait3A_588 = tpu.memref_squeeze %dma_wait3A_587 : memref<1x64xi32, #tpu.memory_space<vmem>> -> memref<64xi32, #tpu.memory_space<vmem>>
        %dma_wait3A_589 = arith.constant 0 : i32
        %dma_wait3A_590 = tpu.memref_slice %arg2[%dma_wait3A_589] : memref<320000xi32, #tpu.memory_space<hbm>> -> memref<64xi32, #tpu.memory_space<hbm>>
        tpu.wait_dma2 semaphore(%arg22 : memref<!tpu.dma_semaphore, #tpu.memory_space<semaphore_mem>>) src(%dma_wait3A_590 : memref<64xi32, #tpu.memory_space<hbm>>) dst(%dma_wait3A_588 : memref<64xi32, #tpu.memory_space<vmem>>)
        %dma_start3A_591 = arith.constant 0 : i32
        %dma_start3A_592 = arith.constant 0 : i32
        %dma_start3A_593 = tpu.memref_slice %arg7[%dma_start3A_591, %dma_start3A_592] : memref<2x64xi32, #tpu.memory_space<vmem>> -> memref<1x64xi32, #tpu.memory_space<vmem>>
        %dma_start3A_594 = tpu.memref_squeeze %dma_start3A_593 : memref<1x64xi32, #tpu.memory_space<vmem>> -> memref<64xi32, #tpu.memory_space<vmem>>
        %dma_start3A_595 = arith.constant 0 : i32
        %dma_start3A_596 = arith.constant 0 : i32
        %dma_start3A_597 = tpu.memref_slice %arg4[%dma_start3A_595, %dma_start3A_596] : memref<10000x128xf32, #tpu.memory_space<hbm>> -> memref<10000x128xf32, #tpu.memory_space<hbm>>
        tpu.enqueue_indirect_dma source(%dma_start3A_597 : memref<10000x128xf32, #tpu.memory_space<hbm>>) target(%arg16 : memref<64x128xf32, #tpu.memory_space<vmem>>) offsets(%dma_start3A_594 : memref<64xi32, #tpu.memory_space<vmem>>) semaphore(%arg30 : memref<!tpu.dma_semaphore, #tpu.memory_space<semaphore_mem>>)
      } else {
      }
      %add3A_500 = arith.constant 5 : i32
      %add3A_501 = arith.addi %mul3A_385, %add3A_500 : i32
      %dma_wait3A_502 = arith.constant 0 : i32
      %dma_wait3A_503 = arith.constant 0 : i32
      %dma_wait3A_504 = tpu.memref_slice %arg4[%dma_wait3A_502, %dma_wait3A_503] : memref<10000x128xf32, #tpu.memory_space<hbm>> -> memref<64x128xf32, #tpu.memory_space<hbm>>
      %dma_wait3A_505 = arith.constant 0 : i32
      %dma_wait3A_506 = arith.constant 0 : i32
      %dma_wait3A_507 = tpu.memref_slice %arg4[%dma_wait3A_505, %dma_wait3A_506] : memref<10000x128xf32, #tpu.memory_space<hbm>> -> memref<64x128xf32, #tpu.memory_space<hbm>>
      tpu.wait_dma2 semaphore(%arg31 : memref<!tpu.dma_semaphore, #tpu.memory_space<semaphore_mem>>) src(%dma_wait3A_507 : memref<64x128xf32, #tpu.memory_space<hbm>>) dst(%arg17 : memref<64x128xf32, #tpu.memory_space<vmem>>)
      %run_scoped3A_508 = arith.constant 1 : i32
      "tpu.region"() ({
        %run_scoped3A_569 = tpu.sem_alloc : memref<!tpu.dma_semaphore, #tpu.memory_space<semaphore_mem>>
        %dma_start3A_570 = arith.constant 0 : i32
        %dma_start3A_571 = tpu.memref_slice %arg12[%run_scoped3A_508, %dma_start3A_570] : memref<2x64xi32, #tpu.memory_space<vmem>> -> memref<1x64xi32, #tpu.memory_space<vmem>>
        %dma_start3A_572 = tpu.memref_squeeze %dma_start3A_571 : memref<1x64xi32, #tpu.memory_space<vmem>> -> memref<64xi32, #tpu.memory_space<vmem>>
        %dma_start3A_573 = arith.constant 0 : i32
        %dma_start3A_574 = arith.constant 0 : i32
        %dma_start3A_575 = tpu.memref_slice %arg21[%dma_start3A_573, %dma_start3A_574] : memref<10000x128xf32, #tpu.memory_space<vmem_shared>> -> memref<10000x128xf32, #tpu.memory_space<vmem_shared>>
        tpu.enqueue_indirect_dma source(%arg17 : memref<64x128xf32, #tpu.memory_space<vmem>>) target(%dma_start3A_575 : memref<10000x128xf32, #tpu.memory_space<vmem_shared>>) offsets(%dma_start3A_572 : memref<64xi32, #tpu.memory_space<vmem>>) semaphore(%run_scoped3A_569 : memref<!tpu.dma_semaphore, #tpu.memory_space<semaphore_mem>>) {add = true}
        %dma_wait3A_576 = arith.constant 0 : i32
        %dma_wait3A_577 = tpu.memref_slice %arg12[%run_scoped3A_508, %dma_wait3A_576] : memref<2x64xi32, #tpu.memory_space<vmem>> -> memref<1x64xi32, #tpu.memory_space<vmem>>
        %dma_wait3A_578 = tpu.memref_squeeze %dma_wait3A_577 : memref<1x64xi32, #tpu.memory_space<vmem>> -> memref<64xi32, #tpu.memory_space<vmem>>
        %dma_wait3A_579 = arith.constant 0 : i32
        %dma_wait3A_580 = arith.constant 0 : i32
        %dma_wait3A_581 = tpu.memref_slice %arg21[%dma_wait3A_579, %dma_wait3A_580] : memref<10000x128xf32, #tpu.memory_space<vmem_shared>> -> memref<10000x128xf32, #tpu.memory_space<vmem_shared>>
        tpu.wait_indirect_dma semaphore(%run_scoped3A_569 : memref<!tpu.dma_semaphore, #tpu.memory_space<semaphore_mem>>) src(%arg17 : memref<64x128xf32, #tpu.memory_space<vmem>>) dst(%dma_wait3A_581 : memref<10000x128xf32, #tpu.memory_space<vmem_shared>>)
        tpu.yield
      }) : () -> ()
      %add3A_509 = arith.constant 8 : i32
      %add3A_510 = arith.addi %add3A_501, %add3A_509 : i32
      %lt3A_511 = arith.constant 156 : i32
      %lt3A_512 = arith.cmpi slt, %add3A_510, %lt3A_511 : i32
      %convert_element_type3A_513 = arith.extui %lt3A_512 : i1 to i32
      %cond3A_514 = arith.constant 0 : i32
      %cond3A_515 = arith.cmpi ne, %convert_element_type3A_513, %cond3A_514 : i32
      scf.if %cond3A_515 {
        %add3A_569 = arith.constant 8 : i32
        %add3A_570 = arith.addi %add3A_501, %add3A_569 : i32
        %mul3A_571 = arith.constant 64 : i32
        %mul3A_572 = arith.muli %add3A_570, %mul3A_571 : i32
        %add3A_573 = arith.addi %mul3A_6, %mul3A_572 : i32
        %multiple_of3A_574 = tpu.assume_multiple %add3A_573, 8 : i32
        %dma_start3A_575 = arith.constant 0 : i32
        %dma_start3A_576 = arith.constant 0 : i32
        %dma_start3A_577 = tpu.memref_slice %arg12[%dma_start3A_575, %dma_start3A_576] : memref<2x64xi32, #tpu.memory_space<vmem>> -> memref<1x64xi32, #tpu.memory_space<vmem>>
        %dma_start3A_578 = tpu.memref_squeeze %dma_start3A_577 : memref<1x64xi32, #tpu.memory_space<vmem>> -> memref<64xi32, #tpu.memory_space<vmem>>
        %dma_start3A_579 = tpu.memref_slice %arg2[%multiple_of3A_574] : memref<320000xi32, #tpu.memory_space<hbm>> -> memref<64xi32, #tpu.memory_space<hbm>>
        %dma_start3A_580 = arith.constant 0 : i32
        %dma_start3A_581 = tpu.memref_slice %arg12[%dma_start3A_575, %dma_start3A_580] : memref<2x64xi32, #tpu.memory_space<vmem>> -> memref<1x64xi32, #tpu.memory_space<vmem>>
        %dma_start3A_582 = tpu.memref_squeeze %dma_start3A_581 : memref<1x64xi32, #tpu.memory_space<vmem>> -> memref<64xi32, #tpu.memory_space<vmem>>
        %dma_start3A_583 = tpu.memref_slice %arg2[%multiple_of3A_574] : memref<320000xi32, #tpu.memory_space<hbm>> -> memref<64xi32, #tpu.memory_space<hbm>>
        tpu.enqueue_dma source(%dma_start3A_583 : memref<64xi32, #tpu.memory_space<hbm>>) target(%dma_start3A_582 : memref<64xi32, #tpu.memory_space<vmem>>) target_semaphore(%arg27 : memref<!tpu.dma_semaphore, #tpu.memory_space<semaphore_mem>>)
        %dma_start3A_584 = arith.constant 1 : i32
        %dma_start3A_585 = arith.constant 0 : i32
        %dma_start3A_586 = tpu.memref_slice %arg12[%dma_start3A_584, %dma_start3A_585] : memref<2x64xi32, #tpu.memory_space<vmem>> -> memref<1x64xi32, #tpu.memory_space<vmem>>
        %dma_start3A_587 = tpu.memref_squeeze %dma_start3A_586 : memref<1x64xi32, #tpu.memory_space<vmem>> -> memref<64xi32, #tpu.memory_space<vmem>>
        %dma_start3A_588 = tpu.memref_slice %arg3[%multiple_of3A_574] : memref<320000xi32, #tpu.memory_space<hbm>> -> memref<64xi32, #tpu.memory_space<hbm>>
        %dma_start3A_589 = arith.constant 0 : i32
        %dma_start3A_590 = tpu.memref_slice %arg12[%dma_start3A_584, %dma_start3A_589] : memref<2x64xi32, #tpu.memory_space<vmem>> -> memref<1x64xi32, #tpu.memory_space<vmem>>
        %dma_start3A_591 = tpu.memref_squeeze %dma_start3A_590 : memref<1x64xi32, #tpu.memory_space<vmem>> -> memref<64xi32, #tpu.memory_space<vmem>>
        %dma_start3A_592 = tpu.memref_slice %arg3[%multiple_of3A_574] : memref<320000xi32, #tpu.memory_space<hbm>> -> memref<64xi32, #tpu.memory_space<hbm>>
        tpu.enqueue_dma source(%dma_start3A_592 : memref<64xi32, #tpu.memory_space<hbm>>) target(%dma_start3A_591 : memref<64xi32, #tpu.memory_space<vmem>>) target_semaphore(%arg27 : memref<!tpu.dma_semaphore, #tpu.memory_space<semaphore_mem>>)
      } else {
      }
      %add3A_516 = arith.constant 4 : i32
      %add3A_517 = arith.addi %add3A_501, %add3A_516 : i32
      %lt3A_518 = arith.constant 156 : i32
      %lt3A_519 = arith.cmpi slt, %add3A_517, %lt3A_518 : i32
      %convert_element_type3A_520 = arith.extui %lt3A_519 : i1 to i32
      %cond3A_521 = arith.constant 0 : i32
      %cond3A_522 = arith.cmpi ne, %convert_element_type3A_520, %cond3A_521 : i32
      scf.if %cond3A_522 {
        %dma_wait3A_569 = arith.constant 0 : i32
        %dma_wait3A_570 = arith.constant 0 : i32
        %dma_wait3A_571 = tpu.memref_slice %arg8[%dma_wait3A_569, %dma_wait3A_570] : memref<2x64xi32, #tpu.memory_space<vmem>> -> memref<1x64xi32, #tpu.memory_space<vmem>>
        %dma_wait3A_572 = tpu.memref_squeeze %dma_wait3A_571 : memref<1x64xi32, #tpu.memory_space<vmem>> -> memref<64xi32, #tpu.memory_space<vmem>>
        %dma_wait3A_573 = arith.constant 0 : i32
        %dma_wait3A_574 = tpu.memref_slice %arg2[%dma_wait3A_573] : memref<320000xi32, #tpu.memory_space<hbm>> -> memref<64xi32, #tpu.memory_space<hbm>>
        %dma_wait3A_575 = arith.constant 0 : i32
        %dma_wait3A_576 = tpu.memref_slice %arg8[%dma_wait3A_569, %dma_wait3A_575] : memref<2x64xi32, #tpu.memory_space<vmem>> -> memref<1x64xi32, #tpu.memory_space<vmem>>
        %dma_wait3A_577 = tpu.memref_squeeze %dma_wait3A_576 : memref<1x64xi32, #tpu.memory_space<vmem>> -> memref<64xi32, #tpu.memory_space<vmem>>
        %dma_wait3A_578 = arith.constant 0 : i32
        %dma_wait3A_579 = tpu.memref_slice %arg2[%dma_wait3A_578] : memref<320000xi32, #tpu.memory_space<hbm>> -> memref<64xi32, #tpu.memory_space<hbm>>
        tpu.wait_dma2 semaphore(%arg23 : memref<!tpu.dma_semaphore, #tpu.memory_space<semaphore_mem>>) src(%dma_wait3A_579 : memref<64xi32, #tpu.memory_space<hbm>>) dst(%dma_wait3A_577 : memref<64xi32, #tpu.memory_space<vmem>>)
        %dma_wait3A_580 = arith.constant 1 : i32
        %dma_wait3A_581 = arith.constant 0 : i32
        %dma_wait3A_582 = tpu.memref_slice %arg8[%dma_wait3A_580, %dma_wait3A_581] : memref<2x64xi32, #tpu.memory_space<vmem>> -> memref<1x64xi32, #tpu.memory_space<vmem>>
        %dma_wait3A_583 = tpu.memref_squeeze %dma_wait3A_582 : memref<1x64xi32, #tpu.memory_space<vmem>> -> memref<64xi32, #tpu.memory_space<vmem>>
        %dma_wait3A_584 = arith.constant 0 : i32
        %dma_wait3A_585 = tpu.memref_slice %arg2[%dma_wait3A_584] : memref<320000xi32, #tpu.memory_space<hbm>> -> memref<64xi32, #tpu.memory_space<hbm>>
        %dma_wait3A_586 = arith.constant 0 : i32
        %dma_wait3A_587 = tpu.memref_slice %arg8[%dma_wait3A_580, %dma_wait3A_586] : memref<2x64xi32, #tpu.memory_space<vmem>> -> memref<1x64xi32, #tpu.memory_space<vmem>>
        %dma_wait3A_588 = tpu.memref_squeeze %dma_wait3A_587 : memref<1x64xi32, #tpu.memory_space<vmem>> -> memref<64xi32, #tpu.memory_space<vmem>>
        %dma_wait3A_589 = arith.constant 0 : i32
        %dma_wait3A_590 = tpu.memref_slice %arg2[%dma_wait3A_589] : memref<320000xi32, #tpu.memory_space<hbm>> -> memref<64xi32, #tpu.memory_space<hbm>>
        tpu.wait_dma2 semaphore(%arg23 : memref<!tpu.dma_semaphore, #tpu.memory_space<semaphore_mem>>) src(%dma_wait3A_590 : memref<64xi32, #tpu.memory_space<hbm>>) dst(%dma_wait3A_588 : memref<64xi32, #tpu.memory_space<vmem>>)
        %dma_start3A_591 = arith.constant 0 : i32
        %dma_start3A_592 = arith.constant 0 : i32
        %dma_start3A_593 = tpu.memref_slice %arg8[%dma_start3A_591, %dma_start3A_592] : memref<2x64xi32, #tpu.memory_space<vmem>> -> memref<1x64xi32, #tpu.memory_space<vmem>>
        %dma_start3A_594 = tpu.memref_squeeze %dma_start3A_593 : memref<1x64xi32, #tpu.memory_space<vmem>> -> memref<64xi32, #tpu.memory_space<vmem>>
        %dma_start3A_595 = arith.constant 0 : i32
        %dma_start3A_596 = arith.constant 0 : i32
        %dma_start3A_597 = tpu.memref_slice %arg4[%dma_start3A_595, %dma_start3A_596] : memref<10000x128xf32, #tpu.memory_space<hbm>> -> memref<10000x128xf32, #tpu.memory_space<hbm>>
        tpu.enqueue_indirect_dma source(%dma_start3A_597 : memref<10000x128xf32, #tpu.memory_space<hbm>>) target(%arg17 : memref<64x128xf32, #tpu.memory_space<vmem>>) offsets(%dma_start3A_594 : memref<64xi32, #tpu.memory_space<vmem>>) semaphore(%arg31 : memref<!tpu.dma_semaphore, #tpu.memory_space<semaphore_mem>>)
      } else {
      }
      %add3A_523 = arith.constant 6 : i32
      %add3A_524 = arith.addi %mul3A_385, %add3A_523 : i32
      %dma_wait3A_525 = arith.constant 0 : i32
      %dma_wait3A_526 = arith.constant 0 : i32
      %dma_wait3A_527 = tpu.memref_slice %arg4[%dma_wait3A_525, %dma_wait3A_526] : memref<10000x128xf32, #tpu.memory_space<hbm>> -> memref<64x128xf32, #tpu.memory_space<hbm>>
      %dma_wait3A_528 = arith.constant 0 : i32
      %dma_wait3A_529 = arith.constant 0 : i32
      %dma_wait3A_530 = tpu.memref_slice %arg4[%dma_wait3A_528, %dma_wait3A_529] : memref<10000x128xf32, #tpu.memory_space<hbm>> -> memref<64x128xf32, #tpu.memory_space<hbm>>
      tpu.wait_dma2 semaphore(%arg32 : memref<!tpu.dma_semaphore, #tpu.memory_space<semaphore_mem>>) src(%dma_wait3A_530 : memref<64x128xf32, #tpu.memory_space<hbm>>) dst(%arg18 : memref<64x128xf32, #tpu.memory_space<vmem>>)
      %run_scoped3A_531 = arith.constant 1 : i32
      "tpu.region"() ({
        %run_scoped3A_569 = tpu.sem_alloc : memref<!tpu.dma_semaphore, #tpu.memory_space<semaphore_mem>>
        %dma_start3A_570 = arith.constant 0 : i32
        %dma_start3A_571 = tpu.memref_slice %arg13[%run_scoped3A_531, %dma_start3A_570] : memref<2x64xi32, #tpu.memory_space<vmem>> -> memref<1x64xi32, #tpu.memory_space<vmem>>
        %dma_start3A_572 = tpu.memref_squeeze %dma_start3A_571 : memref<1x64xi32, #tpu.memory_space<vmem>> -> memref<64xi32, #tpu.memory_space<vmem>>
        %dma_start3A_573 = arith.constant 0 : i32
        %dma_start3A_574 = arith.constant 0 : i32
        %dma_start3A_575 = tpu.memref_slice %arg21[%dma_start3A_573, %dma_start3A_574] : memref<10000x128xf32, #tpu.memory_space<vmem_shared>> -> memref<10000x128xf32, #tpu.memory_space<vmem_shared>>
        tpu.enqueue_indirect_dma source(%arg18 : memref<64x128xf32, #tpu.memory_space<vmem>>) target(%dma_start3A_575 : memref<10000x128xf32, #tpu.memory_space<vmem_shared>>) offsets(%dma_start3A_572 : memref<64xi32, #tpu.memory_space<vmem>>) semaphore(%run_scoped3A_569 : memref<!tpu.dma_semaphore, #tpu.memory_space<semaphore_mem>>) {add = true}
        %dma_wait3A_576 = arith.constant 0 : i32
        %dma_wait3A_577 = tpu.memref_slice %arg13[%run_scoped3A_531, %dma_wait3A_576] : memref<2x64xi32, #tpu.memory_space<vmem>> -> memref<1x64xi32, #tpu.memory_space<vmem>>
        %dma_wait3A_578 = tpu.memref_squeeze %dma_wait3A_577 : memref<1x64xi32, #tpu.memory_space<vmem>> -> memref<64xi32, #tpu.memory_space<vmem>>
        %dma_wait3A_579 = arith.constant 0 : i32
        %dma_wait3A_580 = arith.constant 0 : i32
        %dma_wait3A_581 = tpu.memref_slice %arg21[%dma_wait3A_579, %dma_wait3A_580] : memref<10000x128xf32, #tpu.memory_space<vmem_shared>> -> memref<10000x128xf32, #tpu.memory_space<vmem_shared>>
        tpu.wait_indirect_dma semaphore(%run_scoped3A_569 : memref<!tpu.dma_semaphore, #tpu.memory_space<semaphore_mem>>) src(%arg18 : memref<64x128xf32, #tpu.memory_space<vmem>>) dst(%dma_wait3A_581 : memref<10000x128xf32, #tpu.memory_space<vmem_shared>>)
        tpu.yield
      }) : () -> ()
      %add3A_532 = arith.constant 8 : i32
      %add3A_533 = arith.addi %add3A_524, %add3A_532 : i32
      %lt3A_534 = arith.constant 156 : i32
      %lt3A_535 = arith.cmpi slt, %add3A_533, %lt3A_534 : i32
      %convert_element_type3A_536 = arith.extui %lt3A_535 : i1 to i32
      %cond3A_537 = arith.constant 0 : i32
      %cond3A_538 = arith.cmpi ne, %convert_element_type3A_536, %cond3A_537 : i32
      scf.if %cond3A_538 {
        %add3A_569 = arith.constant 8 : i32
        %add3A_570 = arith.addi %add3A_524, %add3A_569 : i32
        %mul3A_571 = arith.constant 64 : i32
        %mul3A_572 = arith.muli %add3A_570, %mul3A_571 : i32
        %add3A_573 = arith.addi %mul3A_6, %mul3A_572 : i32
        %multiple_of3A_574 = tpu.assume_multiple %add3A_573, 8 : i32
        %dma_start3A_575 = arith.constant 0 : i32
        %dma_start3A_576 = arith.constant 0 : i32
        %dma_start3A_577 = tpu.memref_slice %arg13[%dma_start3A_575, %dma_start3A_576] : memref<2x64xi32, #tpu.memory_space<vmem>> -> memref<1x64xi32, #tpu.memory_space<vmem>>
        %dma_start3A_578 = tpu.memref_squeeze %dma_start3A_577 : memref<1x64xi32, #tpu.memory_space<vmem>> -> memref<64xi32, #tpu.memory_space<vmem>>
        %dma_start3A_579 = tpu.memref_slice %arg2[%multiple_of3A_574] : memref<320000xi32, #tpu.memory_space<hbm>> -> memref<64xi32, #tpu.memory_space<hbm>>
        %dma_start3A_580 = arith.constant 0 : i32
        %dma_start3A_581 = tpu.memref_slice %arg13[%dma_start3A_575, %dma_start3A_580] : memref<2x64xi32, #tpu.memory_space<vmem>> -> memref<1x64xi32, #tpu.memory_space<vmem>>
        %dma_start3A_582 = tpu.memref_squeeze %dma_start3A_581 : memref<1x64xi32, #tpu.memory_space<vmem>> -> memref<64xi32, #tpu.memory_space<vmem>>
        %dma_start3A_583 = tpu.memref_slice %arg2[%multiple_of3A_574] : memref<320000xi32, #tpu.memory_space<hbm>> -> memref<64xi32, #tpu.memory_space<hbm>>
        tpu.enqueue_dma source(%dma_start3A_583 : memref<64xi32, #tpu.memory_space<hbm>>) target(%dma_start3A_582 : memref<64xi32, #tpu.memory_space<vmem>>) target_semaphore(%arg28 : memref<!tpu.dma_semaphore, #tpu.memory_space<semaphore_mem>>)
        %dma_start3A_584 = arith.constant 1 : i32
        %dma_start3A_585 = arith.constant 0 : i32
        %dma_start3A_586 = tpu.memref_slice %arg13[%dma_start3A_584, %dma_start3A_585] : memref<2x64xi32, #tpu.memory_space<vmem>> -> memref<1x64xi32, #tpu.memory_space<vmem>>
        %dma_start3A_587 = tpu.memref_squeeze %dma_start3A_586 : memref<1x64xi32, #tpu.memory_space<vmem>> -> memref<64xi32, #tpu.memory_space<vmem>>
        %dma_start3A_588 = tpu.memref_slice %arg3[%multiple_of3A_574] : memref<320000xi32, #tpu.memory_space<hbm>> -> memref<64xi32, #tpu.memory_space<hbm>>
        %dma_start3A_589 = arith.constant 0 : i32
        %dma_start3A_590 = tpu.memref_slice %arg13[%dma_start3A_584, %dma_start3A_589] : memref<2x64xi32, #tpu.memory_space<vmem>> -> memref<1x64xi32, #tpu.memory_space<vmem>>
        %dma_start3A_591 = tpu.memref_squeeze %dma_start3A_590 : memref<1x64xi32, #tpu.memory_space<vmem>> -> memref<64xi32, #tpu.memory_space<vmem>>
        %dma_start3A_592 = tpu.memref_slice %arg3[%multiple_of3A_574] : memref<320000xi32, #tpu.memory_space<hbm>> -> memref<64xi32, #tpu.memory_space<hbm>>
        tpu.enqueue_dma source(%dma_start3A_592 : memref<64xi32, #tpu.memory_space<hbm>>) target(%dma_start3A_591 : memref<64xi32, #tpu.memory_space<vmem>>) target_semaphore(%arg28 : memref<!tpu.dma_semaphore, #tpu.memory_space<semaphore_mem>>)
      } else {
      }
      %add3A_539 = arith.constant 4 : i32
      %add3A_540 = arith.addi %add3A_524, %add3A_539 : i32
      %lt3A_541 = arith.constant 156 : i32
      %lt3A_542 = arith.cmpi slt, %add3A_540, %lt3A_541 : i32
      %convert_element_type3A_543 = arith.extui %lt3A_542 : i1 to i32
      %cond3A_544 = arith.constant 0 : i32
      %cond3A_545 = arith.cmpi ne, %convert_element_type3A_543, %cond3A_544 : i32
      scf.if %cond3A_545 {
        %dma_wait3A_569 = arith.constant 0 : i32
        %dma_wait3A_570 = arith.constant 0 : i32
        %dma_wait3A_571 = tpu.memref_slice %arg9[%dma_wait3A_569, %dma_wait3A_570] : memref<2x64xi32, #tpu.memory_space<vmem>> -> memref<1x64xi32, #tpu.memory_space<vmem>>
        %dma_wait3A_572 = tpu.memref_squeeze %dma_wait3A_571 : memref<1x64xi32, #tpu.memory_space<vmem>> -> memref<64xi32, #tpu.memory_space<vmem>>
        %dma_wait3A_573 = arith.constant 0 : i32
        %dma_wait3A_574 = tpu.memref_slice %arg2[%dma_wait3A_573] : memref<320000xi32, #tpu.memory_space<hbm>> -> memref<64xi32, #tpu.memory_space<hbm>>
        %dma_wait3A_575 = arith.constant 0 : i32
        %dma_wait3A_576 = tpu.memref_slice %arg9[%dma_wait3A_569, %dma_wait3A_575] : memref<2x64xi32, #tpu.memory_space<vmem>> -> memref<1x64xi32, #tpu.memory_space<vmem>>
        %dma_wait3A_577 = tpu.memref_squeeze %dma_wait3A_576 : memref<1x64xi32, #tpu.memory_space<vmem>> -> memref<64xi32, #tpu.memory_space<vmem>>
        %dma_wait3A_578 = arith.constant 0 : i32
        %dma_wait3A_579 = tpu.memref_slice %arg2[%dma_wait3A_578] : memref<320000xi32, #tpu.memory_space<hbm>> -> memref<64xi32, #tpu.memory_space<hbm>>
        tpu.wait_dma2 semaphore(%arg24 : memref<!tpu.dma_semaphore, #tpu.memory_space<semaphore_mem>>) src(%dma_wait3A_579 : memref<64xi32, #tpu.memory_space<hbm>>) dst(%dma_wait3A_577 : memref<64xi32, #tpu.memory_space<vmem>>)
        %dma_wait3A_580 = arith.constant 1 : i32
        %dma_wait3A_581 = arith.constant 0 : i32
        %dma_wait3A_582 = tpu.memref_slice %arg9[%dma_wait3A_580, %dma_wait3A_581] : memref<2x64xi32, #tpu.memory_space<vmem>> -> memref<1x64xi32, #tpu.memory_space<vmem>>
        %dma_wait3A_583 = tpu.memref_squeeze %dma_wait3A_582 : memref<1x64xi32, #tpu.memory_space<vmem>> -> memref<64xi32, #tpu.memory_space<vmem>>
        %dma_wait3A_584 = arith.constant 0 : i32
        %dma_wait3A_585 = tpu.memref_slice %arg2[%dma_wait3A_584] : memref<320000xi32, #tpu.memory_space<hbm>> -> memref<64xi32, #tpu.memory_space<hbm>>
        %dma_wait3A_586 = arith.constant 0 : i32
        %dma_wait3A_587 = tpu.memref_slice %arg9[%dma_wait3A_580, %dma_wait3A_586] : memref<2x64xi32, #tpu.memory_space<vmem>> -> memref<1x64xi32, #tpu.memory_space<vmem>>
        %dma_wait3A_588 = tpu.memref_squeeze %dma_wait3A_587 : memref<1x64xi32, #tpu.memory_space<vmem>> -> memref<64xi32, #tpu.memory_space<vmem>>
        %dma_wait3A_589 = arith.constant 0 : i32
        %dma_wait3A_590 = tpu.memref_slice %arg2[%dma_wait3A_589] : memref<320000xi32, #tpu.memory_space<hbm>> -> memref<64xi32, #tpu.memory_space<hbm>>
        tpu.wait_dma2 semaphore(%arg24 : memref<!tpu.dma_semaphore, #tpu.memory_space<semaphore_mem>>) src(%dma_wait3A_590 : memref<64xi32, #tpu.memory_space<hbm>>) dst(%dma_wait3A_588 : memref<64xi32, #tpu.memory_space<vmem>>)
        %dma_start3A_591 = arith.constant 0 : i32
        %dma_start3A_592 = arith.constant 0 : i32
        %dma_start3A_593 = tpu.memref_slice %arg9[%dma_start3A_591, %dma_start3A_592] : memref<2x64xi32, #tpu.memory_space<vmem>> -> memref<1x64xi32, #tpu.memory_space<vmem>>
        %dma_start3A_594 = tpu.memref_squeeze %dma_start3A_593 : memref<1x64xi32, #tpu.memory_space<vmem>> -> memref<64xi32, #tpu.memory_space<vmem>>
        %dma_start3A_595 = arith.constant 0 : i32
        %dma_start3A_596 = arith.constant 0 : i32
        %dma_start3A_597 = tpu.memref_slice %arg4[%dma_start3A_595, %dma_start3A_596] : memref<10000x128xf32, #tpu.memory_space<hbm>> -> memref<10000x128xf32, #tpu.memory_space<hbm>>
        tpu.enqueue_indirect_dma source(%dma_start3A_597 : memref<10000x128xf32, #tpu.memory_space<hbm>>) target(%arg18 : memref<64x128xf32, #tpu.memory_space<vmem>>) offsets(%dma_start3A_594 : memref<64xi32, #tpu.memory_space<vmem>>) semaphore(%arg32 : memref<!tpu.dma_semaphore, #tpu.memory_space<semaphore_mem>>)
      } else {
      }
      %add3A_546 = arith.constant 7 : i32
      %add3A_547 = arith.addi %mul3A_385, %add3A_546 : i32
      %dma_wait3A_548 = arith.constant 0 : i32
      %dma_wait3A_549 = arith.constant 0 : i32
      %dma_wait3A_550 = tpu.memref_slice %arg4[%dma_wait3A_548, %dma_wait3A_549] : memref<10000x128xf32, #tpu.memory_space<hbm>> -> memref<64x128xf32, #tpu.memory_space<hbm>>
      %dma_wait3A_551 = arith.constant 0 : i32
      %dma_wait3A_552 = arith.constant 0 : i32
      %dma_wait3A_553 = tpu.memref_slice %arg4[%dma_wait3A_551, %dma_wait3A_552] : memref<10000x128xf32, #tpu.memory_space<hbm>> -> memref<64x128xf32, #tpu.memory_space<hbm>>
      tpu.wait_dma2 semaphore(%arg33 : memref<!tpu.dma_semaphore, #tpu.memory_space<semaphore_mem>>) src(%dma_wait3A_553 : memref<64x128xf32, #tpu.memory_space<hbm>>) dst(%arg19 : memref<64x128xf32, #tpu.memory_space<vmem>>)
      %run_scoped3A_554 = arith.constant 1 : i32
      "tpu.region"() ({
        %run_scoped3A_569 = tpu.sem_alloc : memref<!tpu.dma_semaphore, #tpu.memory_space<semaphore_mem>>
        %dma_start3A_570 = arith.constant 0 : i32
        %dma_start3A_571 = tpu.memref_slice %arg14[%run_scoped3A_554, %dma_start3A_570] : memref<2x64xi32, #tpu.memory_space<vmem>> -> memref<1x64xi32, #tpu.memory_space<vmem>>
        %dma_start3A_572 = tpu.memref_squeeze %dma_start3A_571 : memref<1x64xi32, #tpu.memory_space<vmem>> -> memref<64xi32, #tpu.memory_space<vmem>>
        %dma_start3A_573 = arith.constant 0 : i32
        %dma_start3A_574 = arith.constant 0 : i32
        %dma_start3A_575 = tpu.memref_slice %arg21[%dma_start3A_573, %dma_start3A_574] : memref<10000x128xf32, #tpu.memory_space<vmem_shared>> -> memref<10000x128xf32, #tpu.memory_space<vmem_shared>>
        tpu.enqueue_indirect_dma source(%arg19 : memref<64x128xf32, #tpu.memory_space<vmem>>) target(%dma_start3A_575 : memref<10000x128xf32, #tpu.memory_space<vmem_shared>>) offsets(%dma_start3A_572 : memref<64xi32, #tpu.memory_space<vmem>>) semaphore(%run_scoped3A_569 : memref<!tpu.dma_semaphore, #tpu.memory_space<semaphore_mem>>) {add = true}
        %dma_wait3A_576 = arith.constant 0 : i32
        %dma_wait3A_577 = tpu.memref_slice %arg14[%run_scoped3A_554, %dma_wait3A_576] : memref<2x64xi32, #tpu.memory_space<vmem>> -> memref<1x64xi32, #tpu.memory_space<vmem>>
        %dma_wait3A_578 = tpu.memref_squeeze %dma_wait3A_577 : memref<1x64xi32, #tpu.memory_space<vmem>> -> memref<64xi32, #tpu.memory_space<vmem>>
        %dma_wait3A_579 = arith.constant 0 : i32
        %dma_wait3A_580 = arith.constant 0 : i32
        %dma_wait3A_581 = tpu.memref_slice %arg21[%dma_wait3A_579, %dma_wait3A_580] : memref<10000x128xf32, #tpu.memory_space<vmem_shared>> -> memref<10000x128xf32, #tpu.memory_space<vmem_shared>>
        tpu.wait_indirect_dma semaphore(%run_scoped3A_569 : memref<!tpu.dma_semaphore, #tpu.memory_space<semaphore_mem>>) src(%arg19 : memref<64x128xf32, #tpu.memory_space<vmem>>) dst(%dma_wait3A_581 : memref<10000x128xf32, #tpu.memory_space<vmem_shared>>)
        tpu.yield
      }) : () -> ()
      %add3A_555 = arith.constant 8 : i32
      %add3A_556 = arith.addi %add3A_547, %add3A_555 : i32
      %lt3A_557 = arith.constant 156 : i32
      %lt3A_558 = arith.cmpi slt, %add3A_556, %lt3A_557 : i32
      %convert_element_type3A_559 = arith.extui %lt3A_558 : i1 to i32
      %cond3A_560 = arith.constant 0 : i32
      %cond3A_561 = arith.cmpi ne, %convert_element_type3A_559, %cond3A_560 : i32
      scf.if %cond3A_561 {
        %add3A_569 = arith.constant 8 : i32
        %add3A_570 = arith.addi %add3A_547, %add3A_569 : i32
        %mul3A_571 = arith.constant 64 : i32
        %mul3A_572 = arith.muli %add3A_570, %mul3A_571 : i32
        %add3A_573 = arith.addi %mul3A_6, %mul3A_572 : i32
        %multiple_of3A_574 = tpu.assume_multiple %add3A_573, 8 : i32
        %dma_start3A_575 = arith.constant 0 : i32
        %dma_start3A_576 = arith.constant 0 : i32
        %dma_start3A_577 = tpu.memref_slice %arg14[%dma_start3A_575, %dma_start3A_576] : memref<2x64xi32, #tpu.memory_space<vmem>> -> memref<1x64xi32, #tpu.memory_space<vmem>>
        %dma_start3A_578 = tpu.memref_squeeze %dma_start3A_577 : memref<1x64xi32, #tpu.memory_space<vmem>> -> memref<64xi32, #tpu.memory_space<vmem>>
        %dma_start3A_579 = tpu.memref_slice %arg2[%multiple_of3A_574] : memref<320000xi32, #tpu.memory_space<hbm>> -> memref<64xi32, #tpu.memory_space<hbm>>
        %dma_start3A_580 = arith.constant 0 : i32
        %dma_start3A_581 = tpu.memref_slice %arg14[%dma_start3A_575, %dma_start3A_580] : memref<2x64xi32, #tpu.memory_space<vmem>> -> memref<1x64xi32, #tpu.memory_space<vmem>>
        %dma_start3A_582 = tpu.memref_squeeze %dma_start3A_581 : memref<1x64xi32, #tpu.memory_space<vmem>> -> memref<64xi32, #tpu.memory_space<vmem>>
        %dma_start3A_583 = tpu.memref_slice %arg2[%multiple_of3A_574] : memref<320000xi32, #tpu.memory_space<hbm>> -> memref<64xi32, #tpu.memory_space<hbm>>
        tpu.enqueue_dma source(%dma_start3A_583 : memref<64xi32, #tpu.memory_space<hbm>>) target(%dma_start3A_582 : memref<64xi32, #tpu.memory_space<vmem>>) target_semaphore(%arg29 : memref<!tpu.dma_semaphore, #tpu.memory_space<semaphore_mem>>)
        %dma_start3A_584 = arith.constant 1 : i32
        %dma_start3A_585 = arith.constant 0 : i32
        %dma_start3A_586 = tpu.memref_slice %arg14[%dma_start3A_584, %dma_start3A_585] : memref<2x64xi32, #tpu.memory_space<vmem>> -> memref<1x64xi32, #tpu.memory_space<vmem>>
        %dma_start3A_587 = tpu.memref_squeeze %dma_start3A_586 : memref<1x64xi32, #tpu.memory_space<vmem>> -> memref<64xi32, #tpu.memory_space<vmem>>
        %dma_start3A_588 = tpu.memref_slice %arg3[%multiple_of3A_574] : memref<320000xi32, #tpu.memory_space<hbm>> -> memref<64xi32, #tpu.memory_space<hbm>>
        %dma_start3A_589 = arith.constant 0 : i32
        %dma_start3A_590 = tpu.memref_slice %arg14[%dma_start3A_584, %dma_start3A_589] : memref<2x64xi32, #tpu.memory_space<vmem>> -> memref<1x64xi32, #tpu.memory_space<vmem>>
        %dma_start3A_591 = tpu.memref_squeeze %dma_start3A_590 : memref<1x64xi32, #tpu.memory_space<vmem>> -> memref<64xi32, #tpu.memory_space<vmem>>
        %dma_start3A_592 = tpu.memref_slice %arg3[%multiple_of3A_574] : memref<320000xi32, #tpu.memory_space<hbm>> -> memref<64xi32, #tpu.memory_space<hbm>>
        tpu.enqueue_dma source(%dma_start3A_592 : memref<64xi32, #tpu.memory_space<hbm>>) target(%dma_start3A_591 : memref<64xi32, #tpu.memory_space<vmem>>) target_semaphore(%arg29 : memref<!tpu.dma_semaphore, #tpu.memory_space<semaphore_mem>>)
      } else {
      }
      %add3A_562 = arith.constant 4 : i32
      %add3A_563 = arith.addi %add3A_547, %add3A_562 : i32
      %lt3A_564 = arith.constant 156 : i32
      %lt3A_565 = arith.cmpi slt, %add3A_563, %lt3A_564 : i32
      %convert_element_type3A_566 = arith.extui %lt3A_565 : i1 to i32
      %cond3A_567 = arith.constant 0 : i32
      %cond3A_568 = arith.cmpi ne, %convert_element_type3A_566, %cond3A_567 : i32
      scf.if %cond3A_568 {
        %dma_wait3A_569 = arith.constant 0 : i32
        %dma_wait3A_570 = arith.constant 0 : i32
        %dma_wait3A_571 = tpu.memref_slice %arg10[%dma_wait3A_569, %dma_wait3A_570] : memref<2x64xi32, #tpu.memory_space<vmem>> -> memref<1x64xi32, #tpu.memory_space<vmem>>
        %dma_wait3A_572 = tpu.memref_squeeze %dma_wait3A_571 : memref<1x64xi32, #tpu.memory_space<vmem>> -> memref<64xi32, #tpu.memory_space<vmem>>
        %dma_wait3A_573 = arith.constant 0 : i32
        %dma_wait3A_574 = tpu.memref_slice %arg2[%dma_wait3A_573] : memref<320000xi32, #tpu.memory_space<hbm>> -> memref<64xi32, #tpu.memory_space<hbm>>
        %dma_wait3A_575 = arith.constant 0 : i32
        %dma_wait3A_576 = tpu.memref_slice %arg10[%dma_wait3A_569, %dma_wait3A_575] : memref<2x64xi32, #tpu.memory_space<vmem>> -> memref<1x64xi32, #tpu.memory_space<vmem>>
        %dma_wait3A_577 = tpu.memref_squeeze %dma_wait3A_576 : memref<1x64xi32, #tpu.memory_space<vmem>> -> memref<64xi32, #tpu.memory_space<vmem>>
        %dma_wait3A_578 = arith.constant 0 : i32
        %dma_wait3A_579 = tpu.memref_slice %arg2[%dma_wait3A_578] : memref<320000xi32, #tpu.memory_space<hbm>> -> memref<64xi32, #tpu.memory_space<hbm>>
        tpu.wait_dma2 semaphore(%arg25 : memref<!tpu.dma_semaphore, #tpu.memory_space<semaphore_mem>>) src(%dma_wait3A_579 : memref<64xi32, #tpu.memory_space<hbm>>) dst(%dma_wait3A_577 : memref<64xi32, #tpu.memory_space<vmem>>)
        %dma_wait3A_580 = arith.constant 1 : i32
        %dma_wait3A_581 = arith.constant 0 : i32
        %dma_wait3A_582 = tpu.memref_slice %arg10[%dma_wait3A_580, %dma_wait3A_581] : memref<2x64xi32, #tpu.memory_space<vmem>> -> memref<1x64xi32, #tpu.memory_space<vmem>>
        %dma_wait3A_583 = tpu.memref_squeeze %dma_wait3A_582 : memref<1x64xi32, #tpu.memory_space<vmem>> -> memref<64xi32, #tpu.memory_space<vmem>>
        %dma_wait3A_584 = arith.constant 0 : i32
        %dma_wait3A_585 = tpu.memref_slice %arg2[%dma_wait3A_584] : memref<320000xi32, #tpu.memory_space<hbm>> -> memref<64xi32, #tpu.memory_space<hbm>>
        %dma_wait3A_586 = arith.constant 0 : i32
        %dma_wait3A_587 = tpu.memref_slice %arg10[%dma_wait3A_580, %dma_wait3A_586] : memref<2x64xi32, #tpu.memory_space<vmem>> -> memref<1x64xi32, #tpu.memory_space<vmem>>
        %dma_wait3A_588 = tpu.memref_squeeze %dma_wait3A_587 : memref<1x64xi32, #tpu.memory_space<vmem>> -> memref<64xi32, #tpu.memory_space<vmem>>
        %dma_wait3A_589 = arith.constant 0 : i32
        %dma_wait3A_590 = tpu.memref_slice %arg2[%dma_wait3A_589] : memref<320000xi32, #tpu.memory_space<hbm>> -> memref<64xi32, #tpu.memory_space<hbm>>
        tpu.wait_dma2 semaphore(%arg25 : memref<!tpu.dma_semaphore, #tpu.memory_space<semaphore_mem>>) src(%dma_wait3A_590 : memref<64xi32, #tpu.memory_space<hbm>>) dst(%dma_wait3A_588 : memref<64xi32, #tpu.memory_space<vmem>>)
        %dma_start3A_591 = arith.constant 0 : i32
        %dma_start3A_592 = arith.constant 0 : i32
        %dma_start3A_593 = tpu.memref_slice %arg10[%dma_start3A_591, %dma_start3A_592] : memref<2x64xi32, #tpu.memory_space<vmem>> -> memref<1x64xi32, #tpu.memory_space<vmem>>
        %dma_start3A_594 = tpu.memref_squeeze %dma_start3A_593 : memref<1x64xi32, #tpu.memory_space<vmem>> -> memref<64xi32, #tpu.memory_space<vmem>>
        %dma_start3A_595 = arith.constant 0 : i32
        %dma_start3A_596 = arith.constant 0 : i32
        %dma_start3A_597 = tpu.memref_slice %arg4[%dma_start3A_595, %dma_start3A_596] : memref<10000x128xf32, #tpu.memory_space<hbm>> -> memref<10000x128xf32, #tpu.memory_space<hbm>>
        tpu.enqueue_indirect_dma source(%dma_start3A_597 : memref<10000x128xf32, #tpu.memory_space<hbm>>) target(%arg19 : memref<64x128xf32, #tpu.memory_space<vmem>>) offsets(%dma_start3A_594 : memref<64xi32, #tpu.memory_space<vmem>>) semaphore(%arg33 : memref<!tpu.dma_semaphore, #tpu.memory_space<semaphore_mem>>)
      } else {
      }
    }
    %scan3A_342 = arith.constant 19 : i32
    %dma_wait3A_343 = arith.constant 0 : i32
    %dma_wait3A_344 = arith.constant 0 : i32
    %dma_wait3A_345 = tpu.memref_slice %arg4[%dma_wait3A_343, %dma_wait3A_344] : memref<10000x128xf32, #tpu.memory_space<hbm>> -> memref<64x128xf32, #tpu.memory_space<hbm>>
    %dma_wait3A_346 = arith.constant 0 : i32
    %dma_wait3A_347 = arith.constant 0 : i32
    %dma_wait3A_348 = tpu.memref_slice %arg4[%dma_wait3A_346, %dma_wait3A_347] : memref<10000x128xf32, #tpu.memory_space<hbm>> -> memref<64x128xf32, #tpu.memory_space<hbm>>
    tpu.wait_dma2 semaphore(%arg30 : memref<!tpu.dma_semaphore, #tpu.memory_space<semaphore_mem>>) src(%dma_wait3A_348 : memref<64x128xf32, #tpu.memory_space<hbm>>) dst(%arg16 : memref<64x128xf32, #tpu.memory_space<vmem>>)
    %run_scoped3A = arith.constant 1 : i32
    "tpu.region"() ({
      %run_scoped3A_383 = tpu.sem_alloc : memref<!tpu.dma_semaphore, #tpu.memory_space<semaphore_mem>>
      %dma_start3A_384 = arith.constant 0 : i32
      %dma_start3A_385 = tpu.memref_slice %arg7[%run_scoped3A, %dma_start3A_384] : memref<2x64xi32, #tpu.memory_space<vmem>> -> memref<1x64xi32, #tpu.memory_space<vmem>>
      %dma_start3A_386 = tpu.memref_squeeze %dma_start3A_385 : memref<1x64xi32, #tpu.memory_space<vmem>> -> memref<64xi32, #tpu.memory_space<vmem>>
      %dma_start3A_387 = arith.constant 0 : i32
      %dma_start3A_388 = arith.constant 0 : i32
      %dma_start3A_389 = tpu.memref_slice %arg21[%dma_start3A_387, %dma_start3A_388] : memref<10000x128xf32, #tpu.memory_space<vmem_shared>> -> memref<10000x128xf32, #tpu.memory_space<vmem_shared>>
      tpu.enqueue_indirect_dma source(%arg16 : memref<64x128xf32, #tpu.memory_space<vmem>>) target(%dma_start3A_389 : memref<10000x128xf32, #tpu.memory_space<vmem_shared>>) offsets(%dma_start3A_386 : memref<64xi32, #tpu.memory_space<vmem>>) semaphore(%run_scoped3A_383 : memref<!tpu.dma_semaphore, #tpu.memory_space<semaphore_mem>>) {add = true}
      %dma_wait3A_390 = arith.constant 0 : i32
      %dma_wait3A_391 = tpu.memref_slice %arg7[%run_scoped3A, %dma_wait3A_390] : memref<2x64xi32, #tpu.memory_space<vmem>> -> memref<1x64xi32, #tpu.memory_space<vmem>>
      %dma_wait3A_392 = tpu.memref_squeeze %dma_wait3A_391 : memref<1x64xi32, #tpu.memory_space<vmem>> -> memref<64xi32, #tpu.memory_space<vmem>>
      %dma_wait3A_393 = arith.constant 0 : i32
      %dma_wait3A_394 = arith.constant 0 : i32
      %dma_wait3A_395 = tpu.memref_slice %arg21[%dma_wait3A_393, %dma_wait3A_394] : memref<10000x128xf32, #tpu.memory_space<vmem_shared>> -> memref<10000x128xf32, #tpu.memory_space<vmem_shared>>
      tpu.wait_indirect_dma semaphore(%run_scoped3A_383 : memref<!tpu.dma_semaphore, #tpu.memory_space<semaphore_mem>>) src(%arg16 : memref<64x128xf32, #tpu.memory_space<vmem>>) dst(%dma_wait3A_395 : memref<10000x128xf32, #tpu.memory_space<vmem_shared>>)
      tpu.yield
    }) : () -> ()
    %dma_wait3A_349 = arith.constant 0 : i32
    %dma_wait3A_350 = arith.constant 0 : i32
    %dma_wait3A_351 = tpu.memref_slice %arg4[%dma_wait3A_349, %dma_wait3A_350] : memref<10000x128xf32, #tpu.memory_space<hbm>> -> memref<64x128xf32, #tpu.memory_space<hbm>>
    %dma_wait3A_352 = arith.constant 0 : i32
    %dma_wait3A_353 = arith.constant 0 : i32
    %dma_wait3A_354 = tpu.memref_slice %arg4[%dma_wait3A_352, %dma_wait3A_353] : memref<10000x128xf32, #tpu.memory_space<hbm>> -> memref<64x128xf32, #tpu.memory_space<hbm>>
    tpu.wait_dma2 semaphore(%arg31 : memref<!tpu.dma_semaphore, #tpu.memory_space<semaphore_mem>>) src(%dma_wait3A_354 : memref<64x128xf32, #tpu.memory_space<hbm>>) dst(%arg17 : memref<64x128xf32, #tpu.memory_space<vmem>>)
    %run_scoped3A_355 = arith.constant 1 : i32
    "tpu.region"() ({
      %run_scoped3A_383 = tpu.sem_alloc : memref<!tpu.dma_semaphore, #tpu.memory_space<semaphore_mem>>
      %dma_start3A_384 = arith.constant 0 : i32
      %dma_start3A_385 = tpu.memref_slice %arg8[%run_scoped3A_355, %dma_start3A_384] : memref<2x64xi32, #tpu.memory_space<vmem>> -> memref<1x64xi32, #tpu.memory_space<vmem>>
      %dma_start3A_386 = tpu.memref_squeeze %dma_start3A_385 : memref<1x64xi32, #tpu.memory_space<vmem>> -> memref<64xi32, #tpu.memory_space<vmem>>
      %dma_start3A_387 = arith.constant 0 : i32
      %dma_start3A_388 = arith.constant 0 : i32
      %dma_start3A_389 = tpu.memref_slice %arg21[%dma_start3A_387, %dma_start3A_388] : memref<10000x128xf32, #tpu.memory_space<vmem_shared>> -> memref<10000x128xf32, #tpu.memory_space<vmem_shared>>
      tpu.enqueue_indirect_dma source(%arg17 : memref<64x128xf32, #tpu.memory_space<vmem>>) target(%dma_start3A_389 : memref<10000x128xf32, #tpu.memory_space<vmem_shared>>) offsets(%dma_start3A_386 : memref<64xi32, #tpu.memory_space<vmem>>) semaphore(%run_scoped3A_383 : memref<!tpu.dma_semaphore, #tpu.memory_space<semaphore_mem>>) {add = true}
      %dma_wait3A_390 = arith.constant 0 : i32
      %dma_wait3A_391 = tpu.memref_slice %arg8[%run_scoped3A_355, %dma_wait3A_390] : memref<2x64xi32, #tpu.memory_space<vmem>> -> memref<1x64xi32, #tpu.memory_space<vmem>>
      %dma_wait3A_392 = tpu.memref_squeeze %dma_wait3A_391 : memref<1x64xi32, #tpu.memory_space<vmem>> -> memref<64xi32, #tpu.memory_space<vmem>>
      %dma_wait3A_393 = arith.constant 0 : i32
      %dma_wait3A_394 = arith.constant 0 : i32
      %dma_wait3A_395 = tpu.memref_slice %arg21[%dma_wait3A_393, %dma_wait3A_394] : memref<10000x128xf32, #tpu.memory_space<vmem_shared>> -> memref<10000x128xf32, #tpu.memory_space<vmem_shared>>
      tpu.wait_indirect_dma semaphore(%run_scoped3A_383 : memref<!tpu.dma_semaphore, #tpu.memory_space<semaphore_mem>>) src(%arg17 : memref<64x128xf32, #tpu.memory_space<vmem>>) dst(%dma_wait3A_395 : memref<10000x128xf32, #tpu.memory_space<vmem_shared>>)
      tpu.yield
    }) : () -> ()
    %dma_wait3A_356 = arith.constant 0 : i32
    %dma_wait3A_357 = arith.constant 0 : i32
    %dma_wait3A_358 = tpu.memref_slice %arg4[%dma_wait3A_356, %dma_wait3A_357] : memref<10000x128xf32, #tpu.memory_space<hbm>> -> memref<64x128xf32, #tpu.memory_space<hbm>>
    %dma_wait3A_359 = arith.constant 0 : i32
    %dma_wait3A_360 = arith.constant 0 : i32
    %dma_wait3A_361 = tpu.memref_slice %arg4[%dma_wait3A_359, %dma_wait3A_360] : memref<10000x128xf32, #tpu.memory_space<hbm>> -> memref<64x128xf32, #tpu.memory_space<hbm>>
    tpu.wait_dma2 semaphore(%arg32 : memref<!tpu.dma_semaphore, #tpu.memory_space<semaphore_mem>>) src(%dma_wait3A_361 : memref<64x128xf32, #tpu.memory_space<hbm>>) dst(%arg18 : memref<64x128xf32, #tpu.memory_space<vmem>>)
    %run_scoped3A_362 = arith.constant 1 : i32
    "tpu.region"() ({
      %run_scoped3A_383 = tpu.sem_alloc : memref<!tpu.dma_semaphore, #tpu.memory_space<semaphore_mem>>
      %dma_start3A_384 = arith.constant 0 : i32
      %dma_start3A_385 = tpu.memref_slice %arg9[%run_scoped3A_362, %dma_start3A_384] : memref<2x64xi32, #tpu.memory_space<vmem>> -> memref<1x64xi32, #tpu.memory_space<vmem>>
      %dma_start3A_386 = tpu.memref_squeeze %dma_start3A_385 : memref<1x64xi32, #tpu.memory_space<vmem>> -> memref<64xi32, #tpu.memory_space<vmem>>
      %dma_start3A_387 = arith.constant 0 : i32
      %dma_start3A_388 = arith.constant 0 : i32
      %dma_start3A_389 = tpu.memref_slice %arg21[%dma_start3A_387, %dma_start3A_388] : memref<10000x128xf32, #tpu.memory_space<vmem_shared>> -> memref<10000x128xf32, #tpu.memory_space<vmem_shared>>
      tpu.enqueue_indirect_dma source(%arg18 : memref<64x128xf32, #tpu.memory_space<vmem>>) target(%dma_start3A_389 : memref<10000x128xf32, #tpu.memory_space<vmem_shared>>) offsets(%dma_start3A_386 : memref<64xi32, #tpu.memory_space<vmem>>) semaphore(%run_scoped3A_383 : memref<!tpu.dma_semaphore, #tpu.memory_space<semaphore_mem>>) {add = true}
      %dma_wait3A_390 = arith.constant 0 : i32
      %dma_wait3A_391 = tpu.memref_slice %arg9[%run_scoped3A_362, %dma_wait3A_390] : memref<2x64xi32, #tpu.memory_space<vmem>> -> memref<1x64xi32, #tpu.memory_space<vmem>>
      %dma_wait3A_392 = tpu.memref_squeeze %dma_wait3A_391 : memref<1x64xi32, #tpu.memory_space<vmem>> -> memref<64xi32, #tpu.memory_space<vmem>>
      %dma_wait3A_393 = arith.constant 0 : i32
      %dma_wait3A_394 = arith.constant 0 : i32
      %dma_wait3A_395 = tpu.memref_slice %arg21[%dma_wait3A_393, %dma_wait3A_394] : memref<10000x128xf32, #tpu.memory_space<vmem_shared>> -> memref<10000x128xf32, #tpu.memory_space<vmem_shared>>
      tpu.wait_indirect_dma semaphore(%run_scoped3A_383 : memref<!tpu.dma_semaphore, #tpu.memory_space<semaphore_mem>>) src(%arg18 : memref<64x128xf32, #tpu.memory_space<vmem>>) dst(%dma_wait3A_395 : memref<10000x128xf32, #tpu.memory_space<vmem_shared>>)
      tpu.yield
    }) : () -> ()
    %dma_wait3A_363 = arith.constant 0 : i32
    %dma_wait3A_364 = arith.constant 0 : i32
    %dma_wait3A_365 = tpu.memref_slice %arg4[%dma_wait3A_363, %dma_wait3A_364] : memref<10000x128xf32, #tpu.memory_space<hbm>> -> memref<64x128xf32, #tpu.memory_space<hbm>>
    %dma_wait3A_366 = arith.constant 0 : i32
    %dma_wait3A_367 = arith.constant 0 : i32
    %dma_wait3A_368 = tpu.memref_slice %arg4[%dma_wait3A_366, %dma_wait3A_367] : memref<10000x128xf32, #tpu.memory_space<hbm>> -> memref<64x128xf32, #tpu.memory_space<hbm>>
    tpu.wait_dma2 semaphore(%arg33 : memref<!tpu.dma_semaphore, #tpu.memory_space<semaphore_mem>>) src(%dma_wait3A_368 : memref<64x128xf32, #tpu.memory_space<hbm>>) dst(%arg19 : memref<64x128xf32, #tpu.memory_space<vmem>>)
    %run_scoped3A_369 = arith.constant 1 : i32
    "tpu.region"() ({
      %run_scoped3A_383 = tpu.sem_alloc : memref<!tpu.dma_semaphore, #tpu.memory_space<semaphore_mem>>
      %dma_start3A_384 = arith.constant 0 : i32
      %dma_start3A_385 = tpu.memref_slice %arg10[%run_scoped3A_369, %dma_start3A_384] : memref<2x64xi32, #tpu.memory_space<vmem>> -> memref<1x64xi32, #tpu.memory_space<vmem>>
      %dma_start3A_386 = tpu.memref_squeeze %dma_start3A_385 : memref<1x64xi32, #tpu.memory_space<vmem>> -> memref<64xi32, #tpu.memory_space<vmem>>
      %dma_start3A_387 = arith.constant 0 : i32
      %dma_start3A_388 = arith.constant 0 : i32
      %dma_start3A_389 = tpu.memref_slice %arg21[%dma_start3A_387, %dma_start3A_388] : memref<10000x128xf32, #tpu.memory_space<vmem_shared>> -> memref<10000x128xf32, #tpu.memory_space<vmem_shared>>
      tpu.enqueue_indirect_dma source(%arg19 : memref<64x128xf32, #tpu.memory_space<vmem>>) target(%dma_start3A_389 : memref<10000x128xf32, #tpu.memory_space<vmem_shared>>) offsets(%dma_start3A_386 : memref<64xi32, #tpu.memory_space<vmem>>) semaphore(%run_scoped3A_383 : memref<!tpu.dma_semaphore, #tpu.memory_space<semaphore_mem>>) {add = true}
      %dma_wait3A_390 = arith.constant 0 : i32
      %dma_wait3A_391 = tpu.memref_slice %arg10[%run_scoped3A_369, %dma_wait3A_390] : memref<2x64xi32, #tpu.memory_space<vmem>> -> memref<1x64xi32, #tpu.memory_space<vmem>>
      %dma_wait3A_392 = tpu.memref_squeeze %dma_wait3A_391 : memref<1x64xi32, #tpu.memory_space<vmem>> -> memref<64xi32, #tpu.memory_space<vmem>>
      %dma_wait3A_393 = arith.constant 0 : i32
      %dma_wait3A_394 = arith.constant 0 : i32
      %dma_wait3A_395 = tpu.memref_slice %arg21[%dma_wait3A_393, %dma_wait3A_394] : memref<10000x128xf32, #tpu.memory_space<vmem_shared>> -> memref<10000x128xf32, #tpu.memory_space<vmem_shared>>
      tpu.wait_indirect_dma semaphore(%run_scoped3A_383 : memref<!tpu.dma_semaphore, #tpu.memory_space<semaphore_mem>>) src(%arg19 : memref<64x128xf32, #tpu.memory_space<vmem>>) dst(%dma_wait3A_395 : memref<10000x128xf32, #tpu.memory_space<vmem_shared>>)
      tpu.yield
    }) : () -> ()
    %dma_wait3A_370 = arith.constant 0 : i32
    %dma_wait3A_371 = arith.constant 0 : i32
    %dma_wait3A_372 = tpu.memref_slice %arg4[%dma_wait3A_370, %dma_wait3A_371] : memref<10000x128xf32, #tpu.memory_space<hbm>> -> memref<16x128xf32, #tpu.memory_space<hbm>>
    %dma_wait3A_373 = arith.constant 0 : i32
    %dma_wait3A_374 = arith.constant 0 : i32
    %dma_wait3A_375 = tpu.memref_slice %arg4[%dma_wait3A_373, %dma_wait3A_374] : memref<10000x128xf32, #tpu.memory_space<hbm>> -> memref<16x128xf32, #tpu.memory_space<hbm>>
    tpu.wait_dma2 semaphore(%arg34 : memref<!tpu.dma_semaphore, #tpu.memory_space<semaphore_mem>>) src(%dma_wait3A_375 : memref<16x128xf32, #tpu.memory_space<hbm>>) dst(%arg20 : memref<16x128xf32, #tpu.memory_space<vmem>>)
    %run_scoped3A_376 = arith.constant 1 : i32
    "tpu.region"() ({
      %run_scoped3A_383 = tpu.sem_alloc : memref<!tpu.dma_semaphore, #tpu.memory_space<semaphore_mem>>
      %dma_start3A_384 = arith.constant 0 : i32
      %dma_start3A_385 = tpu.memref_slice %arg15[%run_scoped3A_376, %dma_start3A_384] : memref<2x16xi32, #tpu.memory_space<vmem>> -> memref<1x16xi32, #tpu.memory_space<vmem>>
      %dma_start3A_386 = tpu.memref_squeeze %dma_start3A_385 : memref<1x16xi32, #tpu.memory_space<vmem>> -> memref<16xi32, #tpu.memory_space<vmem>>
      %dma_start3A_387 = arith.constant 0 : i32
      %dma_start3A_388 = arith.constant 0 : i32
      %dma_start3A_389 = tpu.memref_slice %arg21[%dma_start3A_387, %dma_start3A_388] : memref<10000x128xf32, #tpu.memory_space<vmem_shared>> -> memref<10000x128xf32, #tpu.memory_space<vmem_shared>>
      tpu.enqueue_indirect_dma source(%arg20 : memref<16x128xf32, #tpu.memory_space<vmem>>) target(%dma_start3A_389 : memref<10000x128xf32, #tpu.memory_space<vmem_shared>>) offsets(%dma_start3A_386 : memref<16xi32, #tpu.memory_space<vmem>>) semaphore(%run_scoped3A_383 : memref<!tpu.dma_semaphore, #tpu.memory_space<semaphore_mem>>) {add = true}
      %dma_wait3A_390 = arith.constant 0 : i32
      %dma_wait3A_391 = tpu.memref_slice %arg15[%run_scoped3A_376, %dma_wait3A_390] : memref<2x16xi32, #tpu.memory_space<vmem>> -> memref<1x16xi32, #tpu.memory_space<vmem>>
      %dma_wait3A_392 = tpu.memref_squeeze %dma_wait3A_391 : memref<1x16xi32, #tpu.memory_space<vmem>> -> memref<16xi32, #tpu.memory_space<vmem>>
      %dma_wait3A_393 = arith.constant 0 : i32
      %dma_wait3A_394 = arith.constant 0 : i32
      %dma_wait3A_395 = tpu.memref_slice %arg21[%dma_wait3A_393, %dma_wait3A_394] : memref<10000x128xf32, #tpu.memory_space<vmem_shared>> -> memref<10000x128xf32, #tpu.memory_space<vmem_shared>>
      tpu.wait_indirect_dma semaphore(%run_scoped3A_383 : memref<!tpu.dma_semaphore, #tpu.memory_space<semaphore_mem>>) src(%arg20 : memref<16x128xf32, #tpu.memory_space<vmem>>) dst(%dma_wait3A_395 : memref<10000x128xf32, #tpu.memory_space<vmem_shared>>)
      tpu.yield
    }) : () -> ()
    %barrier3A_377 = arith.constant 0 : index
    tpu.barrier barrier_id(%barrier3A_377)
    "tpu.region"() ({
      %run_scoped3A_383 = tpu.sem_alloc : memref<!tpu.dma_semaphore, #tpu.memory_space<semaphore_mem>>
      %dma_start3A_384 = arith.constant 0 : i32
      %dma_start3A_385 = tpu.memref_slice %arg6[%arg0, %mul3A_0, %dma_start3A_384] : memref<2x10000x128xf32, #tpu.memory_space<hbm>> -> memref<1x624x128xf32, #tpu.memory_space<hbm>>
      %dma_start3A_386 = tpu.memref_squeeze %dma_start3A_385 : memref<1x624x128xf32, #tpu.memory_space<hbm>> -> memref<624x128xf32, #tpu.memory_space<hbm>>
      %dma_start3A_387 = arith.constant 0 : i32
      %dma_start3A_388 = tpu.memref_slice %arg21[%mul3A_0, %dma_start3A_387] : memref<10000x128xf32, #tpu.memory_space<vmem_shared>> -> memref<624x128xf32, #tpu.memory_space<vmem_shared>>
      tpu.enqueue_dma source(%dma_start3A_388 : memref<624x128xf32, #tpu.memory_space<vmem_shared>>) target(%dma_start3A_386 : memref<624x128xf32, #tpu.memory_space<hbm>>) target_semaphore(%run_scoped3A_383 : memref<!tpu.dma_semaphore, #tpu.memory_space<semaphore_mem>>)
      %dma_wait3A_389 = arith.constant 0 : i32
      %dma_wait3A_390 = tpu.memref_slice %arg6[%arg0, %mul3A_0, %dma_wait3A_389] : memref<2x10000x128xf32, #tpu.memory_space<hbm>> -> memref<1x624x128xf32, #tpu.memory_space<hbm>>
      %dma_wait3A_391 = tpu.memref_squeeze %dma_wait3A_390 : memref<1x624x128xf32, #tpu.memory_space<hbm>> -> memref<624x128xf32, #tpu.memory_space<hbm>>
      %dma_wait3A_392 = arith.constant 0 : i32
      %dma_wait3A_393 = tpu.memref_slice %arg21[%mul3A_0, %dma_wait3A_392] : memref<10000x128xf32, #tpu.memory_space<vmem_shared>> -> memref<624x128xf32, #tpu.memory_space<vmem_shared>>
      tpu.wait_dma2 semaphore(%run_scoped3A_383 : memref<!tpu.dma_semaphore, #tpu.memory_space<semaphore_mem>>) src(%dma_wait3A_393 : memref<624x128xf32, #tpu.memory_space<vmem_shared>>) dst(%dma_wait3A_391 : memref<624x128xf32, #tpu.memory_space<hbm>>)
      tpu.yield
    }) : () -> ()
    %eq3A_378 = arith.constant 15 : i32
    %eq3A_379 = arith.cmpi eq, %arg1, %eq3A_378 : i32
    %convert_element_type3A_380 = arith.extui %eq3A_379 : i1 to i32
    %cond3A_381 = arith.constant 0 : i32
    %cond3A_382 = arith.cmpi ne, %convert_element_type3A_380, %cond3A_381 : i32
    scf.if %cond3A_382 {
      "tpu.region"() ({
        %run_scoped3A_383 = tpu.sem_alloc : memref<!tpu.dma_semaphore, #tpu.memory_space<semaphore_mem>>
        %dma_start3A_384 = arith.constant 9984 : i32
        %dma_start3A_385 = arith.constant 0 : i32
        %dma_start3A_386 = tpu.memref_slice %arg6[%arg0, %dma_start3A_384, %dma_start3A_385] : memref<2x10000x128xf32, #tpu.memory_space<hbm>> -> memref<1x16x128xf32, #tpu.memory_space<hbm>>
        %dma_start3A_387 = tpu.memref_squeeze %dma_start3A_386 : memref<1x16x128xf32, #tpu.memory_space<hbm>> -> memref<16x128xf32, #tpu.memory_space<hbm>>
        %dma_start3A_388 = arith.constant 9984 : i32
        %dma_start3A_389 = arith.constant 0 : i32
        %dma_start3A_390 = tpu.memref_slice %arg21[%dma_start3A_388, %dma_start3A_389] : memref<10000x128xf32, #tpu.memory_space<vmem_shared>> -> memref<16x128xf32, #tpu.memory_space<vmem_shared>>
        tpu.enqueue_dma source(%dma_start3A_390 : memref<16x128xf32, #tpu.memory_space<vmem_shared>>) target(%dma_start3A_387 : memref<16x128xf32, #tpu.memory_space<hbm>>) target_semaphore(%run_scoped3A_383 : memref<!tpu.dma_semaphore, #tpu.memory_space<semaphore_mem>>)
        %dma_wait3A_391 = arith.constant 9984 : i32
        %dma_wait3A_392 = arith.constant 0 : i32
        %dma_wait3A_393 = tpu.memref_slice %arg6[%arg0, %dma_wait3A_391, %dma_wait3A_392] : memref<2x10000x128xf32, #tpu.memory_space<hbm>> -> memref<1x16x128xf32, #tpu.memory_space<hbm>>
        %dma_wait3A_394 = tpu.memref_squeeze %dma_wait3A_393 : memref<1x16x128xf32, #tpu.memory_space<hbm>> -> memref<16x128xf32, #tpu.memory_space<hbm>>
        %dma_wait3A_395 = arith.constant 9984 : i32
        %dma_wait3A_396 = arith.constant 0 : i32
        %dma_wait3A_397 = tpu.memref_slice %arg21[%dma_wait3A_395, %dma_wait3A_396] : memref<10000x128xf32, #tpu.memory_space<vmem_shared>> -> memref<16x128xf32, #tpu.memory_space<vmem_shared>>
        tpu.wait_dma2 semaphore(%run_scoped3A_383 : memref<!tpu.dma_semaphore, #tpu.memory_space<semaphore_mem>>) src(%dma_wait3A_397 : memref<16x128xf32, #tpu.memory_space<vmem_shared>>) dst(%dma_wait3A_394 : memref<16x128xf32, #tpu.memory_space<hbm>>)
        tpu.yield
      }) : () -> ()
    } else {
    }
    return
  }
}

module attributes {stable_mosaic.version = 14 : i64} {
  func.func @_tc_mlp_body(%arg0: i32, %arg1: memref<2000x128xf32, #tpu.memory_space<vmem>>, %arg2: memref<2x2000x128xf32, #tpu.memory_space<vmem>>, %arg3: memref<128x128xf32, #tpu.memory_space<vmem>>, %arg4: memref<128x128xf32, #tpu.memory_space<vmem>>, %arg5: memref<1x128xf32, #tpu.memory_space<vmem>>, %arg6: memref<128x128xf32, #tpu.memory_space<vmem>>, %arg7: memref<1x128xf32, #tpu.memory_space<vmem>>, %arg8: memref<128x128xf32, #tpu.memory_space<vmem>>, %arg9: memref<1x128xf32, #tpu.memory_space<vmem>>, %arg10: memref<128x128xf32, #tpu.memory_space<vmem>>, %arg11: memref<1x128xf32, #tpu.memory_space<vmem>>, %arg12: memref<1x128xf32, #tpu.memory_space<vmem>>, %arg13: memref<1x128xf32, #tpu.memory_space<vmem>>, %arg14: memref<2000x128xf32, #tpu.memory_space<vmem>>) attributes {dimension_semantics = [#tpu.dimension_semantics<arbitrary>], iteration_bounds = array<i64: 5>, scalar_prefetch = 0 : i64, scratch_operands = 0 : i64, tpu.core_type = #tpu.core_type<tc>, window_params = [{transform_indices = @transform_0, window_bounds = array<i64: 2000, 128>}, {transform_indices = @transform_1, window_bounds = array<i64: 2, 2000, 128>}, {pipeline_mode = #tpu.pipeline_mode<synchronous>, transform_indices = @transform_2, window_bounds = array<i64: 128, 128>}, {pipeline_mode = #tpu.pipeline_mode<synchronous>, transform_indices = @transform_3, window_bounds = array<i64: 128, 128>}, {pipeline_mode = #tpu.pipeline_mode<synchronous>, transform_indices = @transform_4, window_bounds = array<i64: 1, 128>}, {pipeline_mode = #tpu.pipeline_mode<synchronous>, transform_indices = @transform_5, window_bounds = array<i64: 128, 128>}, {pipeline_mode = #tpu.pipeline_mode<synchronous>, transform_indices = @transform_6, window_bounds = array<i64: 1, 128>}, {pipeline_mode = #tpu.pipeline_mode<synchronous>, transform_indices = @transform_7, window_bounds = array<i64: 128, 128>}, {pipeline_mode = #tpu.pipeline_mode<synchronous>, transform_indices = @transform_8, window_bounds = array<i64: 1, 128>}, {pipeline_mode = #tpu.pipeline_mode<synchronous>, transform_indices = @transform_9, window_bounds = array<i64: 128, 128>}, {pipeline_mode = #tpu.pipeline_mode<synchronous>, transform_indices = @transform_10, window_bounds = array<i64: 1, 128>}, {pipeline_mode = #tpu.pipeline_mode<synchronous>, transform_indices = @transform_11, window_bounds = array<i64: 1, 128>}, {pipeline_mode = #tpu.pipeline_mode<synchronous>, transform_indices = @transform_12, window_bounds = array<i64: 1, 128>}, {transform_indices = @transform_13, window_bounds = array<i64: 2000, 128>}]} {
    %get3A = arith.constant 0 : index
    %get3A_0 = arith.constant 0 : index
    %get3A_1 = vector.load %arg1[%get3A, %get3A_0] : memref<2000x128xf32, #tpu.memory_space<vmem>>, vector<2000x128xf32>
    %get3A_2 = arith.constant 0 : index
    %get3A_3 = arith.constant 0 : index
    %get3A_4 = arith.constant 0 : index
    %get3A_5 = vector.load %arg2[%get3A_2, %get3A_3, %get3A_4] : memref<2x2000x128xf32, #tpu.memory_space<vmem>>, vector<1x2000x128xf32>
    %get3A_6 = vector.shape_cast %get3A_5 : vector<1x2000x128xf32> to vector<2000x128xf32>
    %get3A_7 = arith.constant 1 : index
    %get3A_8 = arith.constant 0 : index
    %get3A_9 = arith.constant 0 : index
    %get3A_10 = vector.load %arg2[%get3A_7, %get3A_8, %get3A_9] : memref<2x2000x128xf32, #tpu.memory_space<vmem>>, vector<1x2000x128xf32>
    %get3A_11 = vector.shape_cast %get3A_10 : vector<1x2000x128xf32> to vector<2000x128xf32>
    %add3A = arith.addf %get3A_6, %get3A_11 : vector<2000x128xf32>
    %get3A_12 = arith.constant 0 : index
    %get3A_13 = arith.constant 0 : index
    %get3A_14 = vector.load %arg3[%get3A_12, %get3A_13] : memref<128x128xf32, #tpu.memory_space<vmem>>, vector<128x128xf32>
    %dot_general3A = arith.constant dense<0.000000e+00> : vector<2000x128xf32>
    %dot_general3A_15 = tpu.matmul %get3A_1, %get3A_14, %dot_general3A {dimension_numbers = #tpu.dot_dimension_numbers<[1], [0], [0], [1], [0, 0, 1, 1], [], []>, transpose_lhs_hint = false} : vector<2000x128xf32>, vector<128x128xf32>, vector<2000x128xf32> -> vector<2000x128xf32>
    %get3A_16 = arith.constant 0 : index
    %get3A_17 = arith.constant 0 : index
    %get3A_18 = vector.load %arg4[%get3A_16, %get3A_17] : memref<128x128xf32, #tpu.memory_space<vmem>>, vector<128x128xf32>
    %dot_general3A_19 = arith.constant dense<0.000000e+00> : vector<2000x128xf32>
    %dot_general3A_20 = tpu.matmul %add3A, %get3A_18, %dot_general3A_19 {dimension_numbers = #tpu.dot_dimension_numbers<[1], [0], [0], [1], [0, 0, 1, 1], [], []>, transpose_lhs_hint = false} : vector<2000x128xf32>, vector<128x128xf32>, vector<2000x128xf32> -> vector<2000x128xf32>
    %add3A_21 = arith.addf %dot_general3A_15, %dot_general3A_20 : vector<2000x128xf32>
    %get3A_22 = arith.constant 0 : index
    %get3A_23 = arith.constant 0 : index
    %get3A_24 = vector.load %arg5[%get3A_22, %get3A_23] : memref<1x128xf32, #tpu.memory_space<vmem>>, vector<1x128xf32>
    %add3A_25 = vector.broadcast %get3A_24 : vector<1x128xf32> to vector<2000x128xf32>
    %add3A_26 = arith.addf %add3A_21, %add3A_25 : vector<2000x128xf32>
    %max3A = arith.constant 0.000000e+00 : f32
    %max3A_27 = vector.broadcast %max3A : f32 to vector<2000x128xf32>
    %max3A_28 = arith.maximumf %add3A_26, %max3A_27 : vector<2000x128xf32>
    %get3A_29 = arith.constant 0 : index
    %get3A_30 = arith.constant 0 : index
    %get3A_31 = vector.load %arg6[%get3A_29, %get3A_30] : memref<128x128xf32, #tpu.memory_space<vmem>>, vector<128x128xf32>
    %dot_general3A_32 = arith.constant dense<0.000000e+00> : vector<2000x128xf32>
    %dot_general3A_33 = tpu.matmul %max3A_28, %get3A_31, %dot_general3A_32 {dimension_numbers = #tpu.dot_dimension_numbers<[1], [0], [0], [1], [0, 0, 1, 1], [], []>, transpose_lhs_hint = false} : vector<2000x128xf32>, vector<128x128xf32>, vector<2000x128xf32> -> vector<2000x128xf32>
    %get3A_34 = arith.constant 0 : index
    %get3A_35 = arith.constant 0 : index
    %get3A_36 = vector.load %arg7[%get3A_34, %get3A_35] : memref<1x128xf32, #tpu.memory_space<vmem>>, vector<1x128xf32>
    %add3A_37 = vector.broadcast %get3A_36 : vector<1x128xf32> to vector<2000x128xf32>
    %add3A_38 = arith.addf %dot_general3A_33, %add3A_37 : vector<2000x128xf32>
    %max3A_39 = arith.constant 0.000000e+00 : f32
    %max3A_40 = vector.broadcast %max3A_39 : f32 to vector<2000x128xf32>
    %max3A_41 = arith.maximumf %add3A_38, %max3A_40 : vector<2000x128xf32>
    %get3A_42 = arith.constant 0 : index
    %get3A_43 = arith.constant 0 : index
    %get3A_44 = vector.load %arg8[%get3A_42, %get3A_43] : memref<128x128xf32, #tpu.memory_space<vmem>>, vector<128x128xf32>
    %dot_general3A_45 = arith.constant dense<0.000000e+00> : vector<2000x128xf32>
    %dot_general3A_46 = tpu.matmul %max3A_41, %get3A_44, %dot_general3A_45 {dimension_numbers = #tpu.dot_dimension_numbers<[1], [0], [0], [1], [0, 0, 1, 1], [], []>, transpose_lhs_hint = false} : vector<2000x128xf32>, vector<128x128xf32>, vector<2000x128xf32> -> vector<2000x128xf32>
    %get3A_47 = arith.constant 0 : index
    %get3A_48 = arith.constant 0 : index
    %get3A_49 = vector.load %arg9[%get3A_47, %get3A_48] : memref<1x128xf32, #tpu.memory_space<vmem>>, vector<1x128xf32>
    %add3A_50 = vector.broadcast %get3A_49 : vector<1x128xf32> to vector<2000x128xf32>
    %add3A_51 = arith.addf %dot_general3A_46, %add3A_50 : vector<2000x128xf32>
    %max3A_52 = arith.constant 0.000000e+00 : f32
    %max3A_53 = vector.broadcast %max3A_52 : f32 to vector<2000x128xf32>
    %max3A_54 = arith.maximumf %add3A_51, %max3A_53 : vector<2000x128xf32>
    %get3A_55 = arith.constant 0 : index
    %get3A_56 = arith.constant 0 : index
    %get3A_57 = vector.load %arg10[%get3A_55, %get3A_56] : memref<128x128xf32, #tpu.memory_space<vmem>>, vector<128x128xf32>
    %dot_general3A_58 = arith.constant dense<0.000000e+00> : vector<2000x128xf32>
    %dot_general3A_59 = tpu.matmul %max3A_54, %get3A_57, %dot_general3A_58 {dimension_numbers = #tpu.dot_dimension_numbers<[1], [0], [0], [1], [0, 0, 1, 1], [], []>, transpose_lhs_hint = false} : vector<2000x128xf32>, vector<128x128xf32>, vector<2000x128xf32> -> vector<2000x128xf32>
    %get3A_60 = arith.constant 0 : index
    %get3A_61 = arith.constant 0 : index
    %get3A_62 = vector.load %arg11[%get3A_60, %get3A_61] : memref<1x128xf32, #tpu.memory_space<vmem>>, vector<1x128xf32>
    %add3A_63 = vector.broadcast %get3A_62 : vector<1x128xf32> to vector<2000x128xf32>
    %add3A_64 = arith.addf %dot_general3A_59, %add3A_63 : vector<2000x128xf32>
    %reduce_sum3A = arith.constant dense<0.000000e+00> : vector<2000xf32>
    %reduce_sum3A_65 = vector.multi_reduction <add>, %add3A_64, %reduce_sum3A [1] : vector<2000x128xf32> to vector<2000xf32>
    %broadcast_in_dim3A = vector.shape_cast %reduce_sum3A_65 : vector<2000xf32> to vector<2000x1xf32>
    %div3A = arith.constant 1.280000e+02 : f32
    %div3A_66 = vector.broadcast %div3A : f32 to vector<2000x1xf32>
    %div3A_67 = arith.divf %broadcast_in_dim3A, %div3A_66 : vector<2000x1xf32>
    %sub3A = vector.broadcast %div3A_67 : vector<2000x1xf32> to vector<2000x128xf32>
    %sub3A_68 = arith.subf %add3A_64, %sub3A : vector<2000x128xf32>
    %integer_pow3A = arith.mulf %sub3A_68, %sub3A_68 : vector<2000x128xf32>
    %reduce_sum3A_69 = arith.constant dense<0.000000e+00> : vector<2000xf32>
    %reduce_sum3A_70 = vector.multi_reduction <add>, %integer_pow3A, %reduce_sum3A_69 [1] : vector<2000x128xf32> to vector<2000xf32>
    %broadcast_in_dim3A_71 = vector.shape_cast %reduce_sum3A_70 : vector<2000xf32> to vector<2000x1xf32>
    %div3A_72 = arith.constant 1.280000e+02 : f32
    %div3A_73 = vector.broadcast %div3A_72 : f32 to vector<2000x1xf32>
    %div3A_74 = arith.divf %broadcast_in_dim3A_71, %div3A_73 : vector<2000x1xf32>
    %sub3A_75 = vector.broadcast %div3A_67 : vector<2000x1xf32> to vector<2000x128xf32>
    %sub3A_76 = arith.subf %add3A_64, %sub3A_75 : vector<2000x128xf32>
    %add3A_77 = arith.constant 9.99999974E-6 : f32
    %add3A_78 = vector.broadcast %add3A_77 : f32 to vector<2000x1xf32>
    %add3A_79 = arith.addf %div3A_74, %add3A_78 : vector<2000x1xf32>
    %rsqrt3A = math.rsqrt %add3A_79 : vector<2000x1xf32>
    %mul3A = vector.broadcast %rsqrt3A : vector<2000x1xf32> to vector<2000x128xf32>
    %mul3A_80 = arith.mulf %sub3A_76, %mul3A : vector<2000x128xf32>
    %get3A_81 = arith.constant 0 : index
    %get3A_82 = arith.constant 0 : index
    %get3A_83 = vector.load %arg12[%get3A_81, %get3A_82] : memref<1x128xf32, #tpu.memory_space<vmem>>, vector<1x128xf32>
    %mul3A_84 = vector.broadcast %get3A_83 : vector<1x128xf32> to vector<2000x128xf32>
    %mul3A_85 = arith.mulf %mul3A_80, %mul3A_84 : vector<2000x128xf32>
    %get3A_86 = arith.constant 0 : index
    %get3A_87 = arith.constant 0 : index
    %get3A_88 = vector.load %arg13[%get3A_86, %get3A_87] : memref<1x128xf32, #tpu.memory_space<vmem>>, vector<1x128xf32>
    %add3A_89 = vector.broadcast %get3A_88 : vector<1x128xf32> to vector<2000x128xf32>
    %add3A_90 = arith.addf %mul3A_85, %add3A_89 : vector<2000x128xf32>
    %swap3A = arith.constant 0 : index
    %swap3A_91 = arith.constant 0 : index
    %swap3A_92 = vector.load %arg14[%swap3A, %swap3A_91] : memref<2000x128xf32, #tpu.memory_space<vmem>>, vector<2000x128xf32>
    tpu.vector_store %arg14[%swap3A, %swap3A_91], %add3A_90 {strides = array<i32>} : memref<2000x128xf32, #tpu.memory_space<vmem>>, vector<2000x128xf32>,
    return
  }
  func.func @transform_0(%arg0: i32) -> (i32, i32) {
    %c0_i32 = arith.constant 0 : i32
    %c0_i32_0 = arith.constant 0 : i32
    return %arg0, %c0_i32 : i32, i32
  }
  func.func @transform_1(%arg0: i32) -> (i32, i32, i32) {
    %c0_i32 = arith.constant 0 : i32
    %c0_i32_0 = arith.constant 0 : i32
    %c0_i32_1 = arith.constant 0 : i32
    return %c0_i32, %arg0, %c0_i32_0 : i32, i32, i32
  }
  func.func @transform_2(%arg0: i32) -> (i32, i32) {
    %c0_i32 = arith.constant 0 : i32
    %c0_i32_0 = arith.constant 0 : i32
    %c0_i32_1 = arith.constant 0 : i32
    return %c0_i32, %c0_i32_0 : i32, i32
  }
  func.func @transform_3(%arg0: i32) -> (i32, i32) {
    %c0_i32 = arith.constant 0 : i32
    %c0_i32_0 = arith.constant 0 : i32
    %c0_i32_1 = arith.constant 0 : i32
    return %c0_i32, %c0_i32_0 : i32, i32
  }
  func.func @transform_4(%arg0: i32) -> (i32, i32) {
    %c0_i32 = arith.constant 0 : i32
    %c0_i32_0 = arith.constant 0 : i32
    %c0_i32_1 = arith.constant 0 : i32
    return %c0_i32, %c0_i32_0 : i32, i32
  }
  func.func @transform_5(%arg0: i32) -> (i32, i32) {
    %c0_i32 = arith.constant 0 : i32
    %c0_i32_0 = arith.constant 0 : i32
    %c0_i32_1 = arith.constant 0 : i32
    return %c0_i32, %c0_i32_0 : i32, i32
  }
  func.func @transform_6(%arg0: i32) -> (i32, i32) {
    %c0_i32 = arith.constant 0 : i32
    %c0_i32_0 = arith.constant 0 : i32
    %c0_i32_1 = arith.constant 0 : i32
    return %c0_i32, %c0_i32_0 : i32, i32
  }
  func.func @transform_7(%arg0: i32) -> (i32, i32) {
    %c0_i32 = arith.constant 0 : i32
    %c0_i32_0 = arith.constant 0 : i32
    %c0_i32_1 = arith.constant 0 : i32
    return %c0_i32, %c0_i32_0 : i32, i32
  }
  func.func @transform_8(%arg0: i32) -> (i32, i32) {
    %c0_i32 = arith.constant 0 : i32
    %c0_i32_0 = arith.constant 0 : i32
    %c0_i32_1 = arith.constant 0 : i32
    return %c0_i32, %c0_i32_0 : i32, i32
  }
  func.func @transform_9(%arg0: i32) -> (i32, i32) {
    %c0_i32 = arith.constant 0 : i32
    %c0_i32_0 = arith.constant 0 : i32
    %c0_i32_1 = arith.constant 0 : i32
    return %c0_i32, %c0_i32_0 : i32, i32
  }
  func.func @transform_10(%arg0: i32) -> (i32, i32) {
    %c0_i32 = arith.constant 0 : i32
    %c0_i32_0 = arith.constant 0 : i32
    %c0_i32_1 = arith.constant 0 : i32
    return %c0_i32, %c0_i32_0 : i32, i32
  }
  func.func @transform_11(%arg0: i32) -> (i32, i32) {
    %c0_i32 = arith.constant 0 : i32
    %c0_i32_0 = arith.constant 0 : i32
    %c0_i32_1 = arith.constant 0 : i32
    return %c0_i32, %c0_i32_0 : i32, i32
  }
  func.func @transform_12(%arg0: i32) -> (i32, i32) {
    %c0_i32 = arith.constant 0 : i32
    %c0_i32_0 = arith.constant 0 : i32
    %c0_i32_1 = arith.constant 0 : i32
    return %c0_i32, %c0_i32_0 : i32, i32
  }
  func.func @transform_13(%arg0: i32) -> (i32, i32) {
    %c0_i32 = arith.constant 0 : i32
    %c0_i32_0 = arith.constant 0 : i32
    return %arg0, %c0_i32 : i32, i32
  }
}

</mosaic_0001>

<sc_bundles>
// kernel: kernel.4.cloned.1.call-start
scs
__scs_entry_jumppad:
0x0: {  	(pc) =	sbr.rel $0x88, $3  }
0x1: {  	(tag) =	ssettag $0x0;
	lr =	simm.s32 $0x1  }
0x2: {  	[smem:$0x3F95] =	sst lr;
	_ =	strace $0xD0000000  }
0x3: {  	_ = 	snop  }
0x4: {  	_ = 	snop  }
0x5: {  	_ = 	snop  }
0x6: {  	_ = 	snop  }
0x7: {  	_ = 	snop  }
__scs_overlays_trampoline_lowered:
0x8: {  	[smem:$0x3FA4] =	sst s0  }
0x9: {  	[smem:$0x3FA5] =	sst s1  }
0xa: {  	[smem:$0x3FA6] =	sst s2  }
0xb: {  	[smem:$0x3FA7] =	sst s3  }
0xc: {  	[smem:$0x3FA8] =	sst s4  }
0xd: {  	[smem:$0x3FA9] =	sst s5  }
0xe: {  	[smem:$0x3FAA] =	sst s6  }
0xf: {  	[smem:$0x3FAB] =	sst s7  }
0x10: {  	[smem:$0x3FAC] =	sst s8  }
0x11: {  	[smem:$0x3FAD] =	sst s9;
	s0 =	simm.s32 @!p0 $0x0  }
0x12: {  	s1 =	sld [smem:$0x3F93];
	s0 =	simm.s32 @p0 $0x1  }
0x13: {  	[smem:$0x3FAE] =	sst s0;
	s0 =	simm.s32 @!p1 $0x0  }
0x14: {  	s2 =	sld [smem:$0x3F92];
	s0 =	simm.s32 @p1 $0x1  }
0x15: {  	[smem:$0x3FAF] =	sst s0;
	s0 =	simm.s32 @!p2 $0x0  }
0x16: {  	s3 =	sld [smem:$0x3FDB];
	s0 =	simm.s32 @p2 $0x1  }
0x17: {  	s4 =	simm.s32 $0x1BF5;
	[smem:$0x3FB1] =	sst s0  }
0x18: {  	s0 =	sld [smem:$0x3F94];
	_ =	swait.ge [sflag:s4], $0x0  }
0x19: {  	s7 =	sld [smem:$0x3F95]  }
0x1a: {  	s8 =	sadd.s32 $0xFFFFE003, lr  }
0x1b: {  	s9 =	sadd.s32 $0xFFFFFEF7, lr;
	s5 =	simm.s32 $0xFFFFFFFF;
	p2 =	slt.u32 s8, $0xFFFFF086  }
0x1c: {  	p1 =	slt.u32 s9, $0xF7A;
	s5 =	simm.s32 @!p2 $0x0  }
0x1d: {  	s5 =	simm.s32 @p1 $0x1;
	p0 =	seq.s32 s7, s2  }
0x1e: {  	s7 =	smul.u32 @!p0 $0xF7A, s2;
	p2 =	seq.s32 @!p0 s5, $0x0  }
0x1f: {  	s9 =	smul.u32 $0xF7A, s1;
	s8 =	simm.s32 @!p0 $0x1BF5;
	p2 =	por !p2, p0  }
0x20: {  	[sflag:s8] =	ssyncset.s32 @!p0 $0xFFFFF086;
	s6 =	sadd.s32 @!p0 s3, s7;
	s7 =	simm.s32 @!p0 $0x108  }
0x21: {  	s3 =	sadd.s32 s3, s9;
	s6 =	sadd.s32 @!p0 $0x88, s6;
	s7 =	simm.s32 @p2 $0x1082  }
0x22: {  	[simem:s7], [sflag:s8] =	dma.local @!p0 [hbm:s6], $0xF7A  }
0x23: {  	s9 =	sor.u32 $0xD0000000, s2;
	s6 =	simm.s32 $0x108;
	_ =	swait.ge @!p0 [sflag:s8], $0x0  }
0x24: {  	s3 =	sadd.s32 $0x88, s3;
	s6 =	simm.s32 @!p1 $0x1082;
	[sflag:s4] =	ssyncset.s32 $0xFFFFF086  }
0x25: {  	[simem:s6], [sflag:s4] =	dma.local [hbm:s3], $0xF7A  }
0x26: {  	[smem:$0x3F95] =	sst s1;
	(tag) =	ssettag s2;
	_ =	strace s9  }
0x27: {  	s1 =	sld [smem:$0x3FA5]  }
0x28: {  	s2 =	sld [smem:$0x3FA6]  }
0x29: {  	s4 =	sld [smem:$0x3FA8]  }
0x2a: {  	p0 =	seq.s32 s5, $0x0;
	s5 =	sld [smem:$0x3FA9]  }
0x2b: {  	s6 =	sld [smem:$0x3FAA]  }
0x2c: {  	s7 =	sld [smem:$0x3FAB]  }
0x2d: {  	s3 =	simm.s32 $0x108;
	s8 =	sld [smem:$0x3FAC]  }
0x2e: {  	s3 =	simm.s32 @!p0 $0x1082;
	s9 =	sld [smem:$0x3FAD]  }
0x2f: {  	lr =	sadd.s32 s0, s3;
	s0 =	sld [smem:$0x3FA4]  }
0x30: {  	s3 =	sld [smem:$0x3FA7]  }
0x31: {  	[smem:$0x3FB0] =	sst s10  }
0x32: {  	s10 =	sld [smem:$0x3FAE];
	_ =	sdelay $0x3  }
0x33: {  	p0 =	seq.s32 s10, $0x1;
	s10 =	sld [smem:$0x3FB0];
	_ =	sdelay $0x3  }
0x34: {  	[smem:$0x3FB0] =	sst s10  }
0x35: {  	s10 =	sld [smem:$0x3FAF];
	_ =	sdelay $0x3  }
0x36: {  	p1 =	seq.s32 s10, $0x1;
	s10 =	sld [smem:$0x3FB0];
	_ =	sdelay $0x3  }
0x37: {  	[smem:$0x3FB0] =	sst s10  }
0x38: {  	s10 =	sld [smem:$0x3FB1]  }
0x39: {  	_ = 	snop;
	(pc) =	sbr.ind lr, $3  }
0x3a: {  	_ = 	snop  }
0x3b: {  	_ = 	snop  }
0x3c: {  	p2 =	seq.s32 s10, $0x1;
	s10 =	sld [smem:$0x3FB0]  }
0x3d: {  	_ =	shalt  }
0x3e: {  	_ =	shalt  }
0x3f: {  	_ =	shalt  }
0x40: {  	_ =	shalt  }
0x41: {  	_ =	shalt  }
0x42: {  	_ =	shalt  }
0x43: {  	_ =	shalt  }
0x44: {  	_ =	shalt  }
0x45: {  	_ =	shalt  }
0x46: {  	_ =	shalt  }
0x47: {  	_ =	shalt  }
0x48: {  	_ =	shalt  }
0x49: {  	_ =	shalt  }
0x4a: {  	_ =	shalt  }
0x4b: {  	_ =	shalt  }
0x4c: {  	_ =	shalt  }
0x4d: {  	_ =	shalt  }
0x4e: {  	_ =	shalt  }
0x4f: {  	_ =	shalt  }
0x50: {  	_ =	shalt  }
0x51: {  	_ =	shalt  }
0x52: {  	_ =	shalt  }
0x53: {  	_ =	shalt  }
0x54: {  	_ =	shalt  }
0x55: {  	_ =	shalt  }
0x56: {  	_ =	shalt  }
0x57: {  	_ =	shalt  }
0x58: {  	_ =	shalt  }
0x59: {  	_ =	shalt  }
0x5a: {  	_ =	shalt  }
0x5b: {  	_ =	shalt  }
0x5c: {  	_ =	shalt  }
0x5d: {  	_ =	shalt  }
0x5e: {  	_ =	shalt  }
0x5f: {  	_ =	shalt  }
0x60: {  	_ =	shalt  }
0x61: {  	_ =	shalt  }
0x62: {  	_ =	shalt  }
0x63: {  	_ =	shalt  }
0x64: {  	_ =	shalt  }
0x65: {  	_ =	shalt  }
0x66: {  	_ =	shalt  }
0x67: {  	_ =	shalt  }
0x68: {  	_ =	shalt  }
0x69: {  	_ =	shalt  }
0x6a: {  	_ =	shalt  }
0x6b: {  	_ =	shalt  }
0x6c: {  	_ =	shalt  }
0x6d: {  	_ =	shalt  }
0x6e: {  	_ =	shalt  }
0x6f: {  	_ =	shalt  }
0x70: {  	_ =	shalt  }
0x71: {  	_ =	shalt  }
0x72: {  	_ =	shalt  }
0x73: {  	_ =	shalt  }
0x74: {  	_ =	shalt  }
0x75: {  	_ =	shalt  }
0x76: {  	_ =	shalt  }
0x77: {  	_ =	shalt  }
0x78: {  	_ =	shalt  }
0x79: {  	_ =	shalt  }
0x7a: {  	_ =	shalt  }
0x7b: {  	_ =	shalt  }
0x7c: {  	_ =	shalt  }
0x7d: {  	_ =	shalt  }
0x7e: {  	_ =	shalt  }
0x7f: {  	_ =	shalt  }
0x80: {  	_ =	shalt  }
0x81: {  	_ =	shalt  }
0x82: {  	_ =	shalt  }
0x83: {  	_ =	shalt  }
0x84: {  	_ =	shalt  }
0x85: {  	_ =	shalt  }
0x86: {  	_ =	shalt  }
0x87: {  	_ =	shalt  }
.Lfunc_end0:
.L_simem_size_0:
called_computation_lowered:
.L_overlay_start_0:
0x88: {  	s2 =	sld [smem:$0x3FD9]  }
0x89: {  	s3 =	sld [smem:$0x3FFE];
	_ =	sdelay $0x1  }
0x8a: {  	s1 =	srdreg.scid  }
0x8b: {  	s0 =	sand.u32 $0x1, s1  }
0x8c: {  	s17 =	sshll.u32 s0, $0xA;
	s2 =	sadd.s32 s3, s2  }
0x8d: {  	s2 =	sadd.s32 s2, s17  }
0x8e: {  	[smem:$0x3FBC] =	sst s2  }
0x8f: {  	_ = 	snop  }
0x90: {  	s2 =	sld [smem:$0x3FC9]  }
0x91: {  	s18 =	sld [smem:$0x3FD0];
	(tm) =	ssettm $0x1  }
0x92: {  	s4 =	sld [smem:$0x3FFB];
	_ =	sdelay $0x3  }
0x93: {  	_ =	strace s4  }
0x94: {  	s4 =	sld [smem:$0x3FFC];
	_ =	sdelay $0x3  }
0x95: {  	_ =	strace s4  }
0x96: {  	s4 =	sld [smem:$0x3FFD];
	_ =	sdelay $0x3  }
0x97: {  	_ =	strace s4  }
0x98: {  	_ =	strace $0x8FFFFFFF  }
0x99: {  	s19 =	sld [smem:$0x3FDB];
	_ =	sdelay $0x1  }
0x9a: {  	s5 =	simm.s32 $_scs_section_size  }
0x9b: {  	s6 =	simm.s32 $_size__tile_overlayer_lowered;
	s7 =	simm.s32 $_tile_overlayer_lowered  }
0x9c: {  	s22 =	simm.s32 $0x1BFF;
	s21 =	sshll.u32 s7, $0x1;
	s4 =	sadd.s32 s5, s19  }
0x9d: {  	s8 =	simm.s32 $0x0;
	s20 =	sshll.u32 s6, $0x1;
	s6 =	sadd.s32 s21, s4  }
0x9e: {  	[timem:s8], [sflag:s22] =	dma.local [hbm:s6], s20  }
0x9f: {  	_ =	swait.ge [sflag:s22], s20  }
0xa0: {  	s5 =	ssub.s32 $0x0, s20;
	[sflag:s22] =	ssyncset.done $0x0  }
0xa1: {  	[sflag:s22] =	ssyncadd.s32 s5;
	_ =	sdelay $0x1  }
0xa2: {  	s23 =	simm.s32 $0x1B8B  }
0xa3: {  	_ =	swait.ge [sflag:s23], $0x1  }
0xa4: {  	[sflag:s23] =	ssyncset.done $0x0  }
0xa5: {  	s25 =	simm.s32 $0x1B8E;
	s24 =	sld [smem:$0x3FFE];
	[sflag:s23] =	ssyncadd.s32 $0xFFFFFFFF  }
0xa6: {  	s26 =	simm.s32 $execute0_lowered;
	[smem:$0x3FD2] =	sst s25  }
0xa7: {  	s6 =	sshll.u32 s26, $0x1;
	_ =	strace $0x80000046;
	[dreg:$0x1] =	wrdreg $0xFFFFFFFF  }
0xa8: {  	s28 =	simm.s32 $_size_execute0_lowered;
	s4 =	sadd.s32 s4, s6;
	[dreg:$0x0] =	wrdreg $0x0  }
0xa9: {  	s6 =	sshll.u32 s28, $0x1;
	[dreg:$0x2] =	wrdreg s4  }
0xaa: {  	[dreg:$0x3] =	wrdreg s6  }
0xab: {  	[dreg:$0x4] =	wrdreg $0xC0  }
0xac: {  	_ =	task [dreg:s8], $0x5FFFF  }
0xad: {  	[dreg:$0x1] =	wrdreg $0xFFFFFFFF  }
0xae: {  	[dreg:$0x0] =	wrdreg $0x60  }
0xaf: {  	[dreg:$0x2] =	wrdreg s24  }
0xb0: {  	[dreg:$0x3] =	wrdreg s2  }
0xb1: {  	[dreg:$0x4] =	wrdreg s18  }
0xb2: {  	[dreg:$0x5] =	wrdreg $0x91000  }
0xb3: {  	[dreg:$0x6] =	wrdreg $0x9  }
0xb4: {  	_ =	task.clear_ibuf [dreg:s8], $0x7FFFF;
	_ =	strace $0x90000046  }
0xb5: {  	s29 =	simm.s32 $0x9;
	_ =	strace $0x80000048  }
0xb6: {  	_ =	swait.ge [sflag:s29], $0x1  }
0xb7: {  	[sflag:s29] =	ssyncadd.s32 $0xFFFFFFFF  }
0xb8: {  	_ =	strace $0x90000048  }
0xb9: {  	_ =	sfence  }
0xba: {  	s30 =	sld [smem:$0x0];
	_ =	sdelay $0x2  }
0xbb: {  	s31 =	sshll.u32 s1, $0xD;
	s1 =	sshrl.u32 s1, $0x2  }
0xbc: {  	s3 =	sand.u32 $0x4000, s31;
	s1 =	sadd.s32 s1, s30  }
0xbd: {  	s0 =	sor.u32 s3, s0;
	s1 =	sshll.u32 s1, $0x11  }
0xbe: {  	s0 =	sor.u32 s1, s0  }
0xbf: {  	s0 =	sadd.s32 $0x8F2B, s0  }
0xc0: {  	[sflag:s0] =	ssyncadd.remote.s32 $0x1  }
0xc1: {  	_ =	sfence.sel $0xFFFF  }
0xc2: {  	[dreg:$0x0] =	wrdreg $0xFFFFFFFF;
	(pc) =	sbr.abs _section_cstart, $3  }
0xc3: {  	[dreg:$0x1] =	wrdreg $0xFFFFFFFF  }
0xc4: {  	_ =	task.clear_ibuf [dreg:s8], $0x2FFFF;
	_ =	strace $0x9FFFFFFF  }
0xc5: {  	(tm) =	ssettm $0x7FFFFFFF  }
tec
execute0_lowered:
.L_overlay_start_1:
0x0: {  	(tag) =	ssettag $0x1  }
0x1: {  	s0 =	rddreg [dreg:$0x0]  }
0x2: {  	s6 =	rddreg [dreg:$0x2]  }
0x3: {  	s1 =	rddreg [dreg:$0x3];
	s2 =	simm.s32 $0x0;
	s4 =	srdreg.scid  }
0x4: {  	s13 =	stileid.u32;
	s31 =	simm.s32 $0x200;
	s28 =	simm.s32 $0x400  }
0x5: {  	s29 =	simm.s32 $0x2;
	s30 =	simm.s32 $0x0;
	[smem:$0x7FF] =	sst s2  }
0x6: {  	s16 =	sadd.s32 $0xBA00, s0;
	s17 =	sadd.s32 $0x1C00, s0;
	s3 =	smul.u32 $0x4E000, s13  }
0x7: {  	s8 =	sand.u32 $0x1, s4;
	s4 =	sadd.s32 $0x15800, s0;
	s7 =	smul.u32 $0x13800, s13  }
0x8: {  	s18 =	sshll.u32 s13, $0x6;
	p0 =	sne.s32 s13, $0xF;
	_ =	strace $0x80000047  }
0x9: {  	s5 =	sshll.u32 s8, $0x4;
	s9 =	ssub.s32 $0x2, s8;
	s14 =	smul.u32 $0x27100, s8  }
0xa: {  	s15 =	sor.u32 $0x1C0E, s18;
	s8 =	smul.u32 $0x138800, s8;
	s5 =	sor.u32 s13, s5  }
0xb: {  	s10 =	sshrl.u32 s9, $0x1;
	s11 =	sshrl.u32 s3, $0x2;
	s12 =	sshrl.u32 s7, $0x3  }
0xc: {  	[dreg:$0x15] =	wrdreg s15;
	s5 =	smul.u32 $0x2710, s5;
	s11 =	sadd.s32 s11, s1  }
0xd: {  	s0 =	ssub.s32 s9, s10;
	s9 =	sadd.s32 s6, s12;
	[dreg:$0x13] =	wrdreg s11  }
0xe: {  	s12 =	smul.u32 $0x2710, s13;
	s6 =	sadd.s32 $0x27000, s6;
	[dreg:$0x14] =	wrdreg s9  }
0xf: {  	s7 =	sadd.s32 s7, s8;
	s13 =	simm.s32 $0x40;
	[dreg:$0x16] =	wrdreg s6  }
0x10: {  	s7 =	sshrl.u32 s7, $0x3;
	s0 =	smax.u32 s0, $0x1;
	s5 =	sshrl.u32 s5, $0x3  }
0x11: {  	s7 =	sadd.s32 s4, s7;
	[smem:$0x7FB] =	sst s0;
	s19 =	sadd.s32 $0x4E0, s5  }
0x12: {  	s6 =	sadd.s32 s12, s14;
	[dreg:$0x1f] =	wrdreg s7;
	s20 =	sadd.s32 s16, s19  }
0x13: {  	s22 =	sadd.s32 $0x8, s5;
	s21 =	sadd.s32 s17, s19;
	[dreg:$0x17] =	wrdreg s20  }
0x14: {  	s0 =	simm.s32 $0x1;
	s23 =	sadd.s32 s16, s22;
	[dreg:$0x18] =	wrdreg s21  }
0x15: {  	s9 =	sadd.s32 $0x10, s5;
	s10 =	sadd.s32 s17, s22;
	[dreg:$0x19] =	wrdreg s23  }
0x16: {  	s24 =	sadd.s32 $0x3C0, s6;
	s25 =	sadd.s32 s16, s9;
	[dreg:$0x1a] =	wrdreg s10  }
0x17: {  	s26 =	sshrl.u32 s24, $0x3;
	s9 =	sadd.s32 s17, s9;
	[dreg:$0x1b] =	wrdreg s25  }
0x18: {  	s12 =	sadd.s32 $0x380, s6;
	s11 =	sadd.s32 s26, s17;
	[dreg:$0x1c] =	wrdreg s9  }
0x19: {  	s3 =	sshrl.u32 s12, $0x3;
	s10 =	sadd.s32 s26, s16;
	[dreg:$0x5] =	wrdreg s11  }
0x1a: {  	s14 =	sadd.s32 $0x340, s6;
	s12 =	sadd.s32 s3, s17;
	[dreg:$0x6] =	wrdreg s10  }
0x1b: {  	s19 =	sshrl.u32 s14, $0x3;
	s18 =	sadd.s32 s3, s16;
	[dreg:$0x7] =	wrdreg s12  }
0x1c: {  	s14 =	sadd.s32 $0x280, s6;
	s20 =	sadd.s32 s19, s17;
	[dreg:$0x8] =	wrdreg s18  }
0x1d: {  	s22 =	sadd.s32 s19, s16;
	s19 =	sshrl.u32 s14, $0x3;
	[dreg:$0x9] =	wrdreg s20  }
0x1e: {  	s21 =	sadd.s32 $0x300, s6;
	[dreg:$0xa] =	wrdreg s22;
	s20 =	sadd.s32 s19, s17  }
0x1f: {  	s23 =	sshrl.u32 s21, $0x3;
	s22 =	sadd.s32 s19, s16;
	[dreg:$0xf] =	wrdreg s20  }
0x20: {  	s25 =	sadd.s32 $0x2C0, s6;
	s24 =	sadd.s32 s23, s17;
	[dreg:$0x10] =	wrdreg s22  }
0x21: {  	s3 =	sshrl.u32 s25, $0x3;
	s26 =	sadd.s32 s23, s16;
	[dreg:$0xb] =	wrdreg s24  }
0x22: {  	s21 =	sadd.s32 $0x240, s6;
	s12 =	sadd.s32 s3, s17;
	[dreg:$0xc] =	wrdreg s26  }
0x23: {  	s25 =	sadd.s32 $0x18, s5;
	s18 =	sadd.s32 s3, s16;
	[dreg:$0xd] =	wrdreg s12  }
0x24: {  	s10 =	sshrl.u32 s8, $0x3;
	s3 =	sadd.s32 s17, s25;
	[dreg:$0xe] =	wrdreg s18  }
0x25: {  	s8 =	simm.s32 $0xE;
	s20 =	sadd.s32 s16, s5;
	[dreg:$0x1e] =	wrdreg s3  }
0x26: {  	s23 =	sshrl.u32 s21, $0x3;
	s21 =	sadd.s32 s17, s5;
	[smem:$0x7F4] =	sst s20  }
0x27: {  	s4 =	sadd.s32 s4, s10;
	s24 =	sadd.s32 s23, s17;
	[smem:$0x7F5] =	sst s21  }
0x28: {  	s22 =	sadd.s32 $0x30, s5;
	s26 =	sadd.s32 s16, s25;
	[dreg:$0x11] =	wrdreg s24  }
0x29: {  	s10 =	simm.s32 $0x5;
	s11 =	sadd.s32 s23, s16;
	[dreg:$0x1d] =	wrdreg s26  }
0x2a: {  	s12 =	sadd.s32 $0x20, s5;
	s23 =	sadd.s32 s16, s22;
	[dreg:$0x12] =	wrdreg s11  }
0x2b: {  	s18 =	sadd.s32 $0x28, s5;
	s4 =	sadd.s32 $0x27000, s4;
	[smem:$0x7F6] =	sst s23  }
0x2c: {  	s5 =	sadd.s32 $0x38, s5;
	s25 =	sadd.s32 $0x200, s6;
	[smem:$0x7FA] =	sst s4  }
0x2d: {  	s20 =	simm.s32 $0x10;
	s14 =	sadd.s32 s16, s12;
	[smem:$0x7FC] =	sst s25  }
0x2e: {  	s21 =	simm.s32 $0x8900;
	s7 =	sadd.s32 s17, s12;
	[smem:$0x7F0] =	sst s14  }
0x2f: {  	s3 =	simm.s32 $0x100;
	s19 =	sadd.s32 s16, s18;
	[smem:$0x7F1] =	sst s7  }
0x30: {  	s24 =	sadd.s32 s16, s5;
	s5 =	sadd.s32 s17, s5;
	[smem:$0x7F2] =	sst s19  }
0x31: {  	s26 =	sadd.s32 $0x138000, s1;
	s12 =	simm.s32 $0x3;
	[smem:$0x7F8] =	sst s24  }
0x32: {  	s11 =	simm.s32 $0x6;
	s1 =	simm.s32 $0x7;
	[smem:$0x7F9] =	sst s5  }
0x33: {  	s4 =	simm.s32 $0x0;
	s7 =	sadd.s32 s17, s18;
	[smem:$0x7FD] =	sst s26  }
0x34: {  	s18 =	simm.s32 $0x880;
	[smem:$0x7F3] =	sst s7;
	s7 =	sadd.s32 s17, s22  }
0x35: {  	s19 =	simm.s32 $0xD;
	s26 =	simm.s32 $0x8;
	[smem:$0x7F7] =	sst s7  }
.LBB2_1:
0x36: {  	[smem:$0x7ED] =	sst s4  }
0x37: {  	s5 =	rddreg [dreg:$0x13]  }
0x38: {  	s9 =	rddreg [dreg:$0x14];
	s7 =	sshrl.u32 s5, $0x3  }
0x39: {  	[smem:$0x7EE] =	sst s7  }
0x3a: {  	[spmem:s7], [sflag:s15] =	dma.local [hbm:s9], $0x2700  }
0x3b: {  	_ =	swait.ge [sflag:s8], $0x2700  }
0x3c: {  	s5 =	sld [smem:$0x7FD];
	_ =	sdelay $0x2  }
0x3d: {  	[sflag:s8] =	ssyncset.done $0x0;
	s4 =	sshrl.u32 @!p0 s5, $0x3;
	s5 =	rddreg [dreg:$0x16]  }
0x3e: {  	[sflag:s8] =	ssyncadd.s32 $0xFFFFD900;
	[smem:$0x7EF] =	sst s4  }
0x3f: {  	[spmem:s4], [sflag:s15] =	dma.local @!p0 [hbm:s5], $0x100  }
0x40: {  	s5 =	simm.s32 @!p0 $0xE  }
0x41: {  	_ =	swait.ge @!p0 [sflag:s5], $0x100  }
0x42: {  	[sflag:s5] =	ssyncset.done @!p0 $0x0  }
0x43: {  	[sflag:s5] =	ssyncadd.s32 @!p0 $0xFFFFFF00  }
0x44: {  	[bflag:$0x0] =	sbarrier.arrive $0xFFFF  }
0x45: {  	s6 =	simm.s32 $0x800;
	s14 =	rddreg [dreg:$0x17]  }
0x46: {  	[tilespmem:s6], [sflag:$0xD] =	stream.linear.gather [hbm4b:s14+s2], $0x10, $0x38;
	[tilespmem:$0x1C980] =	vst v63  }
0x47: {  	s15 =	rddreg [dreg:$0x18]  }
0x48: {  	[tilespmem:s18], [sflag:$0xD] =	stream.linear.gather [hbm4b:s15+s2], $0x10, $0x38;
	[tilespmem:$0x1C980] =	vst v63  }
0x49: {  	_ =	swait.ge [sflag:s19], $0x10  }
0x4a: {  	[sflag:s19] =	ssyncset.done $0x0  }
0x4b: {  	[sflag:s19] =	ssyncadd.s32 $0xFFFFFFF0  }
0x4c: {  	_ =	swait.ge [sflag:s19], $0x10  }
0x4d: {  	[sflag:s19] =	ssyncset.done $0x0  }
0x4e: {  	[sflag:s19] =	ssyncadd.s32 $0xFFFFFFF0;
	s19 =	sld [smem:$0x7F4]  }
0x4f: {  	s2 =	rddreg [dreg:$0x1]  }
0x50: {  	[tilespmem:s21], [sflag:$0xD] =	stream.indirect.gather [hbm4b:s2+s20], $0x80, s6, s20, $0xb8;
	[tilespmem:$0x1C980] =	vst v63  }
0x51: {  	s20 =	sld [smem:$0x7F5]  }
0x52: {  	[tilespmem:s30], [sflag:$0x1] =	stream.linear.gather [hbm4b:s19+s30], $0x40, $0x38;
	[tilespmem:$0x1C980] =	vst v63  }
0x53: {  	s15 =	simm.s32 $0x80;
	s22 =	rddreg [dreg:$0x1a]  }
0x54: {  	[tilespmem:s15], [sflag:$0x1] =	stream.linear.gather [hbm4b:s20+s30], $0x40, $0x38;
	[tilespmem:$0x1C980] =	vst v63  }
0x55: {  	s21 =	rddreg [dreg:$0x19]  }
0x56: {  	[tilespmem:s3], [sflag:$0x2] =	stream.linear.gather [hbm4b:s21+s30], $0x40, $0x38;
	[tilespmem:$0x1C980] =	vst v63  }
0x57: {  	s23 =	rddreg [dreg:$0x1b];
	s19 =	simm.s32 $0x180  }
0x58: {  	[tilespmem:s19], [sflag:$0x2] =	stream.linear.gather [hbm4b:s22+s30], $0x40, $0x38;
	[tilespmem:$0x1C980] =	vst v63  }
0x59: {  	s24 =	rddreg [dreg:$0x1c]  }
0x5a: {  	[tilespmem:s31], [sflag:$0x3] =	stream.linear.gather [hbm4b:s23+s30], $0x40, $0x38;
	[tilespmem:$0x1C980] =	vst v63  }
0x5b: {  	s7 =	simm.s32 $0x280;
	s25 =	rddreg [dreg:$0x1d]  }
0x5c: {  	[tilespmem:s7], [sflag:$0x3] =	stream.linear.gather [hbm4b:s24+s30], $0x40, $0x38;
	[tilespmem:$0x1C980] =	vst v63  }
0x5d: {  	s4 =	rddreg [dreg:$0x1e];
	s20 =	simm.s32 $0x300  }
0x5e: {  	[tilespmem:s20], [sflag:$0x4] =	stream.linear.gather [hbm4b:s25+s30], $0x40, $0x38;
	[tilespmem:$0x1C980] =	vst v63  }
0x5f: {  	s6 =	sld [smem:$0x7F0];
	s23 =	simm.s32 $0x380  }
0x60: {  	[tilespmem:s23], [sflag:$0x4] =	stream.linear.gather [hbm4b:s4+s30], $0x40, $0x38;
	[tilespmem:$0x1C980] =	vst v63  }
0x61: {  	s9 =	sld [smem:$0x7F1]  }
0x62: {  	[tilespmem:s28], [sflag:$0x5] =	stream.linear.gather [hbm4b:s6+s30], $0x40, $0x38;
	[tilespmem:$0x1C980] =	vst v63  }
0x63: {  	s14 =	simm.s32 $0x480;
	s18 =	sld [smem:$0x7F2]  }
0x64: {  	[tilespmem:s14], [sflag:$0x5] =	stream.linear.gather [hbm4b:s9+s30], $0x40, $0x38;
	[tilespmem:$0x1C980] =	vst v63  }
0x65: {  	s21 =	sld [smem:$0x7F3];
	s9 =	simm.s32 $0x500  }
0x66: {  	[tilespmem:s9], [sflag:$0x6] =	stream.linear.gather [hbm4b:s18+s30], $0x40, $0x38;
	[tilespmem:$0x1C980] =	vst v63  }
0x67: {  	s22 =	simm.s32 $0x580;
	s24 =	sld [smem:$0x7F6]  }
0x68: {  	[tilespmem:s22], [sflag:$0x6] =	stream.linear.gather [hbm4b:s21+s30], $0x40, $0x38;
	[tilespmem:$0x1C980] =	vst v63  }
0x69: {  	s25 =	simm.s32 $0x600;
	s6 =	sld [smem:$0x7F7]  }
0x6a: {  	[tilespmem:s25], [sflag:$0x7] =	stream.linear.gather [hbm4b:s24+s30], $0x40, $0x38;
	[tilespmem:$0x1C980] =	vst v63  }
0x6b: {  	s14 =	simm.s32 $0x680;
	s18 =	sld [smem:$0x7F8]  }
0x6c: {  	[tilespmem:s14], [sflag:$0x7] =	stream.linear.gather [hbm4b:s6+s30], $0x40, $0x38;
	[tilespmem:$0x1C980] =	vst v63  }
0x6d: {  	s21 =	simm.s32 $0x700;
	s22 =	sld [smem:$0x7F9]  }
0x6e: {  	[tilespmem:s21], [sflag:$0x8] =	stream.linear.gather [hbm4b:s18+s30], $0x40, $0x38;
	[tilespmem:$0x1C980] =	vst v63  }
0x6f: {  	s24 =	simm.s32 $0x780  }
0x70: {  	[tilespmem:s24], [sflag:$0x8] =	stream.linear.gather [hbm4b:s22+s30], $0x40, $0x38;
	[tilespmem:$0x1C980] =	vst v63  }
0x71: {  	_ =	swait.ge [sflag:s0], $0x40  }
0x72: {  	[sflag:s0] =	ssyncset.done $0x0  }
0x73: {  	[sflag:s0] =	ssyncadd.s32 $0xFFFFFFC0  }
0x74: {  	_ =	swait.ge [sflag:s0], $0x40  }
0x75: {  	[sflag:s0] =	ssyncset.done $0x0  }
0x76: {  	s14 =	simm.s32 $0x900;
	[sflag:s0] =	ssyncadd.s32 $0xFFFFFFC0  }
0x77: {  	[tilespmem:s14], [sflag:$0x9] =	stream.indirect.gather [hbm4b:s2+s13], $0x80, s30, s13, $0xb8;
	[tilespmem:$0x1C980] =	vst v63  }
0x78: {  	_ =	swait.ge [sflag:s29], $0x40  }
0x79: {  	[sflag:s29] =	ssyncset.done $0x0  }
0x7a: {  	[sflag:s29] =	ssyncadd.s32 $0xFFFFFFC0  }
0x7b: {  	_ =	swait.ge [sflag:s29], $0x40  }
0x7c: {  	[sflag:s29] =	ssyncset.done $0x0  }
0x7d: {  	s4 =	simm.s32 $0x2900;
	[sflag:s29] =	ssyncadd.s32 $0xFFFFFFC0  }
0x7e: {  	[tilespmem:s4], [sflag:$0xA] =	stream.indirect.gather [hbm4b:s2+s13], $0x80, s3, s13, $0xb8;
	[tilespmem:$0x1C980] =	vst v63  }
0x7f: {  	_ =	swait.ge [sflag:s12], $0x40  }
0x80: {  	[sflag:s12] =	ssyncset.done $0x0  }
0x81: {  	[sflag:s12] =	ssyncadd.s32 $0xFFFFFFC0  }
0x82: {  	_ =	swait.ge [sflag:s12], $0x40  }
0x83: {  	[sflag:s12] =	ssyncset.done $0x0  }
0x84: {  	s21 =	simm.s32 $0x4900;
	s22 =	simm.s32 $0x4;
	[sflag:s12] =	ssyncadd.s32 $0xFFFFFFC0  }
0x85: {  	[tilespmem:s21], [sflag:$0xB] =	stream.indirect.gather [hbm4b:s2+s13], $0x80, s31, s13, $0xb8;
	[tilespmem:$0x1C980] =	vst v63  }
0x86: {  	_ =	swait.ge [sflag:s22], $0x40  }
0x87: {  	[sflag:s22] =	ssyncset.done $0x0  }
0x88: {  	[sflag:s22] =	ssyncadd.s32 $0xFFFFFFC0  }
0x89: {  	_ =	swait.ge [sflag:s22], $0x40  }
0x8a: {  	[sflag:s22] =	ssyncset.done $0x0  }
0x8b: {  	s25 =	simm.s32 $0x6900;
	s24 =	simm.s32 $0x9;
	[sflag:s22] =	ssyncadd.s32 $0xFFFFFFC0  }
0x8c: {  	[tilespmem:s25], [sflag:$0xC] =	stream.indirect.gather [hbm4b:s2+s13], $0x80, s20, s13, $0xb8;
	[tilespmem:$0x1C980] =	vst v63  }
0x8d: {  	_ =	swait.ge [sflag:s24], $0x2000  }
0x8e: {  	[sflag:s24] =	ssyncset.done $0x0  }
0x8f: {  	[sflag:s24] =	ssyncadd.s32 $0xFFFFE000  }
0x90: {  	s25 =	rddreg [dreg:$0x3]  }
0x91: {  	[spmem:s25] =	stream.indirect.scatter.add.f32 [tilespmem:s14], [sflag:$0xE], $0x80, s15, s13, $0xb8;
	[tilespmem:$0x1C980] =	vst v63  }
0x92: {  	_ =	swait.ge [sflag:s8], $0x2000  }
0x93: {  	s18 =	sld [smem:$0x7FC];
	_ =	sdelay $0x2  }
0x94: {  	[sflag:s8] =	ssyncset.done $0x0;
	s5 =	sshrl.u32 s18, $0x3  }
0x95: {  	[sflag:s8] =	ssyncadd.s32 $0xFFFFE000;
	s6 =	sadd.s32 s16, s5  }
0x96: {  	[tilespmem:s30], [sflag:$0x1] =	stream.linear.gather [hbm4b:s6+s30], $0x40, $0x38;
	[tilespmem:$0x1C980] =	vst v63  }
0x97: {  	s5 =	sadd.s32 s17, s5  }
0x98: {  	[tilespmem:s15], [sflag:$0x1] =	stream.linear.gather [hbm4b:s5+s30], $0x40, $0x38;
	[tilespmem:$0x1C980] =	vst v63  }
0x99: {  	_ =	swait.ge [sflag:s10], $0x40  }
0x9a: {  	[sflag:s10] =	ssyncset.done $0x0  }
0x9b: {  	[sflag:s10] =	ssyncadd.s32 $0xFFFFFFC0  }
0x9c: {  	_ =	swait.ge [sflag:s10], $0x40  }
0x9d: {  	[sflag:s10] =	ssyncset.done $0x0  }
0x9e: {  	[sflag:s10] =	ssyncadd.s32 $0xFFFFFFC0;
	s10 =	simm.s32 $0xA  }
0x9f: {  	[tilespmem:s14], [sflag:$0x9] =	stream.indirect.gather [hbm4b:s2+s13], $0x80, s28, s13, $0xb8;
	[tilespmem:$0x1C980] =	vst v63  }
0xa0: {  	_ =	swait.ge [sflag:s10], $0x2000  }
0xa1: {  	[sflag:s10] =	ssyncset.done $0x0  }
0xa2: {  	[sflag:s10] =	ssyncadd.s32 $0xFFFFE000  }
0xa3: {  	[spmem:s25] =	stream.indirect.scatter.add.f32 [tilespmem:s4], [sflag:$0xE], $0x80, s19, s13, $0xb8;
	[tilespmem:$0x1C980] =	vst v63  }
0xa4: {  	_ =	swait.ge [sflag:s8], $0x2000  }
0xa5: {  	s6 =	rddreg [dreg:$0x12];
	[sflag:s8] =	ssyncset.done $0x0  }
0xa6: {  	s15 =	rddreg [dreg:$0x11];
	[sflag:s8] =	ssyncadd.s32 $0xFFFFE000;
	s5 =	sadd.s32 $0x0, s6  }
0xa7: {  	[tilespmem:s3], [sflag:$0x2] =	stream.linear.gather [hbm4b:s5+s30], $0x40, $0x38;
	[tilespmem:$0x1C980] =	vst v63  }
0xa8: {  	s6 =	sadd.s32 $0x0, s15  }
0xa9: {  	[tilespmem:s19], [sflag:$0x2] =	stream.linear.gather [hbm4b:s6+s30], $0x40, $0x38;
	[tilespmem:$0x1C980] =	vst v63  }
0xaa: {  	_ =	swait.ge [sflag:s11], $0x40  }
0xab: {  	[sflag:s11] =	ssyncset.done $0x0  }
0xac: {  	[sflag:s11] =	ssyncadd.s32 $0xFFFFFFC0  }
0xad: {  	_ =	swait.ge [sflag:s11], $0x40  }
0xae: {  	[sflag:s11] =	ssyncset.done $0x0  }
0xaf: {  	[sflag:s11] =	ssyncadd.s32 $0xFFFFFFC0;
	s11 =	simm.s32 $0xB  }
0xb0: {  	[tilespmem:s4], [sflag:$0xA] =	stream.indirect.gather [hbm4b:s2+s13], $0x80, s9, s13, $0xb8;
	[tilespmem:$0x1C980] =	vst v63  }
0xb1: {  	_ =	swait.ge [sflag:s11], $0x2000  }
0xb2: {  	[sflag:s11] =	ssyncset.done $0x0  }
0xb3: {  	[sflag:s11] =	ssyncadd.s32 $0xFFFFE000  }
0xb4: {  	[spmem:s25] =	stream.indirect.scatter.add.f32 [tilespmem:s21], [sflag:$0xE], $0x80, s7, s13, $0xb8;
	[tilespmem:$0x1C980] =	vst v63  }
0xb5: {  	_ =	swait.ge [sflag:s8], $0x2000  }
0xb6: {  	s15 =	rddreg [dreg:$0x10];
	[sflag:s8] =	ssyncset.done $0x0  }
0xb7: {  	s19 =	rddreg [dreg:$0xf];
	[sflag:s8] =	ssyncadd.s32 $0xFFFFE000;
	s5 =	sadd.s32 $0x0, s15  }
0xb8: {  	[tilespmem:s31], [sflag:$0x3] =	stream.linear.gather [hbm4b:s5+s30], $0x40, $0x38;
	[tilespmem:$0x1C980] =	vst v63  }
0xb9: {  	s6 =	sadd.s32 $0x0, s19  }
0xba: {  	[tilespmem:s7], [sflag:$0x3] =	stream.linear.gather [hbm4b:s6+s30], $0x40, $0x38;
	[tilespmem:$0x1C980] =	vst v63  }
0xbb: {  	_ =	swait.ge [sflag:s1], $0x40  }
0xbc: {  	[sflag:s1] =	ssyncset.done $0x0  }
0xbd: {  	[sflag:s1] =	ssyncadd.s32 $0xFFFFFFC0  }
0xbe: {  	_ =	swait.ge [sflag:s1], $0x40  }
0xbf: {  	[sflag:s1] =	ssyncset.done $0x0  }
0xc0: {  	s7 =	simm.s32 $0x600;
	[sflag:s1] =	ssyncadd.s32 $0xFFFFFFC0;
	s1 =	simm.s32 $0xC  }
0xc1: {  	[tilespmem:s21], [sflag:$0xB] =	stream.indirect.gather [hbm4b:s2+s13], $0x80, s7, s13, $0xb8;
	[tilespmem:$0x1C980] =	vst v63  }
0xc2: {  	_ =	swait.ge [sflag:s1], $0x2000  }
0xc3: {  	[sflag:s1] =	ssyncset.done $0x0  }
0xc4: {  	s7 =	simm.s32 $0x6900;
	[sflag:s1] =	ssyncadd.s32 $0xFFFFE000  }
0xc5: {  	[spmem:s25] =	stream.indirect.scatter.add.f32 [tilespmem:s7], [sflag:$0xE], $0x80, s23, s13, $0xb8;
	[tilespmem:$0x1C980] =	vst v63  }
0xc6: {  	_ =	swait.ge [sflag:s8], $0x2000  }
0xc7: {  	s9 =	rddreg [dreg:$0xe];
	[sflag:s8] =	ssyncset.done $0x0  }
0xc8: {  	s15 =	rddreg [dreg:$0xd];
	[sflag:s8] =	ssyncadd.s32 $0xFFFFE000;
	s5 =	sadd.s32 $0x0, s9  }
0xc9: {  	[tilespmem:s20], [sflag:$0x4] =	stream.linear.gather [hbm4b:s5+s30], $0x40, $0x38;
	[tilespmem:$0x1C980] =	vst v63  }
0xca: {  	s19 =	sadd.s32 $0x0, s15  }
0xcb: {  	[tilespmem:s23], [sflag:$0x4] =	stream.linear.gather [hbm4b:s19+s30], $0x40, $0x38;
	[tilespmem:$0x1C980] =	vst v63  }
0xcc: {  	_ =	swait.ge [sflag:s26], $0x40  }
0xcd: {  	[sflag:s26] =	ssyncset.done $0x0  }
0xce: {  	[sflag:s26] =	ssyncadd.s32 $0xFFFFFFC0  }
0xcf: {  	_ =	swait.ge [sflag:s26], $0x40  }
0xd0: {  	[sflag:s26] =	ssyncset.done $0x0  }
0xd1: {  	s20 =	simm.s32 $0x700;
	[sflag:s26] =	ssyncadd.s32 $0xFFFFFFC0  }
0xd2: {  	[tilespmem:s7], [sflag:$0xC] =	stream.indirect.gather [hbm4b:s2+s13], $0x80, s20, s13, $0xb8;
	[tilespmem:$0x1C980] =	vst v63  }
0xd3: {  	_ =	swait.ge [sflag:s24], $0x2000  }
0xd4: {  	[sflag:s24] =	ssyncset.done $0x0  }
0xd5: {  	p1 =	por $0x0, $0x0;
	[sflag:s24] =	ssyncadd.s32 $0xFFFFE000;
	s24 =	simm.s32 $0x480  }
0xd6: {  	[spmem:s25] =	stream.indirect.scatter.add.f32 [tilespmem:s14], [sflag:$0xE], $0x80, s24, s13, $0xb8;
	[tilespmem:$0x1C980] =	vst v63  }
0xd7: {  	s28 =	simm.s32 @!p1 $0x400;
	_ =	swait.ge [sflag:s8], $0x2000  }
0xd8: {  	s5 =	simm.s32 @!p1 $0x0;
	s6 =	rddreg [dreg:$0xc];
	[sflag:s8] =	ssyncset.done $0x0  }
0xd9: {  	s15 =	rddreg [dreg:$0xb];
	[sflag:s8] =	ssyncadd.s32 $0xFFFFE000;
	s6 =	sadd.s32 @!p1 $0x0, s6  }
0xda: {  	[tilespmem:s28], [sflag:$0x5] =	stream.linear.gather @!p1 [hbm4b:s6+s5], $0x40, $0x38;
	[tilespmem:$0x1C980] =	vst v63  }
0xdb: {  	s15 =	sadd.s32 @!p1 $0x0, s15;
	s6 =	simm.s32 @!p1 $0x480  }
0xdc: {  	[tilespmem:s6], [sflag:$0x5] =	stream.linear.gather @!p1 [hbm4b:s15+s5], $0x40, $0x38;
	[tilespmem:$0x1C980] =	vst v63  }
0xdd: {  	_ =	swait.ge [sflag:s0], $0x40  }
0xde: {  	[sflag:s0] =	ssyncset.done $0x0  }
0xdf: {  	[sflag:s0] =	ssyncadd.s32 $0xFFFFFFC0  }
0xe0: {  	_ =	swait.ge [sflag:s0], $0x40  }
0xe1: {  	[sflag:s0] =	ssyncset.done $0x0  }
0xe2: {  	[sflag:s0] =	ssyncadd.s32 $0xFFFFFFC0  }
0xe3: {  	[tilespmem:s14], [sflag:$0x9] =	stream.indirect.gather [hbm4b:s2+s13], $0x80, s30, s13, $0xb8;
	[tilespmem:$0x1C980] =	vst v63  }
0xe4: {  	_ =	swait.ge [sflag:s10], $0x2000  }
0xe5: {  	[sflag:s10] =	ssyncset.done $0x0  }
0xe6: {  	s26 =	simm.s32 $0x580;
	[sflag:s10] =	ssyncadd.s32 $0xFFFFE000  }
0xe7: {  	[spmem:s25] =	stream.indirect.scatter.add.f32 [tilespmem:s4], [sflag:$0xE], $0x80, s26, s13, $0xb8;
	[tilespmem:$0x1C980] =	vst v63  }
0xe8: {  	_ =	swait.ge [sflag:s8], $0x2000  }
0xe9: {  	s28 =	simm.s32 @!p1 $0x500;
	s6 =	rddreg [dreg:$0xa];
	[sflag:s8] =	ssyncset.done $0x0  }
0xea: {  	s15 =	rddreg [dreg:$0x9];
	[sflag:s8] =	ssyncadd.s32 $0xFFFFE000;
	s6 =	sadd.s32 @!p1 $0x0, s6  }
0xeb: {  	[tilespmem:s28], [sflag:$0x6] =	stream.linear.gather @!p1 [hbm4b:s6+s5], $0x40, $0x38;
	[tilespmem:$0x1C980] =	vst v63  }
0xec: {  	s15 =	sadd.s32 @!p1 $0x0, s15;
	s6 =	simm.s32 @!p1 $0x580  }
0xed: {  	[tilespmem:s6], [sflag:$0x6] =	stream.linear.gather @!p1 [hbm4b:s15+s5], $0x40, $0x38;
	[tilespmem:$0x1C980] =	vst v63  }
0xee: {  	_ =	swait.ge [sflag:s29], $0x40  }
0xef: {  	[sflag:s29] =	ssyncset.done $0x0  }
0xf0: {  	[sflag:s29] =	ssyncadd.s32 $0xFFFFFFC0  }
0xf1: {  	_ =	swait.ge [sflag:s29], $0x40  }
0xf2: {  	[sflag:s29] =	ssyncset.done $0x0  }
0xf3: {  	[sflag:s29] =	ssyncadd.s32 $0xFFFFFFC0  }
0xf4: {  	[tilespmem:s4], [sflag:$0xA] =	stream.indirect.gather [hbm4b:s2+s13], $0x80, s3, s13, $0xb8;
	[tilespmem:$0x1C980] =	vst v63  }
0xf5: {  	_ =	swait.ge [sflag:s11], $0x2000  }
0xf6: {  	[sflag:s11] =	ssyncset.done $0x0  }
0xf7: {  	s29 =	simm.s32 $0x680;
	[sflag:s11] =	ssyncadd.s32 $0xFFFFE000  }
0xf8: {  	[spmem:s25] =	stream.indirect.scatter.add.f32 [tilespmem:s21], [sflag:$0xE], $0x80, s29, s13, $0xb8;
	[tilespmem:$0x1C980] =	vst v63  }
0xf9: {  	_ =	swait.ge [sflag:s8], $0x2000  }
0xfa: {  	s28 =	simm.s32 @!p1 $0x600;
	s6 =	rddreg [dreg:$0x8];
	[sflag:s8] =	ssyncset.done $0x0  }
0xfb: {  	s15 =	rddreg [dreg:$0x7];
	[sflag:s8] =	ssyncadd.s32 $0xFFFFE000;
	s6 =	sadd.s32 @!p1 $0x0, s6  }
0xfc: {  	[tilespmem:s28], [sflag:$0x7] =	stream.linear.gather @!p1 [hbm4b:s6+s5], $0x40, $0x38;
	[tilespmem:$0x1C980] =	vst v63  }
0xfd: {  	s15 =	sadd.s32 @!p1 $0x0, s15;
	s6 =	simm.s32 @!p1 $0x680  }
0xfe: {  	[tilespmem:s6], [sflag:$0x7] =	stream.linear.gather @!p1 [hbm4b:s15+s5], $0x40, $0x38;
	[tilespmem:$0x1C980] =	vst v63  }
0xff: {  	_ =	swait.ge [sflag:s12], $0x40  }
0x100: {  	[sflag:s12] =	ssyncset.done $0x0  }
0x101: {  	[sflag:s12] =	ssyncadd.s32 $0xFFFFFFC0  }
0x102: {  	_ =	swait.ge [sflag:s12], $0x40  }
0x103: {  	[sflag:s12] =	ssyncset.done $0x0  }
0x104: {  	[sflag:s12] =	ssyncadd.s32 $0xFFFFFFC0  }
0x105: {  	[tilespmem:s21], [sflag:$0xB] =	stream.indirect.gather [hbm4b:s2+s13], $0x80, s31, s13, $0xb8;
	[tilespmem:$0x1C980] =	vst v63  }
0x106: {  	_ =	swait.ge [sflag:s1], $0x2000  }
0x107: {  	[sflag:s1] =	ssyncset.done $0x0  }
0x108: {  	s23 =	simm.s32 $0x6900;
	s31 =	simm.s32 $0x780;
	[sflag:s1] =	ssyncadd.s32 $0xFFFFE000  }
0x109: {  	[spmem:s25] =	stream.indirect.scatter.add.f32 [tilespmem:s23], [sflag:$0xE], $0x80, s31, s13, $0xb8;
	[tilespmem:$0x1C980] =	vst v63  }
0x10a: {  	_ =	swait.ge [sflag:s8], $0x2000  }
0x10b: {  	s28 =	simm.s32 @!p1 $0x700;
	s6 =	rddreg [dreg:$0x6];
	[sflag:s8] =	ssyncset.done $0x0  }
0x10c: {  	s15 =	rddreg [dreg:$0x5];
	[sflag:s8] =	ssyncadd.s32 $0xFFFFE000;
	s6 =	sadd.s32 @!p1 $0x0, s6  }
0x10d: {  	[tilespmem:s28], [sflag:$0x8] =	stream.linear.gather @!p1 [hbm4b:s6+s5], $0x40, $0x38;
	[tilespmem:$0x1C980] =	vst v63  }
0x10e: {  	s15 =	sadd.s32 @!p1 $0x0, s15;
	s6 =	simm.s32 @!p1 $0x780  }
0x10f: {  	[tilespmem:s6], [sflag:$0x8] =	stream.linear.gather @!p1 [hbm4b:s15+s5], $0x40, $0x38;
	[tilespmem:$0x1C980] =	vst v63  }
0x110: {  	_ =	swait.ge [sflag:s22], $0x40  }
0x111: {  	s9 =	simm.s32 $0x8;
	s0 =	simm.s32 $0x1;
	[sflag:s22] =	ssyncset.done $0x0  }
0x112: {  	s10 =	simm.s32 $0x5;
	s11 =	simm.s32 $0x6;
	[sflag:s22] =	ssyncadd.s32 $0xFFFFFFC0  }
0x113: {  	s1 =	simm.s32 $0x7;
	s28 =	simm.s32 $0x40;
	_ =	swait.ge [sflag:s22], $0x40  }
0x114: {  	s5 =	smov.u32 s18;
	[sflag:s22] =	ssyncset.done $0x0;
	s22 =	simm.s32 $0x3  }
.LBB2_2:
0x115: {  	s24 =	simm.s32 $0x4  }
0x116: {  	s19 =	simm.s32 $0x300;
	[sflag:s24] =	ssyncadd.s32 $0xFFFFFFC0  }
0x117: {  	s25 =	simm.s32 $0x6900;
	s12 =	simm.s32 $0x9;
	s2 =	rddreg [dreg:$0x1]  }
0x118: {  	[tilespmem:s25], [sflag:$0xC] =	stream.indirect.gather [hbm4b:s2+s13], $0x80, s19, s13, $0xb8;
	[tilespmem:$0x1C980] =	vst v63  }
0x119: {  	_ =	swait.ge [sflag:s12], $0x2000  }
0x11a: {  	[sflag:s12] =	ssyncset.done $0x0  }
0x11b: {  	[sflag:s12] =	ssyncadd.s32 $0xFFFFE000  }
0x11c: {  	s18 =	simm.s32 $0x80;
	s29 =	simm.s32 $0x900;
	s7 =	rddreg [dreg:$0x3]  }
0x11d: {  	[spmem:s7] =	stream.indirect.scatter.add.f32 [tilespmem:s29], [sflag:$0xE], $0x80, s18, s13, $0xb8;
	[tilespmem:$0x1C980] =	vst v63  }
0x11e: {  	s5 =	sadd.s32 $0x200, s5;
	_ =	swait.ge [sflag:s8], $0x2000  }
0x11f: {  	s15 =	sshrl.u32 s5, $0x3;
	[sflag:s8] =	ssyncset.done $0x0  }
0x120: {  	s26 =	sadd.s32 s16, s15;
	[sflag:s8] =	ssyncadd.s32 $0xFFFFE000  }
0x121: {  	[tilespmem:s30], [sflag:$0x1] =	stream.linear.gather [hbm4b:s26+s30], $0x40, $0x38;
	[tilespmem:$0x1C980] =	vst v63  }
0x122: {  	s15 =	sadd.s32 s17, s15  }
0x123: {  	[tilespmem:s18], [sflag:$0x1] =	stream.linear.gather [hbm4b:s15+s30], $0x40, $0x38;
	[tilespmem:$0x1C980] =	vst v63  }
0x124: {  	_ =	swait.ge [sflag:s10], $0x40  }
0x125: {  	[sflag:s10] =	ssyncset.done $0x0  }
0x126: {  	[sflag:s10] =	ssyncadd.s32 $0xFFFFFFC0  }
0x127: {  	_ =	swait.ge [sflag:s10], $0x40  }
0x128: {  	[sflag:s10] =	ssyncset.done $0x0  }
0x129: {  	s3 =	simm.s32 $0x400;
	s26 =	simm.s32 $0xA;
	[sflag:s10] =	ssyncadd.s32 $0xFFFFFFC0  }
0x12a: {  	[tilespmem:s29], [sflag:$0x9] =	stream.indirect.gather [hbm4b:s2+s13], $0x80, s3, s13, $0xb8;
	[tilespmem:$0x1C980] =	vst v63  }
0x12b: {  	_ =	swait.ge [sflag:s26], $0x2000  }
0x12c: {  	[sflag:s26] =	ssyncset.done $0x0  }
0x12d: {  	s31 =	simm.s32 $0x180;
	s4 =	simm.s32 $0x2900;
	[sflag:s26] =	ssyncadd.s32 $0xFFFFE000  }
0x12e: {  	[spmem:s7] =	stream.indirect.scatter.add.f32 [tilespmem:s4], [sflag:$0xE], $0x80, s31, s13, $0xb8;
	[tilespmem:$0x1C980] =	vst v63  }
0x12f: {  	s6 =	smov.u32 s28;
	_ =	swait.ge [sflag:s8], $0x2000  }
0x130: {  	s21 =	simm.s32 $0x100;
	s3 =	rddreg [dreg:$0x12];
	[sflag:s8] =	ssyncset.done $0x0  }
0x131: {  	s14 =	rddreg [dreg:$0x11];
	[sflag:s8] =	ssyncadd.s32 $0xFFFFE000;
	s15 =	sadd.s32 s6, s3  }
0x132: {  	[tilespmem:s21], [sflag:$0x2] =	stream.linear.gather [hbm4b:s15+s30], $0x40, $0x38;
	[tilespmem:$0x1C980] =	vst v63  }
0x133: {  	s23 =	sadd.s32 s6, s14  }
0x134: {  	[tilespmem:s31], [sflag:$0x2] =	stream.linear.gather [hbm4b:s23+s30], $0x40, $0x38;
	[tilespmem:$0x1C980] =	vst v63  }
0x135: {  	_ =	swait.ge [sflag:s11], $0x40  }
0x136: {  	[sflag:s11] =	ssyncset.done $0x0  }
0x137: {  	[sflag:s11] =	ssyncadd.s32 $0xFFFFFFC0  }
0x138: {  	_ =	swait.ge [sflag:s11], $0x40  }
0x139: {  	[sflag:s11] =	ssyncset.done $0x0  }
0x13a: {  	s31 =	simm.s32 $0x500;
	[sflag:s11] =	ssyncadd.s32 $0xFFFFFFC0  }
0x13b: {  	[tilespmem:s4], [sflag:$0xA] =	stream.indirect.gather [hbm4b:s2+s13], $0x80, s31, s13, $0xb8;
	[tilespmem:$0x1C980] =	vst v63  }
0x13c: {  	s31 =	simm.s32 $0xB  }
0x13d: {  	_ =	swait.ge [sflag:s31], $0x2000  }
0x13e: {  	[sflag:s31] =	ssyncset.done $0x0  }
0x13f: {  	s18 =	simm.s32 $0x280;
	s23 =	simm.s32 $0x4900;
	[sflag:s31] =	ssyncadd.s32 $0xFFFFE000  }
0x140: {  	[spmem:s7] =	stream.indirect.scatter.add.f32 [tilespmem:s23], [sflag:$0xE], $0x80, s18, s13, $0xb8;
	[tilespmem:$0x1C980] =	vst v63  }
0x141: {  	_ =	swait.ge [sflag:s8], $0x2000  }
0x142: {  	s21 =	simm.s32 $0x200;
	s3 =	rddreg [dreg:$0x10];
	[sflag:s8] =	ssyncset.done $0x0  }
0x143: {  	s14 =	rddreg [dreg:$0xf];
	[sflag:s8] =	ssyncadd.s32 $0xFFFFE000;
	s15 =	sadd.s32 s6, s3  }
0x144: {  	[tilespmem:s21], [sflag:$0x3] =	stream.linear.gather [hbm4b:s15+s30], $0x40, $0x38;
	[tilespmem:$0x1C980] =	vst v63  }
0x145: {  	s14 =	sadd.s32 s6, s14  }
0x146: {  	[tilespmem:s18], [sflag:$0x3] =	stream.linear.gather [hbm4b:s14+s30], $0x40, $0x38;
	[tilespmem:$0x1C980] =	vst v63  }
0x147: {  	_ =	swait.ge [sflag:s1], $0x40  }
0x148: {  	[sflag:s1] =	ssyncset.done $0x0  }
0x149: {  	[sflag:s1] =	ssyncadd.s32 $0xFFFFFFC0  }
0x14a: {  	_ =	swait.ge [sflag:s1], $0x40  }
0x14b: {  	[sflag:s1] =	ssyncset.done $0x0  }
0x14c: {  	s3 =	simm.s32 $0xC;
	s15 =	simm.s32 $0x600;
	[sflag:s1] =	ssyncadd.s32 $0xFFFFFFC0  }
0x14d: {  	[tilespmem:s23], [sflag:$0xB] =	stream.indirect.gather [hbm4b:s2+s13], $0x80, s15, s13, $0xb8;
	[tilespmem:$0x1C980] =	vst v63  }
0x14e: {  	_ =	swait.ge [sflag:s3], $0x2000  }
0x14f: {  	[sflag:s3] =	ssyncset.done $0x0  }
0x150: {  	s18 =	simm.s32 $0x380;
	[sflag:s3] =	ssyncadd.s32 $0xFFFFE000  }
0x151: {  	[spmem:s7] =	stream.indirect.scatter.add.f32 [tilespmem:s25], [sflag:$0xE], $0x80, s18, s13, $0xb8;
	[tilespmem:$0x1C980] =	vst v63  }
0x152: {  	_ =	swait.ge [sflag:s8], $0x2000  }
0x153: {  	s20 =	smov.u32 s16;
	s16 =	rddreg [dreg:$0xe];
	[sflag:s8] =	ssyncset.done $0x0  }
0x154: {  	s21 =	rddreg [dreg:$0xd];
	[sflag:s8] =	ssyncadd.s32 $0xFFFFE000;
	s15 =	sadd.s32 s6, s16  }
0x155: {  	[tilespmem:s19], [sflag:$0x4] =	stream.linear.gather [hbm4b:s15+s30], $0x40, $0x38;
	[tilespmem:$0x1C980] =	vst v63  }
0x156: {  	s14 =	sadd.s32 s6, s21  }
0x157: {  	[tilespmem:s18], [sflag:$0x4] =	stream.linear.gather [hbm4b:s14+s30], $0x40, $0x38;
	[tilespmem:$0x1C980] =	vst v63  }
0x158: {  	_ =	swait.ge [sflag:s9], $0x40  }
0x159: {  	[sflag:s9] =	ssyncset.done $0x0  }
0x15a: {  	[sflag:s9] =	ssyncadd.s32 $0xFFFFFFC0  }
0x15b: {  	_ =	swait.ge [sflag:s9], $0x40  }
0x15c: {  	[sflag:s9] =	ssyncset.done $0x0  }
0x15d: {  	s14 =	simm.s32 $0x700;
	[sflag:s9] =	ssyncadd.s32 $0xFFFFFFC0  }
0x15e: {  	[tilespmem:s25], [sflag:$0xC] =	stream.indirect.gather [hbm4b:s2+s13], $0x80, s14, s13, $0xb8;
	[tilespmem:$0x1C980] =	vst v63  }
0x15f: {  	_ =	swait.ge [sflag:s12], $0x2000  }
0x160: {  	[sflag:s12] =	ssyncset.done $0x0  }
0x161: {  	p2 =	seq.s32 s6, $0x480;
	s16 =	simm.s32 $0x480;
	[sflag:s12] =	ssyncadd.s32 $0xFFFFE000  }
0x162: {  	[spmem:s7] =	stream.indirect.scatter.add.f32 [tilespmem:s29], [sflag:$0xE], $0x80, s16, s13, $0xb8;
	[tilespmem:$0x1C980] =	vst v63  }
0x163: {  	s21 =	smov.u32 s17;
	s15 =	simm.s32 @!p2 $0x0;
	_ =	swait.ge [sflag:s8], $0x2000  }
0x164: {  	s18 =	simm.s32 @!p2 $0x400;
	s16 =	rddreg [dreg:$0xc];
	[sflag:s8] =	ssyncset.done $0x0  }
0x165: {  	s17 =	rddreg [dreg:$0xb];
	[sflag:s8] =	ssyncadd.s32 $0xFFFFE000;
	s16 =	sadd.s32 @!p2 s6, s16  }
0x166: {  	[tilespmem:s18], [sflag:$0x5] =	stream.linear.gather @!p2 [hbm4b:s16+s15], $0x40, $0x38;
	[tilespmem:$0x1C980] =	vst v63  }
0x167: {  	s19 =	simm.s32 @!p2 $0x480;
	s16 =	sadd.s32 @!p2 s6, s17  }
0x168: {  	[tilespmem:s19], [sflag:$0x5] =	stream.linear.gather @!p2 [hbm4b:s16+s15], $0x40, $0x38;
	[tilespmem:$0x1C980] =	vst v63  }
0x169: {  	_ =	swait.ge [sflag:s0], $0x40  }
0x16a: {  	[sflag:s0] =	ssyncset.done $0x0  }
0x16b: {  	[sflag:s0] =	ssyncadd.s32 $0xFFFFFFC0  }
0x16c: {  	_ =	swait.ge [sflag:s0], $0x40  }
0x16d: {  	[sflag:s0] =	ssyncset.done $0x0  }
0x16e: {  	[sflag:s0] =	ssyncadd.s32 $0xFFFFFFC0  }
0x16f: {  	[tilespmem:s29], [sflag:$0x9] =	stream.indirect.gather [hbm4b:s2+s13], $0x80, s30, s13, $0xb8;
	[tilespmem:$0x1C980] =	vst v63  }
0x170: {  	_ =	swait.ge [sflag:s26], $0x2000  }
0x171: {  	[sflag:s26] =	ssyncset.done $0x0  }
0x172: {  	s17 =	simm.s32 $0x580;
	[sflag:s26] =	ssyncadd.s32 $0xFFFFE000  }
0x173: {  	[spmem:s7] =	stream.indirect.scatter.add.f32 [tilespmem:s4], [sflag:$0xE], $0x80, s17, s13, $0xb8;
	[tilespmem:$0x1C980] =	vst v63  }
0x174: {  	_ =	swait.ge [sflag:s8], $0x2000  }
0x175: {  	s18 =	simm.s32 @!p2 $0x500;
	s16 =	rddreg [dreg:$0xa];
	[sflag:s8] =	ssyncset.done $0x0  }
0x176: {  	s17 =	rddreg [dreg:$0x9];
	[sflag:s8] =	ssyncadd.s32 $0xFFFFE000;
	s16 =	sadd.s32 @!p2 s6, s16  }
0x177: {  	[tilespmem:s18], [sflag:$0x6] =	stream.linear.gather @!p2 [hbm4b:s16+s15], $0x40, $0x38;
	[tilespmem:$0x1C980] =	vst v63  }
0x178: {  	s19 =	simm.s32 @!p2 $0x580;
	s29 =	simm.s32 $0x2;
	s16 =	sadd.s32 @!p2 s6, s17  }
0x179: {  	[tilespmem:s19], [sflag:$0x6] =	stream.linear.gather @!p2 [hbm4b:s16+s15], $0x40, $0x38;
	[tilespmem:$0x1C980] =	vst v63  }
0x17a: {  	_ =	swait.ge [sflag:s29], $0x40  }
0x17b: {  	[sflag:s29] =	ssyncset.done $0x0  }
0x17c: {  	[sflag:s29] =	ssyncadd.s32 $0xFFFFFFC0  }
0x17d: {  	_ =	swait.ge [sflag:s29], $0x40  }
0x17e: {  	[sflag:s29] =	ssyncset.done $0x0  }
0x17f: {  	s18 =	simm.s32 $0x100;
	[sflag:s29] =	ssyncadd.s32 $0xFFFFFFC0  }
0x180: {  	[tilespmem:s4], [sflag:$0xA] =	stream.indirect.gather [hbm4b:s2+s13], $0x80, s18, s13, $0xb8;
	[tilespmem:$0x1C980] =	vst v63  }
0x181: {  	_ =	swait.ge [sflag:s31], $0x2000  }
0x182: {  	[sflag:s31] =	ssyncset.done $0x0  }
0x183: {  	s19 =	simm.s32 $0x680;
	[sflag:s31] =	ssyncadd.s32 $0xFFFFE000  }
0x184: {  	[spmem:s7] =	stream.indirect.scatter.add.f32 [tilespmem:s23], [sflag:$0xE], $0x80, s19, s13, $0xb8;
	[tilespmem:$0x1C980] =	vst v63  }
0x185: {  	_ =	swait.ge [sflag:s8], $0x2000  }
0x186: {  	s18 =	simm.s32 @!p2 $0x600;
	s16 =	rddreg [dreg:$0x8];
	[sflag:s8] =	ssyncset.done $0x0  }
0x187: {  	s17 =	rddreg [dreg:$0x7];
	[sflag:s8] =	ssyncadd.s32 $0xFFFFE000;
	s16 =	sadd.s32 @!p2 s6, s16  }
0x188: {  	[tilespmem:s18], [sflag:$0x7] =	stream.linear.gather @!p2 [hbm4b:s16+s15], $0x40, $0x38;
	[tilespmem:$0x1C980] =	vst v63  }
0x189: {  	s19 =	simm.s32 @!p2 $0x680;
	s16 =	sadd.s32 @!p2 s6, s17  }
0x18a: {  	[tilespmem:s19], [sflag:$0x7] =	stream.linear.gather @!p2 [hbm4b:s16+s15], $0x40, $0x38;
	[tilespmem:$0x1C980] =	vst v63  }
0x18b: {  	_ =	swait.ge [sflag:s22], $0x40  }
0x18c: {  	[sflag:s22] =	ssyncset.done $0x0  }
0x18d: {  	[sflag:s22] =	ssyncadd.s32 $0xFFFFFFC0  }
0x18e: {  	_ =	swait.ge [sflag:s22], $0x40  }
0x18f: {  	[sflag:s22] =	ssyncset.done $0x0  }
0x190: {  	s26 =	simm.s32 $0x200;
	[sflag:s22] =	ssyncadd.s32 $0xFFFFFFC0  }
0x191: {  	[tilespmem:s23], [sflag:$0xB] =	stream.indirect.gather [hbm4b:s2+s13], $0x80, s26, s13, $0xb8;
	[tilespmem:$0x1C980] =	vst v63  }
0x192: {  	_ =	swait.ge [sflag:s3], $0x2000  }
0x193: {  	[sflag:s3] =	ssyncset.done $0x0  }
0x194: {  	s31 =	simm.s32 $0x780;
	[sflag:s3] =	ssyncadd.s32 $0xFFFFE000  }
0x195: {  	[spmem:s7] =	stream.indirect.scatter.add.f32 [tilespmem:s25], [sflag:$0xE], $0x80, s31, s13, $0xb8;
	[tilespmem:$0x1C980] =	vst v63  }
0x196: {  	s28 =	sadd.s32 $0x40, s28;
	_ =	swait.ge [sflag:s8], $0x2000  }
0x197: {  	s18 =	simm.s32 @!p2 $0x700;
	s16 =	rddreg [dreg:$0x6];
	[sflag:s8] =	ssyncset.done $0x0  }
0x198: {  	s17 =	rddreg [dreg:$0x5];
	[sflag:s8] =	ssyncadd.s32 $0xFFFFE000;
	s16 =	sadd.s32 @!p2 s6, s16  }
0x199: {  	[tilespmem:s18], [sflag:$0x8] =	stream.linear.gather @!p2 [hbm4b:s16+s15], $0x40, $0x38;
	[tilespmem:$0x1C980] =	vst v63  }
0x19a: {  	p1 =	sne.s32 s28, $0x4C0;
	s19 =	simm.s32 @!p2 $0x780;
	s6 =	sadd.s32 @!p2 s6, s17  }
0x19b: {  	[tilespmem:s19], [sflag:$0x8] =	stream.linear.gather @!p2 [hbm4b:s6+s15], $0x40, $0x38;
	[tilespmem:$0x1C980] =	vst v63  }
.Ltmp0:
0x19c: {  	_ =	swait.ge [sflag:s24], $0x40;
	(pc) =	sbr.rel @p1 .LBB2_2-.Ltmp0, $4  }
0x19d: {  	[sflag:s24] =	ssyncset.done $0x0  }
0x19e: {  	s14 =	simm.s32 $0x900;
	s12 =	simm.s32 $0x2900;
	[sflag:s24] =	ssyncadd.s32 $0xFFFFFFC0  }
0x19f: {  	s4 =	simm.s32 $0x4900;
	s17 =	smov.u32 s21;
	_ =	swait.ge [sflag:s24], $0x40  }
0x1a0: {  	s16 =	smov.u32 s20;
	s6 =	simm.s32 $0x4;
	[sflag:s24] =	ssyncset.done $0x0  }
0x1a1: {  	[sflag:s6] =	ssyncadd.s32 $0xFFFFFFC0;
	s0 =	simm.s32 $0x6900  }
0x1a2: {  	s2 =	simm.s32 $0x300;
	s5 =	simm.s32 $0x9;
	s1 =	rddreg [dreg:$0x1]  }
0x1a3: {  	[tilespmem:s0], [sflag:$0xC] =	stream.indirect.gather [hbm4b:s1+s13], $0x80, s2, s13, $0xb8;
	[tilespmem:$0x1C980] =	vst v63  }
0x1a4: {  	_ =	swait.ge [sflag:s5], $0x2000  }
0x1a5: {  	[sflag:s5] =	ssyncset.done $0x0  }
0x1a6: {  	[sflag:s5] =	ssyncadd.s32 $0xFFFFE000  }
0x1a7: {  	s10 =	simm.s32 $0x80;
	s11 =	rddreg [dreg:$0x3]  }
0x1a8: {  	[spmem:s11] =	stream.indirect.scatter.add.f32 [tilespmem:s14], [sflag:$0xE], $0x80, s10, s13, $0xb8;
	[tilespmem:$0x1C980] =	vst v63  }
0x1a9: {  	_ =	swait.ge [sflag:s8], $0x2000  }
0x1aa: {  	[sflag:s8] =	ssyncset.done $0x0  }
0x1ab: {  	s15 =	simm.s32 $0xA;
	[sflag:s8] =	ssyncadd.s32 $0xFFFFE000  }
0x1ac: {  	_ =	swait.ge [sflag:s15], $0x2000  }
0x1ad: {  	[sflag:s15] =	ssyncset.done $0x0  }
0x1ae: {  	s18 =	simm.s32 $0x180;
	[sflag:s15] =	ssyncadd.s32 $0xFFFFE000  }
0x1af: {  	[spmem:s11] =	stream.indirect.scatter.add.f32 [tilespmem:s12], [sflag:$0xE], $0x80, s18, s13, $0xb8;
	[tilespmem:$0x1C980] =	vst v63  }
0x1b0: {  	_ =	swait.ge [sflag:s8], $0x2000  }
0x1b1: {  	[sflag:s8] =	ssyncset.done $0x0  }
0x1b2: {  	s19 =	simm.s32 $0xB;
	[sflag:s8] =	ssyncadd.s32 $0xFFFFE000  }
0x1b3: {  	_ =	swait.ge [sflag:s19], $0x2000  }
0x1b4: {  	[sflag:s19] =	ssyncset.done $0x0  }
0x1b5: {  	s20 =	simm.s32 $0x280;
	[sflag:s19] =	ssyncadd.s32 $0xFFFFE000  }
0x1b6: {  	[spmem:s11] =	stream.indirect.scatter.add.f32 [tilespmem:s4], [sflag:$0xE], $0x80, s20, s13, $0xb8;
	[tilespmem:$0x1C980] =	vst v63  }
0x1b7: {  	_ =	swait.ge [sflag:s8], $0x2000  }
0x1b8: {  	[sflag:s8] =	ssyncset.done $0x0  }
0x1b9: {  	s21 =	simm.s32 $0xC;
	[sflag:s8] =	ssyncadd.s32 $0xFFFFE000  }
0x1ba: {  	_ =	swait.ge [sflag:s21], $0x2000  }
0x1bb: {  	[sflag:s21] =	ssyncset.done $0x0  }
0x1bc: {  	s22 =	simm.s32 $0x380;
	[sflag:s21] =	ssyncadd.s32 $0xFFFFE000  }
0x1bd: {  	[spmem:s11] =	stream.indirect.scatter.add.f32 [tilespmem:s0], [sflag:$0xE], $0x80, s22, s13, $0xb8;
	[tilespmem:$0x1C980] =	vst v63  }
0x1be: {  	_ =	swait.ge [sflag:s8], $0x2000  }
0x1bf: {  	[sflag:s8] =	ssyncset.done $0x0  }
0x1c0: {  	s19 =	simm.s32 $0xD;
	[sflag:s8] =	ssyncadd.s32 $0xFFFFE000  }
0x1c1: {  	_ =	swait.ge [sflag:s19], $0x800  }
0x1c2: {  	s18 =	simm.s32 $0x880;
	[sflag:s19] =	ssyncset.done $0x0  }
0x1c3: {  	s20 =	simm.s32 $0x10;
	s21 =	simm.s32 $0x8900;
	[sflag:s19] =	ssyncadd.s32 $0xFFFFF800  }
0x1c4: {  	[spmem:s11] =	stream.indirect.scatter.add.f32 [tilespmem:s21], [sflag:$0xE], $0x80, s18, s20, $0xb8;
	[tilespmem:$0x1C980] =	vst v63  }
0x1c5: {  	_ =	swait.ge [sflag:s8], $0x800  }
0x1c6: {  	[sflag:s8] =	ssyncset.done $0x0  }
0x1c7: {  	[sflag:s8] =	ssyncadd.s32 $0xFFFFF800  }
0x1c8: {  	[bflag:$0x0] =	sbarrier.arrive $0xFFFF  }
0x1c9: {  	s24 =	sld [smem:$0x7EE]  }
0x1ca: {  	s15 =	rddreg [dreg:$0x15]  }
0x1cb: {  	s23 =	rddreg [dreg:$0x1f]  }
0x1cc: {  	[hbm:s23], [sflag:s15] =	dma.local [spmem:s24], $0x2700  }
0x1cd: {  	_ =	swait.ge [sflag:s8], $0x2700  }
0x1ce: {  	s5 =	sld [smem:$0x7FA]  }
0x1cf: {  	s0 =	sld [smem:$0x7EF]  }
0x1d0: {  	[sflag:s8] =	ssyncset.done $0x0  }
0x1d1: {  	[sflag:s8] =	ssyncadd.s32 $0xFFFFD900  }
0x1d2: {  	[hbm:s5], [sflag:s15] =	dma.local @!p0 [spmem:s0], $0x100  }
0x1d3: {  	s5 =	simm.s32 @!p0 $0xE  }
0x1d4: {  	_ =	swait.ge @!p0 [sflag:s5], $0x100  }
0x1d5: {  	s25 =	sld [smem:$0x7ED]  }
0x1d6: {  	s26 =	sld [smem:$0x7FB];
	_ =	sdelay $0x1  }
0x1d7: {  	s4 =	sadd.s32 $0x1, s25  }
0x1d8: {  	p1 =	sne.s32 s4, s26  }
.Ltmp1:
0x1d9: {  	_ = 	snop;
	(pc) =	sbr.rel @p1 .LBB2_1-.Ltmp1, $4  }
0x1da: {  	s3 =	simm.s32 $0x100;
	s31 =	simm.s32 $0x200;
	s28 =	simm.s32 $0x400  }
0x1db: {  	s1 =	simm.s32 $0x7;
	s2 =	simm.s32 $0x0;
	s10 =	simm.s32 $0x5  }
0x1dc: {  	s12 =	simm.s32 $0x3;
	s11 =	simm.s32 $0x6;
	[sflag:s5] =	ssyncset.done @!p0 $0x0  }
0x1dd: {  	s0 =	simm.s32 $0x1;
	[sflag:s5] =	ssyncadd.s32 @!p0 $0xFFFFFF00;
	s26 =	simm.s32 $0x8  }
0x1de: {  	_ =	sfence.sel $0x180000  }
0x1df: {  	[bflag:$0x0] =	sbarrier.arrive $0xFFFF  }
0x1e0: {  	_ =	strace $0x90000047  }
0x1e1: {  	s0 =	stileid.u32;
	[bflag:$0x2] =	sbarrier.arrive $0xFFFF  }
0x1e2: {  	p0 =	sne.s32 s0, $0x0;
	s0 =	rddreg [dreg:$0x4]  }
0x1e3: {  	s0 =	sadd.s32 @!p0 $0x100000, s0  }
0x1e4: {  	[sflag:s0] =	ssyncadd.tile.s32 @!p0 $0x1;
	_ =	shalt  }
.Lfunc_end2:
_tile_overlayer_lowered:
.L_overlay_start_2:
0x1e5: {  	(tag) =	ssettag $0x2  }
0x1e6: {  	s0 =	rddreg [dreg:$0x0];
	s2 =	stileid.u32  }
0x1e7: {  	s1 =	rddreg [dreg:$0x1];
	p0 =	sne.s32 s2, $0x0  }
0x1e8: {  	s3 =	rddreg [dreg:$0x2];
	[bflag:$0x3] =	sbarrier.arrive $0xFFFF;
	s2 =	simm.s32 @!p0 $0x1C0E  }
0x1e9: {  	[timem:s3], [sflag:s2] =	dma.local @!p0 [hbm:s0], s1  }
0x1ea: {  	s0 =	simm.s32 @!p0 $0xE  }
0x1eb: {  	_ =	swait.ge @!p0 [sflag:s0], s1  }
0x1ec: {  	s1 =	ssub.s32 @!p0 $0x0, s1;
	[sflag:s0] =	ssyncset.done @!p0 $0x0  }
0x1ed: {  	[sflag:s0] =	ssyncadd.s32 @!p0 s1  }
0x1ee: {  	[bflag:$0x3] =	sbarrier.arrive $0xFFFF  }
0x1ef: {  	_ =	shalt  }

</sc_bundles>
